<compile_context>
chip_gen: v7x
topology: tpu7x:2x2x1
jax: 0.10.2.dev20260603
libtpu: 0.0.44.dev20260713+nightly
codegen_flags: <defaults>
</compile_context>

<pallas_src>
import functools

import jax
import jax.numpy as jnp
from jax import lax
from jax.experimental import pallas as pl
from jax.experimental.pallas import tpu as pltpu
from jax.experimental.pallas import tpu_sc as plsc

B = 2048
K = 1024
D = 128

NC = 2
NS = 16
L = 16
NW = NC * NS
BPW = B // NW


def _tc_top2_body(w_ref, x_ref, i1_ref, i2_ref):
    w = w_ref[...]
    x = x_ref[...]
    wn = jnp.sum(w * w, axis=1, keepdims=True)
    xw = lax.dot_general(
        w, x,
        dimension_numbers=(((1,), (1,)), ((), ())),
        preferred_element_type=jnp.float32,
        precision=lax.Precision.HIGHEST,
    )
    s = 0.5 * wn - xw
    i1 = jnp.argmin(s, axis=0).astype(jnp.int32)
    io = lax.broadcasted_iota(jnp.int32, s.shape, 0)
    s2 = jnp.where(io == i1[None, :], jnp.inf, s)
    i2 = jnp.argmin(s2, axis=0).astype(jnp.int32)
    i1_ref[...] = i1
    i2_ref[...] = i2


def _tc_top2(weights, inputs):
    return pl.pallas_call(
        _tc_top2_body,
        out_shape=[
            jax.ShapeDtypeStruct((B,), jnp.int32),
            jax.ShapeDtypeStruct((B,), jnp.int32),
        ],
    )(weights, inputs)


def _sc_refine_body(x_hbm, w_hbm, grid_hbm, i1_hbm, i2_hbm, out_hbm,
                    idx1_v, idx2_v, x_v, w1_v, w2_v, grid_v, out_v,
                    sem_idx, sem):
    wid = lax.axis_index("s") * NC + lax.axis_index("c")
    base = wid * BPW
    a1 = pltpu.async_copy(i1_hbm.at[pl.ds(base, BPW)], idx1_v, sem_idx)
    a2 = pltpu.async_copy(i2_hbm.at[pl.ds(base, BPW)], idx2_v, sem_idx)
    a3 = pltpu.async_copy(grid_hbm, grid_v, sem)
    a4 = pltpu.async_copy(x_hbm.at[pl.ds(base, BPW)], x_v, sem)
    a1.wait()
    a2.wait()
    c1 = pltpu.async_copy(w_hbm.at[idx1_v], w1_v, sem)
    c2 = pltpu.async_copy(w_hbm.at[idx2_v], w2_v, sem)
    a3.wait()
    a4.wait()
    c1.wait()
    c2.wait()

    NACC = 8
    zero = jnp.zeros((L,), jnp.float32)
    zeros_i = jnp.zeros((L,), jnp.int32)
    ones_i = zeros_i + 1
    stag = (9 * lax.iota(jnp.int32, L)) % D
    for g in range(BPW // L):
        rows = lax.iota(jnp.int32, L) + g * L
        i1v = idx1_v[pl.ds(g * L, L)]
        i2v = idx2_v[pl.ds(g * L, L)]

        def body(step, carry):
            acc1 = list(carry[:NACC])
            acc2 = list(carry[NACC:])
            t0 = step * NACC
            for u in range(NACC):
                tv = stag + (t0 + u)
                tv = jnp.where(tv >= D, tv - D, tv)
                xv = plsc.load_gather(x_v, [rows, tv])
                w1 = plsc.load_gather(w1_v, [rows, tv])
                w2 = plsc.load_gather(w2_v, [rows, tv])
                d1 = xv - w1
                d2 = xv - w2
                acc1[u] = acc1[u] + d1 * d1
                acc2[u] = acc2[u] + d2 * d2
            return tuple(acc1) + tuple(acc2)

        accs = lax.fori_loop(0, D // NACC, body, (zero,) * (2 * NACC),
                             unroll=2)
        acc1 = list(accs[:NACC])
        acc2 = list(accs[NACC:])
        step = NACC
        while step > 1:
            step //= 2
            for u in range(step):
                acc1[u] = acc1[u] + acc1[u + step]
                acc2[u] = acc2[u] + acc2[u + step]
        d1 = acc1[0]
        d2 = acc2[0]
        take2 = (d2 < d1) | ((d2 == d1) & (i2v < i1v))
        win = jnp.where(take2, i2v, i1v)
        gx = plsc.load_gather(grid_v, [win, zeros_i])
        gy = plsc.load_gather(grid_v, [win, ones_i])
        plsc.store_scatter(out_v, [rows, zeros_i], gx)
        plsc.store_scatter(out_v, [rows, ones_i], gy)

    pltpu.sync_copy(out_v, out_hbm.at[pl.ds(base, BPW)])


@functools.cache
def _sc_refine():
    return pl.kernel(
        _sc_refine_body,
        mesh=plsc.VectorSubcoreMesh(
            core_axis_name="c", subcore_axis_name="s",
            num_cores=NC, num_subcores=NS,
        ),
        compiler_params=pltpu.CompilerParams(
            needs_layout_passes=False, use_tc_tiling_on_sc=False,
        ),
        out_type=jax.ShapeDtypeStruct((B, 2), jnp.int32),
        scratch_types=[
            pltpu.VMEM((BPW,), jnp.int32),
            pltpu.VMEM((BPW,), jnp.int32),
            pltpu.VMEM((BPW, D), jnp.float32),
            pltpu.VMEM((BPW, D), jnp.float32),
            pltpu.VMEM((BPW, D), jnp.float32),
            pltpu.VMEM((K, 2), jnp.int32),
            pltpu.VMEM((BPW, 2), jnp.int32),
            pltpu.SemaphoreType.DMA,
            pltpu.SemaphoreType.DMA,
        ],
    )


def kernel(inputs, weights, grid):
    i1, i2 = _tc_top2(weights, inputs)
    return _sc_refine()(inputs, weights, grid, i1, i2)

# --- scband reference (transcript-rebuilt; emitter-appended) ---
"""Pipeline reference for scband-som2-d-3375844294845 (READ-ONLY COPY).

The authoritative reference and input builder live on the scoring server;
editing this copy changes nothing except your own understanding.
"""

import jax, jax.numpy as jnp
import numpy as np

SOM_SHAPE = (32, 32)
INPUT_DIM = 128
BATCH = 2048


def sed(x, y):
    """Squared Euclidean distance between every row of x and every row of y."""
    expanded_x = x[:, None, :]
    batchwise_difference = y - expanded_x
    differences_raised = jnp.power(batchwise_difference, 2)
    distances = jnp.sum(differences_raised, axis=2)
    return distances


def wtac(distances, labels):
    """Winner-takes-all competition: index of min distance, mapped to grid labels."""
    winning_indices = jnp.argmin(distances, axis=1)
    winning_labels = labels[winning_indices].squeeze()
    return winning_labels


def setup_inputs(seed: int = 0) -> dict:
    key = jax.random.key(seed)
    k_in, k_w = jax.random.split(key)
    inputs = jax.random.normal(k_in, (BATCH, INPUT_DIM), dtype=jnp.float32)
    # SOM parameters: weights ~ U[0,1) as in torch.rand, and the 2D grid coordinates.
    size = SOM_SHAPE[0] * SOM_SHAPE[1]
    weights = jax.random.uniform(k_w, (size, INPUT_DIM), dtype=jnp.float32)
    x = jnp.arange(SOM_SHAPE[0])
    y = jnp.arange(SOM_SHAPE[1])
    grid = jnp.stack(jnp.meshgrid(x, y, indexing="ij"), axis=-1).reshape(-1, 2)
    return {"inputs": inputs, "weights": weights, "grid": grid}


def reference(inputs, weights, grid):
    # SOM2D.competition(inputs): full pairwise squared-distance matrix [B, K],
    # then winner-takes-all lookup of the 2D grid coordinate of the BMU.
    d = sed(inputs, weights)
    winning_labels = wtac(d, grid)
    return winning_labels

if __name__ == "__main__":
    import jax
    _d = setup_inputs()
    print(jax.jit(kernel)(*tuple(_d.values())))

</pallas_src>

<mosaic_0001>
#map = affine_map<(d0, d1) -> (0, 0)>
#map1 = affine_map<(d0, d1) -> (0)>
module attributes {stable_mosaic.version = 14 : i64} {
  func.func @_sc_refine_body(%arg0: i32, %arg1: i32, %arg2: memref<2048x128xf32, #tpu.memory_space<hbm>>, %arg3: memref<1024x128xf32, #tpu.memory_space<hbm>>, %arg4: memref<1024x2xi32, #tpu.memory_space<hbm>>, %arg5: memref<2048xi32, #tpu.memory_space<hbm>>, %arg6: memref<2048xi32, #tpu.memory_space<hbm>>, %arg7: memref<2048x2xi32, #tpu.memory_space<hbm>>, %arg8: memref<64xi32, #tpu.memory_space<vmem>>, %arg9: memref<64xi32, #tpu.memory_space<vmem>>, %arg10: memref<64x128xf32, #tpu.memory_space<vmem>>, %arg11: memref<64x128xf32, #tpu.memory_space<vmem>>, %arg12: memref<64x128xf32, #tpu.memory_space<vmem>>, %arg13: memref<1024x2xi32, #tpu.memory_space<vmem>>, %arg14: memref<64x2xi32, #tpu.memory_space<vmem>>, %arg15: memref<!tpu.dma_semaphore, #tpu.memory_space<semaphore_mem>>, %arg16: memref<!tpu.dma_semaphore, #tpu.memory_space<semaphore_mem>>) attributes {dimension_semantics = [#tpu.dimension_semantics<core_parallel>, #tpu.dimension_semantics<subcore_parallel>], iteration_bounds = array<i64: 2, 16>, scalar_prefetch = 0 : i64, scratch_operands = 9 : i64, tpu.core_type = #tpu.core_type<sc_vector_subcore>, window_params = [{transform_indices = #map}, {transform_indices = #map}, {transform_indices = #map}, {transform_indices = #map1}, {transform_indices = #map1}, {transform_indices = #map}]} {
    %mul3A = arith.constant 2 : i32
    %mul3A_0 = arith.muli %arg1, %mul3A : i32
    %add3A = arith.addi %mul3A_0, %arg0 : i32
    %mul3A_1 = arith.constant 64 : i32
    %mul3A_2 = arith.muli %add3A, %mul3A_1 : i32
    %dma_start3A = tpu.memref_slice %arg5[%mul3A_2] : memref<2048xi32, #tpu.memory_space<hbm>> -> memref<64xi32, #tpu.memory_space<hbm>>
    %dma_start3A_3 = tpu.memref_slice %arg5[%mul3A_2] : memref<2048xi32, #tpu.memory_space<hbm>> -> memref<64xi32, #tpu.memory_space<hbm>>
    tpu.enqueue_dma source(%dma_start3A_3 : memref<64xi32, #tpu.memory_space<hbm>>) target(%arg8 : memref<64xi32, #tpu.memory_space<vmem>>) target_semaphore(%arg15 : memref<!tpu.dma_semaphore, #tpu.memory_space<semaphore_mem>>)
    %dma_start3A_4 = tpu.memref_slice %arg6[%mul3A_2] : memref<2048xi32, #tpu.memory_space<hbm>> -> memref<64xi32, #tpu.memory_space<hbm>>
    %dma_start3A_5 = tpu.memref_slice %arg6[%mul3A_2] : memref<2048xi32, #tpu.memory_space<hbm>> -> memref<64xi32, #tpu.memory_space<hbm>>
    tpu.enqueue_dma source(%dma_start3A_5 : memref<64xi32, #tpu.memory_space<hbm>>) target(%arg9 : memref<64xi32, #tpu.memory_space<vmem>>) target_semaphore(%arg15 : memref<!tpu.dma_semaphore, #tpu.memory_space<semaphore_mem>>)
    tpu.enqueue_dma source(%arg4 : memref<1024x2xi32, #tpu.memory_space<hbm>>) target(%arg13 : memref<1024x2xi32, #tpu.memory_space<vmem>>) target_semaphore(%arg16 : memref<!tpu.dma_semaphore, #tpu.memory_space<semaphore_mem>>)
    %dma_start3A_6 = arith.constant 0 : i32
    %dma_start3A_7 = tpu.memref_slice %arg2[%mul3A_2, %dma_start3A_6] : memref<2048x128xf32, #tpu.memory_space<hbm>> -> memref<64x128xf32, #tpu.memory_space<hbm>>
    %dma_start3A_8 = arith.constant 0 : i32
    %dma_start3A_9 = tpu.memref_slice %arg2[%mul3A_2, %dma_start3A_8] : memref<2048x128xf32, #tpu.memory_space<hbm>> -> memref<64x128xf32, #tpu.memory_space<hbm>>
    tpu.enqueue_dma source(%dma_start3A_9 : memref<64x128xf32, #tpu.memory_space<hbm>>) target(%arg10 : memref<64x128xf32, #tpu.memory_space<vmem>>) target_semaphore(%arg16 : memref<!tpu.dma_semaphore, #tpu.memory_space<semaphore_mem>>)
    %dma_wait3A = tpu.memref_slice %arg5[%mul3A_2] : memref<2048xi32, #tpu.memory_space<hbm>> -> memref<64xi32, #tpu.memory_space<hbm>>
    %dma_wait3A_10 = tpu.memref_slice %arg5[%mul3A_2] : memref<2048xi32, #tpu.memory_space<hbm>> -> memref<64xi32, #tpu.memory_space<hbm>>
    tpu.wait_dma2 semaphore(%arg15 : memref<!tpu.dma_semaphore, #tpu.memory_space<semaphore_mem>>) src(%dma_wait3A_10 : memref<64xi32, #tpu.memory_space<hbm>>) dst(%arg8 : memref<64xi32, #tpu.memory_space<vmem>>)
    %dma_wait3A_11 = tpu.memref_slice %arg6[%mul3A_2] : memref<2048xi32, #tpu.memory_space<hbm>> -> memref<64xi32, #tpu.memory_space<hbm>>
    %dma_wait3A_12 = tpu.memref_slice %arg6[%mul3A_2] : memref<2048xi32, #tpu.memory_space<hbm>> -> memref<64xi32, #tpu.memory_space<hbm>>
    tpu.wait_dma2 semaphore(%arg15 : memref<!tpu.dma_semaphore, #tpu.memory_space<semaphore_mem>>) src(%dma_wait3A_12 : memref<64xi32, #tpu.memory_space<hbm>>) dst(%arg9 : memref<64xi32, #tpu.memory_space<vmem>>)
    %dma_start3A_13 = arith.constant 0 : i32
    %dma_start3A_14 = arith.constant 0 : i32
    %dma_start3A_15 = tpu.memref_slice %arg3[%dma_start3A_13, %dma_start3A_14] : memref<1024x128xf32, #tpu.memory_space<hbm>> -> memref<1024x128xf32, #tpu.memory_space<hbm>>
    tpu.enqueue_indirect_dma source(%dma_start3A_15 : memref<1024x128xf32, #tpu.memory_space<hbm>>) target(%arg11 : memref<64x128xf32, #tpu.memory_space<vmem>>) offsets(%arg8 : memref<64xi32, #tpu.memory_space<vmem>>) semaphore(%arg16 : memref<!tpu.dma_semaphore, #tpu.memory_space<semaphore_mem>>)
    %dma_start3A_16 = arith.constant 0 : i32
    %dma_start3A_17 = arith.constant 0 : i32
    %dma_start3A_18 = tpu.memref_slice %arg3[%dma_start3A_16, %dma_start3A_17] : memref<1024x128xf32, #tpu.memory_space<hbm>> -> memref<1024x128xf32, #tpu.memory_space<hbm>>
    tpu.enqueue_indirect_dma source(%dma_start3A_18 : memref<1024x128xf32, #tpu.memory_space<hbm>>) target(%arg12 : memref<64x128xf32, #tpu.memory_space<vmem>>) offsets(%arg9 : memref<64xi32, #tpu.memory_space<vmem>>) semaphore(%arg16 : memref<!tpu.dma_semaphore, #tpu.memory_space<semaphore_mem>>)
    tpu.wait_dma2 semaphore(%arg16 : memref<!tpu.dma_semaphore, #tpu.memory_space<semaphore_mem>>) src(%arg4 : memref<1024x2xi32, #tpu.memory_space<hbm>>) dst(%arg13 : memref<1024x2xi32, #tpu.memory_space<vmem>>)
    %dma_wait3A_19 = arith.constant 0 : i32
    %dma_wait3A_20 = tpu.memref_slice %arg2[%mul3A_2, %dma_wait3A_19] : memref<2048x128xf32, #tpu.memory_space<hbm>> -> memref<64x128xf32, #tpu.memory_space<hbm>>
    %dma_wait3A_21 = arith.constant 0 : i32
    %dma_wait3A_22 = tpu.memref_slice %arg2[%mul3A_2, %dma_wait3A_21] : memref<2048x128xf32, #tpu.memory_space<hbm>> -> memref<64x128xf32, #tpu.memory_space<hbm>>
    tpu.wait_dma2 semaphore(%arg16 : memref<!tpu.dma_semaphore, #tpu.memory_space<semaphore_mem>>) src(%dma_wait3A_22 : memref<64x128xf32, #tpu.memory_space<hbm>>) dst(%arg10 : memref<64x128xf32, #tpu.memory_space<vmem>>)
    %dma_wait3A_23 = arith.constant 0 : i32
    %dma_wait3A_24 = arith.constant 0 : i32
    %dma_wait3A_25 = tpu.memref_slice %arg3[%dma_wait3A_23, %dma_wait3A_24] : memref<1024x128xf32, #tpu.memory_space<hbm>> -> memref<1024x128xf32, #tpu.memory_space<hbm>>
    tpu.wait_indirect_dma semaphore(%arg16 : memref<!tpu.dma_semaphore, #tpu.memory_space<semaphore_mem>>) src(%dma_wait3A_25 : memref<1024x128xf32, #tpu.memory_space<hbm>>) dst(%arg11 : memref<64x128xf32, #tpu.memory_space<vmem>>)
    %dma_wait3A_26 = arith.constant 0 : i32
    %dma_wait3A_27 = arith.constant 0 : i32
    %dma_wait3A_28 = tpu.memref_slice %arg3[%dma_wait3A_26, %dma_wait3A_27] : memref<1024x128xf32, #tpu.memory_space<hbm>> -> memref<1024x128xf32, #tpu.memory_space<hbm>>
    tpu.wait_indirect_dma semaphore(%arg16 : memref<!tpu.dma_semaphore, #tpu.memory_space<semaphore_mem>>) src(%dma_wait3A_28 : memref<1024x128xf32, #tpu.memory_space<hbm>>) dst(%arg12 : memref<64x128xf32, #tpu.memory_space<vmem>>)
    %broadcast_in_dim3A = arith.constant 0.000000e+00 : f32
    %broadcast_in_dim3A_29 = vector.broadcast %broadcast_in_dim3A : f32 to vector<16xf32>
    %broadcast_in_dim3A_30 = arith.constant 0 : i32
    %broadcast_in_dim3A_31 = vector.broadcast %broadcast_in_dim3A_30 : i32 to vector<16xi32>
    %add3A_32 = arith.constant 1 : i32
    %add3A_33 = vector.broadcast %add3A_32 : i32 to vector<16xi32>
    %add3A_34 = arith.addi %broadcast_in_dim3A_31, %add3A_33 : vector<16xi32>
    %iota3A = tpu.iota {dimensions = array<i32: 0>} : vector<16xi32>
    %mul3A_35 = arith.constant 9 : i32
    %mul3A_36 = vector.broadcast %mul3A_35 : i32 to vector<16xi32>
    %mul3A_37 = arith.muli %mul3A_36, %iota3A : vector<16xi32>
    %jit3A = arith.constant 128 : i32
    %eq3A = arith.constant 0 : i32
    %eq3A_38 = arith.cmpi eq, %jit3A, %eq3A : i32
    %jit3A_39 = arith.constant 1 : i32
    %select_n3A = arith.select %eq3A_38, %jit3A_39, %jit3A : i32
    %rem3A = vector.broadcast %select_n3A : i32 to vector<16xi32>
    %rem3A_40 = arith.remsi %mul3A_37, %rem3A : vector<16xi32>
    %ne3A = arith.constant 0 : i32
    %ne3A_41 = vector.broadcast %ne3A : i32 to vector<16xi32>
    %ne3A_42 = arith.cmpi ne, %rem3A_40, %ne3A_41 : vector<16xi32>
    %lt3A = arith.constant 0 : i32
    %lt3A_43 = vector.broadcast %lt3A : i32 to vector<16xi32>
    %lt3A_44 = arith.cmpi slt, %rem3A_40, %lt3A_43 : vector<16xi32>
    %lt3A_45 = arith.constant 0 : i32
    %lt3A_46 = arith.cmpi slt, %select_n3A, %lt3A_45 : i32
    %ne3A_47 = vector.broadcast %lt3A_46 : i1 to vector<16xi1>
    %ne3A_48 = vector.broadcast %ne3A_47 : vector<16xi1> to vector<16xi1>
    %ne3A_49 = arith.xori %lt3A_44, %ne3A_48 : vector<16xi1>
    %and3A = arith.andi %ne3A_49, %ne3A_42 : vector<16xi1>
    %add3A_50 = vector.broadcast %select_n3A : i32 to vector<16xi32>
    %add3A_51 = arith.addi %rem3A_40, %add3A_50 : vector<16xi32>
    %select_n3A_52 = arith.select %and3A, %add3A_51, %rem3A_40 : vector<16xi1>, vector<16xi32>
    %iota3A_53 = tpu.iota {dimensions = array<i32: 0>} : vector<16xi32>
    %add3A_54 = arith.constant 0 : i32
    %add3A_55 = vector.broadcast %add3A_54 : i32 to vector<16xi32>
    %add3A_56 = arith.addi %iota3A_53, %add3A_55 : vector<16xi32>
    %get3A = arith.constant 0 : index
    %get3A_57 = tpu.vector_load %arg8[%get3A] {strides = array<i32>} : memref<64xi32, #tpu.memory_space<vmem>>, vector<16xi32>,
    %get3A_58 = arith.constant 0 : index
    %get3A_59 = tpu.vector_load %arg9[%get3A_58] {strides = array<i32>} : memref<64xi32, #tpu.memory_space<vmem>>, vector<16xi32>,
    %scan3A = arith.constant 0 : i32
    %scan3A_60 = arith.constant 16 : i32
    %scan3A_61 = arith.addi %scan3A, %scan3A_60 : i32
    %scan3A_62 = arith.constant 2 : i32
    %scan3A_63:16 = scf.for %scan3A_193 = %scan3A to %scan3A_61 step %scan3A_62 iter_args(%scan3A_194 = %broadcast_in_dim3A_29, %scan3A_195 = %broadcast_in_dim3A_29, %scan3A_196 = %broadcast_in_dim3A_29, %scan3A_197 = %broadcast_in_dim3A_29, %scan3A_198 = %broadcast_in_dim3A_29, %scan3A_199 = %broadcast_in_dim3A_29, %scan3A_200 = %broadcast_in_dim3A_29, %scan3A_201 = %broadcast_in_dim3A_29, %scan3A_202 = %broadcast_in_dim3A_29, %scan3A_203 = %broadcast_in_dim3A_29, %scan3A_204 = %broadcast_in_dim3A_29, %scan3A_205 = %broadcast_in_dim3A_29, %scan3A_206 = %broadcast_in_dim3A_29, %scan3A_207 = %broadcast_in_dim3A_29, %scan3A_208 = %broadcast_in_dim3A_29, %scan3A_209 = %broadcast_in_dim3A_29) -> (vector<16xf32>, vector<16xf32>, vector<16xf32>, vector<16xf32>, vector<16xf32>, vector<16xf32>, vector<16xf32>, vector<16xf32>, vector<16xf32>, vector<16xf32>, vector<16xf32>, vector<16xf32>, vector<16xf32>, vector<16xf32>, vector<16xf32>, vector<16xf32>)  : i32 {
      %mul3A_210 = arith.constant 8 : i32
      %mul3A_211 = arith.muli %scan3A_193, %mul3A_210 : i32
      %add3A_212 = arith.constant 0 : i32
      %add3A_213 = arith.addi %mul3A_211, %add3A_212 : i32
      %add3A_214 = vector.broadcast %add3A_213 : i32 to vector<16xi32>
      %add3A_215 = arith.addi %select_n3A_52, %add3A_214 : vector<16xi32>
      %ge3A = arith.constant 128 : i32
      %ge3A_216 = vector.broadcast %ge3A : i32 to vector<16xi32>
      %ge3A_217 = arith.cmpi sge, %add3A_215, %ge3A_216 : vector<16xi32>
      %sub3A = arith.constant 128 : i32
      %sub3A_218 = vector.broadcast %sub3A : i32 to vector<16xi32>
      %sub3A_219 = arith.subi %add3A_215, %sub3A_218 : vector<16xi32>
      %select_n3A_220 = arith.select %ge3A_217, %sub3A_219, %add3A_215 : vector<16xi1>, vector<16xi32>
      %gather3A_221 = tpu.vector_load_idx %arg10[%add3A_56, %select_n3A_220] : memref<64x128xf32, #tpu.memory_space<vmem>>[vector<16xi32>, vector<16xi32>], vector<16xf32>,
      %gather3A_222 = tpu.vector_load_idx %arg11[%add3A_56, %select_n3A_220] : memref<64x128xf32, #tpu.memory_space<vmem>>[vector<16xi32>, vector<16xi32>], vector<16xf32>,
      %gather3A_223 = tpu.vector_load_idx %arg12[%add3A_56, %select_n3A_220] : memref<64x128xf32, #tpu.memory_space<vmem>>[vector<16xi32>, vector<16xi32>], vector<16xf32>,
      %sub3A_224 = arith.subf %gather3A_221, %gather3A_222 : vector<16xf32>
      %sub3A_225 = arith.subf %gather3A_221, %gather3A_223 : vector<16xf32>
      %mul3A_226 = arith.mulf %sub3A_224, %sub3A_224 : vector<16xf32>
      %add3A_227 = arith.addf %scan3A_194, %mul3A_226 : vector<16xf32>
      %mul3A_228 = arith.mulf %sub3A_225, %sub3A_225 : vector<16xf32>
      %add3A_229 = arith.addf %scan3A_202, %mul3A_228 : vector<16xf32>
      %add3A_230 = arith.constant 1 : i32
      %add3A_231 = arith.addi %mul3A_211, %add3A_230 : i32
      %add3A_232 = vector.broadcast %add3A_231 : i32 to vector<16xi32>
      %add3A_233 = arith.addi %select_n3A_52, %add3A_232 : vector<16xi32>
      %ge3A_234 = arith.constant 128 : i32
      %ge3A_235 = vector.broadcast %ge3A_234 : i32 to vector<16xi32>
      %ge3A_236 = arith.cmpi sge, %add3A_233, %ge3A_235 : vector<16xi32>
      %sub3A_237 = arith.constant 128 : i32
      %sub3A_238 = vector.broadcast %sub3A_237 : i32 to vector<16xi32>
      %sub3A_239 = arith.subi %add3A_233, %sub3A_238 : vector<16xi32>
      %select_n3A_240 = arith.select %ge3A_236, %sub3A_239, %add3A_233 : vector<16xi1>, vector<16xi32>
      %gather3A_241 = tpu.vector_load_idx %arg10[%add3A_56, %select_n3A_240] : memref<64x128xf32, #tpu.memory_space<vmem>>[vector<16xi32>, vector<16xi32>], vector<16xf32>,
      %gather3A_242 = tpu.vector_load_idx %arg11[%add3A_56, %select_n3A_240] : memref<64x128xf32, #tpu.memory_space<vmem>>[vector<16xi32>, vector<16xi32>], vector<16xf32>,
      %gather3A_243 = tpu.vector_load_idx %arg12[%add3A_56, %select_n3A_240] : memref<64x128xf32, #tpu.memory_space<vmem>>[vector<16xi32>, vector<16xi32>], vector<16xf32>,
      %sub3A_244 = arith.subf %gather3A_241, %gather3A_242 : vector<16xf32>
      %sub3A_245 = arith.subf %gather3A_241, %gather3A_243 : vector<16xf32>
      %mul3A_246 = arith.mulf %sub3A_244, %sub3A_244 : vector<16xf32>
      %add3A_247 = arith.addf %scan3A_195, %mul3A_246 : vector<16xf32>
      %mul3A_248 = arith.mulf %sub3A_245, %sub3A_245 : vector<16xf32>
      %add3A_249 = arith.addf %scan3A_203, %mul3A_248 : vector<16xf32>
      %add3A_250 = arith.constant 2 : i32
      %add3A_251 = arith.addi %mul3A_211, %add3A_250 : i32
      %add3A_252 = vector.broadcast %add3A_251 : i32 to vector<16xi32>
      %add3A_253 = arith.addi %select_n3A_52, %add3A_252 : vector<16xi32>
      %ge3A_254 = arith.constant 128 : i32
      %ge3A_255 = vector.broadcast %ge3A_254 : i32 to vector<16xi32>
      %ge3A_256 = arith.cmpi sge, %add3A_253, %ge3A_255 : vector<16xi32>
      %sub3A_257 = arith.constant 128 : i32
      %sub3A_258 = vector.broadcast %sub3A_257 : i32 to vector<16xi32>
      %sub3A_259 = arith.subi %add3A_253, %sub3A_258 : vector<16xi32>
      %select_n3A_260 = arith.select %ge3A_256, %sub3A_259, %add3A_253 : vector<16xi1>, vector<16xi32>
      %gather3A_261 = tpu.vector_load_idx %arg10[%add3A_56, %select_n3A_260] : memref<64x128xf32, #tpu.memory_space<vmem>>[vector<16xi32>, vector<16xi32>], vector<16xf32>,
      %gather3A_262 = tpu.vector_load_idx %arg11[%add3A_56, %select_n3A_260] : memref<64x128xf32, #tpu.memory_space<vmem>>[vector<16xi32>, vector<16xi32>], vector<16xf32>,
      %gather3A_263 = tpu.vector_load_idx %arg12[%add3A_56, %select_n3A_260] : memref<64x128xf32, #tpu.memory_space<vmem>>[vector<16xi32>, vector<16xi32>], vector<16xf32>,
      %sub3A_264 = arith.subf %gather3A_261, %gather3A_262 : vector<16xf32>
      %sub3A_265 = arith.subf %gather3A_261, %gather3A_263 : vector<16xf32>
      %mul3A_266 = arith.mulf %sub3A_264, %sub3A_264 : vector<16xf32>
      %add3A_267 = arith.addf %scan3A_196, %mul3A_266 : vector<16xf32>
      %mul3A_268 = arith.mulf %sub3A_265, %sub3A_265 : vector<16xf32>
      %add3A_269 = arith.addf %scan3A_204, %mul3A_268 : vector<16xf32>
      %add3A_270 = arith.constant 3 : i32
      %add3A_271 = arith.addi %mul3A_211, %add3A_270 : i32
      %add3A_272 = vector.broadcast %add3A_271 : i32 to vector<16xi32>
      %add3A_273 = arith.addi %select_n3A_52, %add3A_272 : vector<16xi32>
      %ge3A_274 = arith.constant 128 : i32
      %ge3A_275 = vector.broadcast %ge3A_274 : i32 to vector<16xi32>
      %ge3A_276 = arith.cmpi sge, %add3A_273, %ge3A_275 : vector<16xi32>
      %sub3A_277 = arith.constant 128 : i32
      %sub3A_278 = vector.broadcast %sub3A_277 : i32 to vector<16xi32>
      %sub3A_279 = arith.subi %add3A_273, %sub3A_278 : vector<16xi32>
      %select_n3A_280 = arith.select %ge3A_276, %sub3A_279, %add3A_273 : vector<16xi1>, vector<16xi32>
      %gather3A_281 = tpu.vector_load_idx %arg10[%add3A_56, %select_n3A_280] : memref<64x128xf32, #tpu.memory_space<vmem>>[vector<16xi32>, vector<16xi32>], vector<16xf32>,
      %gather3A_282 = tpu.vector_load_idx %arg11[%add3A_56, %select_n3A_280] : memref<64x128xf32, #tpu.memory_space<vmem>>[vector<16xi32>, vector<16xi32>], vector<16xf32>,
      %gather3A_283 = tpu.vector_load_idx %arg12[%add3A_56, %select_n3A_280] : memref<64x128xf32, #tpu.memory_space<vmem>>[vector<16xi32>, vector<16xi32>], vector<16xf32>,
      %sub3A_284 = arith.subf %gather3A_281, %gather3A_282 : vector<16xf32>
      %sub3A_285 = arith.subf %gather3A_281, %gather3A_283 : vector<16xf32>
      %mul3A_286 = arith.mulf %sub3A_284, %sub3A_284 : vector<16xf32>
      %add3A_287 = arith.addf %scan3A_197, %mul3A_286 : vector<16xf32>
      %mul3A_288 = arith.mulf %sub3A_285, %sub3A_285 : vector<16xf32>
      %add3A_289 = arith.addf %scan3A_205, %mul3A_288 : vector<16xf32>
      %add3A_290 = arith.constant 4 : i32
      %add3A_291 = arith.addi %mul3A_211, %add3A_290 : i32
      %add3A_292 = vector.broadcast %add3A_291 : i32 to vector<16xi32>
      %add3A_293 = arith.addi %select_n3A_52, %add3A_292 : vector<16xi32>
      %ge3A_294 = arith.constant 128 : i32
      %ge3A_295 = vector.broadcast %ge3A_294 : i32 to vector<16xi32>
      %ge3A_296 = arith.cmpi sge, %add3A_293, %ge3A_295 : vector<16xi32>
      %sub3A_297 = arith.constant 128 : i32
      %sub3A_298 = vector.broadcast %sub3A_297 : i32 to vector<16xi32>
      %sub3A_299 = arith.subi %add3A_293, %sub3A_298 : vector<16xi32>
      %select_n3A_300 = arith.select %ge3A_296, %sub3A_299, %add3A_293 : vector<16xi1>, vector<16xi32>
      %gather3A_301 = tpu.vector_load_idx %arg10[%add3A_56, %select_n3A_300] : memref<64x128xf32, #tpu.memory_space<vmem>>[vector<16xi32>, vector<16xi32>], vector<16xf32>,
      %gather3A_302 = tpu.vector_load_idx %arg11[%add3A_56, %select_n3A_300] : memref<64x128xf32, #tpu.memory_space<vmem>>[vector<16xi32>, vector<16xi32>], vector<16xf32>,
      %gather3A_303 = tpu.vector_load_idx %arg12[%add3A_56, %select_n3A_300] : memref<64x128xf32, #tpu.memory_space<vmem>>[vector<16xi32>, vector<16xi32>], vector<16xf32>,
      %sub3A_304 = arith.subf %gather3A_301, %gather3A_302 : vector<16xf32>
      %sub3A_305 = arith.subf %gather3A_301, %gather3A_303 : vector<16xf32>
      %mul3A_306 = arith.mulf %sub3A_304, %sub3A_304 : vector<16xf32>
      %add3A_307 = arith.addf %scan3A_198, %mul3A_306 : vector<16xf32>
      %mul3A_308 = arith.mulf %sub3A_305, %sub3A_305 : vector<16xf32>
      %add3A_309 = arith.addf %scan3A_206, %mul3A_308 : vector<16xf32>
      %add3A_310 = arith.constant 5 : i32
      %add3A_311 = arith.addi %mul3A_211, %add3A_310 : i32
      %add3A_312 = vector.broadcast %add3A_311 : i32 to vector<16xi32>
      %add3A_313 = arith.addi %select_n3A_52, %add3A_312 : vector<16xi32>
      %ge3A_314 = arith.constant 128 : i32
      %ge3A_315 = vector.broadcast %ge3A_314 : i32 to vector<16xi32>
      %ge3A_316 = arith.cmpi sge, %add3A_313, %ge3A_315 : vector<16xi32>
      %sub3A_317 = arith.constant 128 : i32
      %sub3A_318 = vector.broadcast %sub3A_317 : i32 to vector<16xi32>
      %sub3A_319 = arith.subi %add3A_313, %sub3A_318 : vector<16xi32>
      %select_n3A_320 = arith.select %ge3A_316, %sub3A_319, %add3A_313 : vector<16xi1>, vector<16xi32>
      %gather3A_321 = tpu.vector_load_idx %arg10[%add3A_56, %select_n3A_320] : memref<64x128xf32, #tpu.memory_space<vmem>>[vector<16xi32>, vector<16xi32>], vector<16xf32>,
      %gather3A_322 = tpu.vector_load_idx %arg11[%add3A_56, %select_n3A_320] : memref<64x128xf32, #tpu.memory_space<vmem>>[vector<16xi32>, vector<16xi32>], vector<16xf32>,
      %gather3A_323 = tpu.vector_load_idx %arg12[%add3A_56, %select_n3A_320] : memref<64x128xf32, #tpu.memory_space<vmem>>[vector<16xi32>, vector<16xi32>], vector<16xf32>,
      %sub3A_324 = arith.subf %gather3A_321, %gather3A_322 : vector<16xf32>
      %sub3A_325 = arith.subf %gather3A_321, %gather3A_323 : vector<16xf32>
      %mul3A_326 = arith.mulf %sub3A_324, %sub3A_324 : vector<16xf32>
      %add3A_327 = arith.addf %scan3A_199, %mul3A_326 : vector<16xf32>
      %mul3A_328 = arith.mulf %sub3A_325, %sub3A_325 : vector<16xf32>
      %add3A_329 = arith.addf %scan3A_207, %mul3A_328 : vector<16xf32>
      %add3A_330 = arith.constant 6 : i32
      %add3A_331 = arith.addi %mul3A_211, %add3A_330 : i32
      %add3A_332 = vector.broadcast %add3A_331 : i32 to vector<16xi32>
      %add3A_333 = arith.addi %select_n3A_52, %add3A_332 : vector<16xi32>
      %ge3A_334 = arith.constant 128 : i32
      %ge3A_335 = vector.broadcast %ge3A_334 : i32 to vector<16xi32>
      %ge3A_336 = arith.cmpi sge, %add3A_333, %ge3A_335 : vector<16xi32>
      %sub3A_337 = arith.constant 128 : i32
      %sub3A_338 = vector.broadcast %sub3A_337 : i32 to vector<16xi32>
      %sub3A_339 = arith.subi %add3A_333, %sub3A_338 : vector<16xi32>
      %select_n3A_340 = arith.select %ge3A_336, %sub3A_339, %add3A_333 : vector<16xi1>, vector<16xi32>
      %gather3A_341 = tpu.vector_load_idx %arg10[%add3A_56, %select_n3A_340] : memref<64x128xf32, #tpu.memory_space<vmem>>[vector<16xi32>, vector<16xi32>], vector<16xf32>,
      %gather3A_342 = tpu.vector_load_idx %arg11[%add3A_56, %select_n3A_340] : memref<64x128xf32, #tpu.memory_space<vmem>>[vector<16xi32>, vector<16xi32>], vector<16xf32>,
      %gather3A_343 = tpu.vector_load_idx %arg12[%add3A_56, %select_n3A_340] : memref<64x128xf32, #tpu.memory_space<vmem>>[vector<16xi32>, vector<16xi32>], vector<16xf32>,
      %sub3A_344 = arith.subf %gather3A_341, %gather3A_342 : vector<16xf32>
      %sub3A_345 = arith.subf %gather3A_341, %gather3A_343 : vector<16xf32>
      %mul3A_346 = arith.mulf %sub3A_344, %sub3A_344 : vector<16xf32>
      %add3A_347 = arith.addf %scan3A_200, %mul3A_346 : vector<16xf32>
      %mul3A_348 = arith.mulf %sub3A_345, %sub3A_345 : vector<16xf32>
      %add3A_349 = arith.addf %scan3A_208, %mul3A_348 : vector<16xf32>
      %add3A_350 = arith.constant 7 : i32
      %add3A_351 = arith.addi %mul3A_211, %add3A_350 : i32
      %add3A_352 = vector.broadcast %add3A_351 : i32 to vector<16xi32>
      %add3A_353 = arith.addi %select_n3A_52, %add3A_352 : vector<16xi32>
      %ge3A_354 = arith.constant 128 : i32
      %ge3A_355 = vector.broadcast %ge3A_354 : i32 to vector<16xi32>
      %ge3A_356 = arith.cmpi sge, %add3A_353, %ge3A_355 : vector<16xi32>
      %sub3A_357 = arith.constant 128 : i32
      %sub3A_358 = vector.broadcast %sub3A_357 : i32 to vector<16xi32>
      %sub3A_359 = arith.subi %add3A_353, %sub3A_358 : vector<16xi32>
      %select_n3A_360 = arith.select %ge3A_356, %sub3A_359, %add3A_353 : vector<16xi1>, vector<16xi32>
      %gather3A_361 = tpu.vector_load_idx %arg10[%add3A_56, %select_n3A_360] : memref<64x128xf32, #tpu.memory_space<vmem>>[vector<16xi32>, vector<16xi32>], vector<16xf32>,
      %gather3A_362 = tpu.vector_load_idx %arg11[%add3A_56, %select_n3A_360] : memref<64x128xf32, #tpu.memory_space<vmem>>[vector<16xi32>, vector<16xi32>], vector<16xf32>,
      %gather3A_363 = tpu.vector_load_idx %arg12[%add3A_56, %select_n3A_360] : memref<64x128xf32, #tpu.memory_space<vmem>>[vector<16xi32>, vector<16xi32>], vector<16xf32>,
      %sub3A_364 = arith.subf %gather3A_361, %gather3A_362 : vector<16xf32>
      %sub3A_365 = arith.subf %gather3A_361, %gather3A_363 : vector<16xf32>
      %mul3A_366 = arith.mulf %sub3A_364, %sub3A_364 : vector<16xf32>
      %add3A_367 = arith.addf %scan3A_201, %mul3A_366 : vector<16xf32>
      %mul3A_368 = arith.mulf %sub3A_365, %sub3A_365 : vector<16xf32>
      %add3A_369 = arith.addf %scan3A_209, %mul3A_368 : vector<16xf32>
      %scan3A_370 = arith.constant 1 : i32
      %scan3A_371 = arith.addi %scan3A_193, %scan3A_370 : i32
      %mul3A_372 = arith.constant 8 : i32
      %mul3A_373 = arith.muli %scan3A_371, %mul3A_372 : i32
      %add3A_374 = arith.constant 0 : i32
      %add3A_375 = arith.addi %mul3A_373, %add3A_374 : i32
      %add3A_376 = vector.broadcast %add3A_375 : i32 to vector<16xi32>
      %add3A_377 = arith.addi %select_n3A_52, %add3A_376 : vector<16xi32>
      %ge3A_378 = arith.constant 128 : i32
      %ge3A_379 = vector.broadcast %ge3A_378 : i32 to vector<16xi32>
      %ge3A_380 = arith.cmpi sge, %add3A_377, %ge3A_379 : vector<16xi32>
      %sub3A_381 = arith.constant 128 : i32
      %sub3A_382 = vector.broadcast %sub3A_381 : i32 to vector<16xi32>
      %sub3A_383 = arith.subi %add3A_377, %sub3A_382 : vector<16xi32>
      %select_n3A_384 = arith.select %ge3A_380, %sub3A_383, %add3A_377 : vector<16xi1>, vector<16xi32>
      %gather3A_385 = tpu.vector_load_idx %arg10[%add3A_56, %select_n3A_384] : memref<64x128xf32, #tpu.memory_space<vmem>>[vector<16xi32>, vector<16xi32>], vector<16xf32>,
      %gather3A_386 = tpu.vector_load_idx %arg11[%add3A_56, %select_n3A_384] : memref<64x128xf32, #tpu.memory_space<vmem>>[vector<16xi32>, vector<16xi32>], vector<16xf32>,
      %gather3A_387 = tpu.vector_load_idx %arg12[%add3A_56, %select_n3A_384] : memref<64x128xf32, #tpu.memory_space<vmem>>[vector<16xi32>, vector<16xi32>], vector<16xf32>,
      %sub3A_388 = arith.subf %gather3A_385, %gather3A_386 : vector<16xf32>
      %sub3A_389 = arith.subf %gather3A_385, %gather3A_387 : vector<16xf32>
      %mul3A_390 = arith.mulf %sub3A_388, %sub3A_388 : vector<16xf32>
      %add3A_391 = arith.addf %add3A_227, %mul3A_390 : vector<16xf32>
      %mul3A_392 = arith.mulf %sub3A_389, %sub3A_389 : vector<16xf32>
      %add3A_393 = arith.addf %add3A_229, %mul3A_392 : vector<16xf32>
      %add3A_394 = arith.constant 1 : i32
      %add3A_395 = arith.addi %mul3A_373, %add3A_394 : i32
      %add3A_396 = vector.broadcast %add3A_395 : i32 to vector<16xi32>
      %add3A_397 = arith.addi %select_n3A_52, %add3A_396 : vector<16xi32>
      %ge3A_398 = arith.constant 128 : i32
      %ge3A_399 = vector.broadcast %ge3A_398 : i32 to vector<16xi32>
      %ge3A_400 = arith.cmpi sge, %add3A_397, %ge3A_399 : vector<16xi32>
      %sub3A_401 = arith.constant 128 : i32
      %sub3A_402 = vector.broadcast %sub3A_401 : i32 to vector<16xi32>
      %sub3A_403 = arith.subi %add3A_397, %sub3A_402 : vector<16xi32>
      %select_n3A_404 = arith.select %ge3A_400, %sub3A_403, %add3A_397 : vector<16xi1>, vector<16xi32>
      %gather3A_405 = tpu.vector_load_idx %arg10[%add3A_56, %select_n3A_404] : memref<64x128xf32, #tpu.memory_space<vmem>>[vector<16xi32>, vector<16xi32>], vector<16xf32>,
      %gather3A_406 = tpu.vector_load_idx %arg11[%add3A_56, %select_n3A_404] : memref<64x128xf32, #tpu.memory_space<vmem>>[vector<16xi32>, vector<16xi32>], vector<16xf32>,
      %gather3A_407 = tpu.vector_load_idx %arg12[%add3A_56, %select_n3A_404] : memref<64x128xf32, #tpu.memory_space<vmem>>[vector<16xi32>, vector<16xi32>], vector<16xf32>,
      %sub3A_408 = arith.subf %gather3A_405, %gather3A_406 : vector<16xf32>
      %sub3A_409 = arith.subf %gather3A_405, %gather3A_407 : vector<16xf32>
      %mul3A_410 = arith.mulf %sub3A_408, %sub3A_408 : vector<16xf32>
      %add3A_411 = arith.addf %add3A_247, %mul3A_410 : vector<16xf32>
      %mul3A_412 = arith.mulf %sub3A_409, %sub3A_409 : vector<16xf32>
      %add3A_413 = arith.addf %add3A_249, %mul3A_412 : vector<16xf32>
      %add3A_414 = arith.constant 2 : i32
      %add3A_415 = arith.addi %mul3A_373, %add3A_414 : i32
      %add3A_416 = vector.broadcast %add3A_415 : i32 to vector<16xi32>
      %add3A_417 = arith.addi %select_n3A_52, %add3A_416 : vector<16xi32>
      %ge3A_418 = arith.constant 128 : i32
      %ge3A_419 = vector.broadcast %ge3A_418 : i32 to vector<16xi32>
      %ge3A_420 = arith.cmpi sge, %add3A_417, %ge3A_419 : vector<16xi32>
      %sub3A_421 = arith.constant 128 : i32
      %sub3A_422 = vector.broadcast %sub3A_421 : i32 to vector<16xi32>
      %sub3A_423 = arith.subi %add3A_417, %sub3A_422 : vector<16xi32>
      %select_n3A_424 = arith.select %ge3A_420, %sub3A_423, %add3A_417 : vector<16xi1>, vector<16xi32>
      %gather3A_425 = tpu.vector_load_idx %arg10[%add3A_56, %select_n3A_424] : memref<64x128xf32, #tpu.memory_space<vmem>>[vector<16xi32>, vector<16xi32>], vector<16xf32>,
      %gather3A_426 = tpu.vector_load_idx %arg11[%add3A_56, %select_n3A_424] : memref<64x128xf32, #tpu.memory_space<vmem>>[vector<16xi32>, vector<16xi32>], vector<16xf32>,
      %gather3A_427 = tpu.vector_load_idx %arg12[%add3A_56, %select_n3A_424] : memref<64x128xf32, #tpu.memory_space<vmem>>[vector<16xi32>, vector<16xi32>], vector<16xf32>,
      %sub3A_428 = arith.subf %gather3A_425, %gather3A_426 : vector<16xf32>
      %sub3A_429 = arith.subf %gather3A_425, %gather3A_427 : vector<16xf32>
      %mul3A_430 = arith.mulf %sub3A_428, %sub3A_428 : vector<16xf32>
      %add3A_431 = arith.addf %add3A_267, %mul3A_430 : vector<16xf32>
      %mul3A_432 = arith.mulf %sub3A_429, %sub3A_429 : vector<16xf32>
      %add3A_433 = arith.addf %add3A_269, %mul3A_432 : vector<16xf32>
      %add3A_434 = arith.constant 3 : i32
      %add3A_435 = arith.addi %mul3A_373, %add3A_434 : i32
      %add3A_436 = vector.broadcast %add3A_435 : i32 to vector<16xi32>
      %add3A_437 = arith.addi %select_n3A_52, %add3A_436 : vector<16xi32>
      %ge3A_438 = arith.constant 128 : i32
      %ge3A_439 = vector.broadcast %ge3A_438 : i32 to vector<16xi32>
      %ge3A_440 = arith.cmpi sge, %add3A_437, %ge3A_439 : vector<16xi32>
      %sub3A_441 = arith.constant 128 : i32
      %sub3A_442 = vector.broadcast %sub3A_441 : i32 to vector<16xi32>
      %sub3A_443 = arith.subi %add3A_437, %sub3A_442 : vector<16xi32>
      %select_n3A_444 = arith.select %ge3A_440, %sub3A_443, %add3A_437 : vector<16xi1>, vector<16xi32>
      %gather3A_445 = tpu.vector_load_idx %arg10[%add3A_56, %select_n3A_444] : memref<64x128xf32, #tpu.memory_space<vmem>>[vector<16xi32>, vector<16xi32>], vector<16xf32>,
      %gather3A_446 = tpu.vector_load_idx %arg11[%add3A_56, %select_n3A_444] : memref<64x128xf32, #tpu.memory_space<vmem>>[vector<16xi32>, vector<16xi32>], vector<16xf32>,
      %gather3A_447 = tpu.vector_load_idx %arg12[%add3A_56, %select_n3A_444] : memref<64x128xf32, #tpu.memory_space<vmem>>[vector<16xi32>, vector<16xi32>], vector<16xf32>,
      %sub3A_448 = arith.subf %gather3A_445, %gather3A_446 : vector<16xf32>
      %sub3A_449 = arith.subf %gather3A_445, %gather3A_447 : vector<16xf32>
      %mul3A_450 = arith.mulf %sub3A_448, %sub3A_448 : vector<16xf32>
      %add3A_451 = arith.addf %add3A_287, %mul3A_450 : vector<16xf32>
      %mul3A_452 = arith.mulf %sub3A_449, %sub3A_449 : vector<16xf32>
      %add3A_453 = arith.addf %add3A_289, %mul3A_452 : vector<16xf32>
      %add3A_454 = arith.constant 4 : i32
      %add3A_455 = arith.addi %mul3A_373, %add3A_454 : i32
      %add3A_456 = vector.broadcast %add3A_455 : i32 to vector<16xi32>
      %add3A_457 = arith.addi %select_n3A_52, %add3A_456 : vector<16xi32>
      %ge3A_458 = arith.constant 128 : i32
      %ge3A_459 = vector.broadcast %ge3A_458 : i32 to vector<16xi32>
      %ge3A_460 = arith.cmpi sge, %add3A_457, %ge3A_459 : vector<16xi32>
      %sub3A_461 = arith.constant 128 : i32
      %sub3A_462 = vector.broadcast %sub3A_461 : i32 to vector<16xi32>
      %sub3A_463 = arith.subi %add3A_457, %sub3A_462 : vector<16xi32>
      %select_n3A_464 = arith.select %ge3A_460, %sub3A_463, %add3A_457 : vector<16xi1>, vector<16xi32>
      %gather3A_465 = tpu.vector_load_idx %arg10[%add3A_56, %select_n3A_464] : memref<64x128xf32, #tpu.memory_space<vmem>>[vector<16xi32>, vector<16xi32>], vector<16xf32>,
      %gather3A_466 = tpu.vector_load_idx %arg11[%add3A_56, %select_n3A_464] : memref<64x128xf32, #tpu.memory_space<vmem>>[vector<16xi32>, vector<16xi32>], vector<16xf32>,
      %gather3A_467 = tpu.vector_load_idx %arg12[%add3A_56, %select_n3A_464] : memref<64x128xf32, #tpu.memory_space<vmem>>[vector<16xi32>, vector<16xi32>], vector<16xf32>,
      %sub3A_468 = arith.subf %gather3A_465, %gather3A_466 : vector<16xf32>
      %sub3A_469 = arith.subf %gather3A_465, %gather3A_467 : vector<16xf32>
      %mul3A_470 = arith.mulf %sub3A_468, %sub3A_468 : vector<16xf32>
      %add3A_471 = arith.addf %add3A_307, %mul3A_470 : vector<16xf32>
      %mul3A_472 = arith.mulf %sub3A_469, %sub3A_469 : vector<16xf32>
      %add3A_473 = arith.addf %add3A_309, %mul3A_472 : vector<16xf32>
      %add3A_474 = arith.constant 5 : i32
      %add3A_475 = arith.addi %mul3A_373, %add3A_474 : i32
      %add3A_476 = vector.broadcast %add3A_475 : i32 to vector<16xi32>
      %add3A_477 = arith.addi %select_n3A_52, %add3A_476 : vector<16xi32>
      %ge3A_478 = arith.constant 128 : i32
      %ge3A_479 = vector.broadcast %ge3A_478 : i32 to vector<16xi32>
      %ge3A_480 = arith.cmpi sge, %add3A_477, %ge3A_479 : vector<16xi32>
      %sub3A_481 = arith.constant 128 : i32
      %sub3A_482 = vector.broadcast %sub3A_481 : i32 to vector<16xi32>
      %sub3A_483 = arith.subi %add3A_477, %sub3A_482 : vector<16xi32>
      %select_n3A_484 = arith.select %ge3A_480, %sub3A_483, %add3A_477 : vector<16xi1>, vector<16xi32>
      %gather3A_485 = tpu.vector_load_idx %arg10[%add3A_56, %select_n3A_484] : memref<64x128xf32, #tpu.memory_space<vmem>>[vector<16xi32>, vector<16xi32>], vector<16xf32>,
      %gather3A_486 = tpu.vector_load_idx %arg11[%add3A_56, %select_n3A_484] : memref<64x128xf32, #tpu.memory_space<vmem>>[vector<16xi32>, vector<16xi32>], vector<16xf32>,
      %gather3A_487 = tpu.vector_load_idx %arg12[%add3A_56, %select_n3A_484] : memref<64x128xf32, #tpu.memory_space<vmem>>[vector<16xi32>, vector<16xi32>], vector<16xf32>,
      %sub3A_488 = arith.subf %gather3A_485, %gather3A_486 : vector<16xf32>
      %sub3A_489 = arith.subf %gather3A_485, %gather3A_487 : vector<16xf32>
      %mul3A_490 = arith.mulf %sub3A_488, %sub3A_488 : vector<16xf32>
      %add3A_491 = arith.addf %add3A_327, %mul3A_490 : vector<16xf32>
      %mul3A_492 = arith.mulf %sub3A_489, %sub3A_489 : vector<16xf32>
      %add3A_493 = arith.addf %add3A_329, %mul3A_492 : vector<16xf32>
      %add3A_494 = arith.constant 6 : i32
      %add3A_495 = arith.addi %mul3A_373, %add3A_494 : i32
      %add3A_496 = vector.broadcast %add3A_495 : i32 to vector<16xi32>
      %add3A_497 = arith.addi %select_n3A_52, %add3A_496 : vector<16xi32>
      %ge3A_498 = arith.constant 128 : i32
      %ge3A_499 = vector.broadcast %ge3A_498 : i32 to vector<16xi32>
      %ge3A_500 = arith.cmpi sge, %add3A_497, %ge3A_499 : vector<16xi32>
      %sub3A_501 = arith.constant 128 : i32
      %sub3A_502 = vector.broadcast %sub3A_501 : i32 to vector<16xi32>
      %sub3A_503 = arith.subi %add3A_497, %sub3A_502 : vector<16xi32>
      %select_n3A_504 = arith.select %ge3A_500, %sub3A_503, %add3A_497 : vector<16xi1>, vector<16xi32>
      %gather3A_505 = tpu.vector_load_idx %arg10[%add3A_56, %select_n3A_504] : memref<64x128xf32, #tpu.memory_space<vmem>>[vector<16xi32>, vector<16xi32>], vector<16xf32>,
      %gather3A_506 = tpu.vector_load_idx %arg11[%add3A_56, %select_n3A_504] : memref<64x128xf32, #tpu.memory_space<vmem>>[vector<16xi32>, vector<16xi32>], vector<16xf32>,
      %gather3A_507 = tpu.vector_load_idx %arg12[%add3A_56, %select_n3A_504] : memref<64x128xf32, #tpu.memory_space<vmem>>[vector<16xi32>, vector<16xi32>], vector<16xf32>,
      %sub3A_508 = arith.subf %gather3A_505, %gather3A_506 : vector<16xf32>
      %sub3A_509 = arith.subf %gather3A_505, %gather3A_507 : vector<16xf32>
      %mul3A_510 = arith.mulf %sub3A_508, %sub3A_508 : vector<16xf32>
      %add3A_511 = arith.addf %add3A_347, %mul3A_510 : vector<16xf32>
      %mul3A_512 = arith.mulf %sub3A_509, %sub3A_509 : vector<16xf32>
      %add3A_513 = arith.addf %add3A_349, %mul3A_512 : vector<16xf32>
      %add3A_514 = arith.constant 7 : i32
      %add3A_515 = arith.addi %mul3A_373, %add3A_514 : i32
      %add3A_516 = vector.broadcast %add3A_515 : i32 to vector<16xi32>
      %add3A_517 = arith.addi %select_n3A_52, %add3A_516 : vector<16xi32>
      %ge3A_518 = arith.constant 128 : i32
      %ge3A_519 = vector.broadcast %ge3A_518 : i32 to vector<16xi32>
      %ge3A_520 = arith.cmpi sge, %add3A_517, %ge3A_519 : vector<16xi32>
      %sub3A_521 = arith.constant 128 : i32
      %sub3A_522 = vector.broadcast %sub3A_521 : i32 to vector<16xi32>
      %sub3A_523 = arith.subi %add3A_517, %sub3A_522 : vector<16xi32>
      %select_n3A_524 = arith.select %ge3A_520, %sub3A_523, %add3A_517 : vector<16xi1>, vector<16xi32>
      %gather3A_525 = tpu.vector_load_idx %arg10[%add3A_56, %select_n3A_524] : memref<64x128xf32, #tpu.memory_space<vmem>>[vector<16xi32>, vector<16xi32>], vector<16xf32>,
      %gather3A_526 = tpu.vector_load_idx %arg11[%add3A_56, %select_n3A_524] : memref<64x128xf32, #tpu.memory_space<vmem>>[vector<16xi32>, vector<16xi32>], vector<16xf32>,
      %gather3A_527 = tpu.vector_load_idx %arg12[%add3A_56, %select_n3A_524] : memref<64x128xf32, #tpu.memory_space<vmem>>[vector<16xi32>, vector<16xi32>], vector<16xf32>,
      %sub3A_528 = arith.subf %gather3A_525, %gather3A_526 : vector<16xf32>
      %sub3A_529 = arith.subf %gather3A_525, %gather3A_527 : vector<16xf32>
      %mul3A_530 = arith.mulf %sub3A_528, %sub3A_528 : vector<16xf32>
      %add3A_531 = arith.addf %add3A_367, %mul3A_530 : vector<16xf32>
      %mul3A_532 = arith.mulf %sub3A_529, %sub3A_529 : vector<16xf32>
      %add3A_533 = arith.addf %add3A_369, %mul3A_532 : vector<16xf32>
      scf.yield %add3A_391, %add3A_411, %add3A_431, %add3A_451, %add3A_471, %add3A_491, %add3A_511, %add3A_531, %add3A_393, %add3A_413, %add3A_433, %add3A_453, %add3A_473, %add3A_493, %add3A_513, %add3A_533 : vector<16xf32>, vector<16xf32>, vector<16xf32>, vector<16xf32>, vector<16xf32>, vector<16xf32>, vector<16xf32>, vector<16xf32>, vector<16xf32>, vector<16xf32>, vector<16xf32>, vector<16xf32>, vector<16xf32>, vector<16xf32>, vector<16xf32>, vector<16xf32>
    }
    %scan3A_64 = arith.constant 16 : i32
    %add3A_65 = arith.addf %scan3A_63#0, %scan3A_63#4 : vector<16xf32>
    %add3A_66 = arith.addf %scan3A_63#8, %scan3A_63#12 : vector<16xf32>
    %add3A_67 = arith.addf %scan3A_63#1, %scan3A_63#5 : vector<16xf32>
    %add3A_68 = arith.addf %scan3A_63#9, %scan3A_63#13 : vector<16xf32>
    %add3A_69 = arith.addf %scan3A_63#2, %scan3A_63#6 : vector<16xf32>
    %add3A_70 = arith.addf %scan3A_63#10, %scan3A_63#14 : vector<16xf32>
    %add3A_71 = arith.addf %scan3A_63#3, %scan3A_63#7 : vector<16xf32>
    %add3A_72 = arith.addf %scan3A_63#11, %scan3A_63#15 : vector<16xf32>
    %add3A_73 = arith.addf %add3A_65, %add3A_69 : vector<16xf32>
    %add3A_74 = arith.addf %add3A_66, %add3A_70 : vector<16xf32>
    %add3A_75 = arith.addf %add3A_67, %add3A_71 : vector<16xf32>
    %add3A_76 = arith.addf %add3A_68, %add3A_72 : vector<16xf32>
    %add3A_77 = arith.addf %add3A_73, %add3A_75 : vector<16xf32>
    %add3A_78 = arith.addf %add3A_74, %add3A_76 : vector<16xf32>
    %lt3A_79 = arith.cmpf olt, %add3A_78, %add3A_77 : vector<16xf32>
    %eq3A_80 = arith.cmpf oeq, %add3A_78, %add3A_77 : vector<16xf32>
    %lt3A_81 = arith.cmpi slt, %get3A_59, %get3A_57 : vector<16xi32>
    %and3A_82 = arith.andi %eq3A_80, %lt3A_81 : vector<16xi1>
    %or3A = arith.ori %lt3A_79, %and3A_82 : vector<16xi1>
    %select_n3A_83 = arith.select %or3A, %get3A_59, %get3A_57 : vector<16xi1>, vector<16xi32>
    %gather3A = tpu.vector_load_idx %arg13[%select_n3A_83, %broadcast_in_dim3A_31] : memref<1024x2xi32, #tpu.memory_space<vmem>>[vector<16xi32>, vector<16xi32>], vector<16xi32>,
    %gather3A_84 = tpu.vector_load_idx %arg13[%select_n3A_83, %add3A_34] : memref<1024x2xi32, #tpu.memory_space<vmem>>[vector<16xi32>, vector<16xi32>], vector<16xi32>,
    tpu.vector_store_idx %arg14[%add3A_56, %broadcast_in_dim3A_31], %gather3A : memref<64x2xi32, #tpu.memory_space<vmem>>[vector<16xi32>, vector<16xi32>], vector<16xi32>,
    tpu.vector_store_idx %arg14[%add3A_56, %add3A_34], %gather3A_84 : memref<64x2xi32, #tpu.memory_space<vmem>>[vector<16xi32>, vector<16xi32>], vector<16xi32>,
    %iota3A_85 = tpu.iota {dimensions = array<i32: 0>} : vector<16xi32>
    %add3A_86 = arith.constant 16 : i32
    %add3A_87 = vector.broadcast %add3A_86 : i32 to vector<16xi32>
    %add3A_88 = arith.addi %iota3A_85, %add3A_87 : vector<16xi32>
    %get3A_89 = arith.constant 16 : index
    %get3A_90 = tpu.vector_load %arg8[%get3A_89] {strides = array<i32>} : memref<64xi32, #tpu.memory_space<vmem>>, vector<16xi32>,
    %get3A_91 = arith.constant 16 : index
    %get3A_92 = tpu.vector_load %arg9[%get3A_91] {strides = array<i32>} : memref<64xi32, #tpu.memory_space<vmem>>, vector<16xi32>,
    %scan3A_93 = arith.constant 0 : i32
    %scan3A_94 = arith.constant 16 : i32
    %scan3A_95 = arith.addi %scan3A_93, %scan3A_94 : i32
    %scan3A_96 = arith.constant 2 : i32
    %scan3A_97:16 = scf.for %scan3A_193 = %scan3A_93 to %scan3A_95 step %scan3A_96 iter_args(%scan3A_194 = %broadcast_in_dim3A_29, %scan3A_195 = %broadcast_in_dim3A_29, %scan3A_196 = %broadcast_in_dim3A_29, %scan3A_197 = %broadcast_in_dim3A_29, %scan3A_198 = %broadcast_in_dim3A_29, %scan3A_199 = %broadcast_in_dim3A_29, %scan3A_200 = %broadcast_in_dim3A_29, %scan3A_201 = %broadcast_in_dim3A_29, %scan3A_202 = %broadcast_in_dim3A_29, %scan3A_203 = %broadcast_in_dim3A_29, %scan3A_204 = %broadcast_in_dim3A_29, %scan3A_205 = %broadcast_in_dim3A_29, %scan3A_206 = %broadcast_in_dim3A_29, %scan3A_207 = %broadcast_in_dim3A_29, %scan3A_208 = %broadcast_in_dim3A_29, %scan3A_209 = %broadcast_in_dim3A_29) -> (vector<16xf32>, vector<16xf32>, vector<16xf32>, vector<16xf32>, vector<16xf32>, vector<16xf32>, vector<16xf32>, vector<16xf32>, vector<16xf32>, vector<16xf32>, vector<16xf32>, vector<16xf32>, vector<16xf32>, vector<16xf32>, vector<16xf32>, vector<16xf32>)  : i32 {
      %mul3A_210 = arith.constant 8 : i32
      %mul3A_211 = arith.muli %scan3A_193, %mul3A_210 : i32
      %add3A_212 = arith.constant 0 : i32
      %add3A_213 = arith.addi %mul3A_211, %add3A_212 : i32
      %add3A_214 = vector.broadcast %add3A_213 : i32 to vector<16xi32>
      %add3A_215 = arith.addi %select_n3A_52, %add3A_214 : vector<16xi32>
      %ge3A = arith.constant 128 : i32
      %ge3A_216 = vector.broadcast %ge3A : i32 to vector<16xi32>
      %ge3A_217 = arith.cmpi sge, %add3A_215, %ge3A_216 : vector<16xi32>
      %sub3A = arith.constant 128 : i32
      %sub3A_218 = vector.broadcast %sub3A : i32 to vector<16xi32>
      %sub3A_219 = arith.subi %add3A_215, %sub3A_218 : vector<16xi32>
      %select_n3A_220 = arith.select %ge3A_217, %sub3A_219, %add3A_215 : vector<16xi1>, vector<16xi32>
      %gather3A_221 = tpu.vector_load_idx %arg10[%add3A_88, %select_n3A_220] : memref<64x128xf32, #tpu.memory_space<vmem>>[vector<16xi32>, vector<16xi32>], vector<16xf32>,
      %gather3A_222 = tpu.vector_load_idx %arg11[%add3A_88, %select_n3A_220] : memref<64x128xf32, #tpu.memory_space<vmem>>[vector<16xi32>, vector<16xi32>], vector<16xf32>,
      %gather3A_223 = tpu.vector_load_idx %arg12[%add3A_88, %select_n3A_220] : memref<64x128xf32, #tpu.memory_space<vmem>>[vector<16xi32>, vector<16xi32>], vector<16xf32>,
      %sub3A_224 = arith.subf %gather3A_221, %gather3A_222 : vector<16xf32>
      %sub3A_225 = arith.subf %gather3A_221, %gather3A_223 : vector<16xf32>
      %mul3A_226 = arith.mulf %sub3A_224, %sub3A_224 : vector<16xf32>
      %add3A_227 = arith.addf %scan3A_194, %mul3A_226 : vector<16xf32>
      %mul3A_228 = arith.mulf %sub3A_225, %sub3A_225 : vector<16xf32>
      %add3A_229 = arith.addf %scan3A_202, %mul3A_228 : vector<16xf32>
      %add3A_230 = arith.constant 1 : i32
      %add3A_231 = arith.addi %mul3A_211, %add3A_230 : i32
      %add3A_232 = vector.broadcast %add3A_231 : i32 to vector<16xi32>
      %add3A_233 = arith.addi %select_n3A_52, %add3A_232 : vector<16xi32>
      %ge3A_234 = arith.constant 128 : i32
      %ge3A_235 = vector.broadcast %ge3A_234 : i32 to vector<16xi32>
      %ge3A_236 = arith.cmpi sge, %add3A_233, %ge3A_235 : vector<16xi32>
      %sub3A_237 = arith.constant 128 : i32
      %sub3A_238 = vector.broadcast %sub3A_237 : i32 to vector<16xi32>
      %sub3A_239 = arith.subi %add3A_233, %sub3A_238 : vector<16xi32>
      %select_n3A_240 = arith.select %ge3A_236, %sub3A_239, %add3A_233 : vector<16xi1>, vector<16xi32>
      %gather3A_241 = tpu.vector_load_idx %arg10[%add3A_88, %select_n3A_240] : memref<64x128xf32, #tpu.memory_space<vmem>>[vector<16xi32>, vector<16xi32>], vector<16xf32>,
      %gather3A_242 = tpu.vector_load_idx %arg11[%add3A_88, %select_n3A_240] : memref<64x128xf32, #tpu.memory_space<vmem>>[vector<16xi32>, vector<16xi32>], vector<16xf32>,
      %gather3A_243 = tpu.vector_load_idx %arg12[%add3A_88, %select_n3A_240] : memref<64x128xf32, #tpu.memory_space<vmem>>[vector<16xi32>, vector<16xi32>], vector<16xf32>,
      %sub3A_244 = arith.subf %gather3A_241, %gather3A_242 : vector<16xf32>
      %sub3A_245 = arith.subf %gather3A_241, %gather3A_243 : vector<16xf32>
      %mul3A_246 = arith.mulf %sub3A_244, %sub3A_244 : vector<16xf32>
      %add3A_247 = arith.addf %scan3A_195, %mul3A_246 : vector<16xf32>
      %mul3A_248 = arith.mulf %sub3A_245, %sub3A_245 : vector<16xf32>
      %add3A_249 = arith.addf %scan3A_203, %mul3A_248 : vector<16xf32>
      %add3A_250 = arith.constant 2 : i32
      %add3A_251 = arith.addi %mul3A_211, %add3A_250 : i32
      %add3A_252 = vector.broadcast %add3A_251 : i32 to vector<16xi32>
      %add3A_253 = arith.addi %select_n3A_52, %add3A_252 : vector<16xi32>
      %ge3A_254 = arith.constant 128 : i32
      %ge3A_255 = vector.broadcast %ge3A_254 : i32 to vector<16xi32>
      %ge3A_256 = arith.cmpi sge, %add3A_253, %ge3A_255 : vector<16xi32>
      %sub3A_257 = arith.constant 128 : i32
      %sub3A_258 = vector.broadcast %sub3A_257 : i32 to vector<16xi32>
      %sub3A_259 = arith.subi %add3A_253, %sub3A_258 : vector<16xi32>
      %select_n3A_260 = arith.select %ge3A_256, %sub3A_259, %add3A_253 : vector<16xi1>, vector<16xi32>
      %gather3A_261 = tpu.vector_load_idx %arg10[%add3A_88, %select_n3A_260] : memref<64x128xf32, #tpu.memory_space<vmem>>[vector<16xi32>, vector<16xi32>], vector<16xf32>,
      %gather3A_262 = tpu.vector_load_idx %arg11[%add3A_88, %select_n3A_260] : memref<64x128xf32, #tpu.memory_space<vmem>>[vector<16xi32>, vector<16xi32>], vector<16xf32>,
      %gather3A_263 = tpu.vector_load_idx %arg12[%add3A_88, %select_n3A_260] : memref<64x128xf32, #tpu.memory_space<vmem>>[vector<16xi32>, vector<16xi32>], vector<16xf32>,
      %sub3A_264 = arith.subf %gather3A_261, %gather3A_262 : vector<16xf32>
      %sub3A_265 = arith.subf %gather3A_261, %gather3A_263 : vector<16xf32>
      %mul3A_266 = arith.mulf %sub3A_264, %sub3A_264 : vector<16xf32>
      %add3A_267 = arith.addf %scan3A_196, %mul3A_266 : vector<16xf32>
      %mul3A_268 = arith.mulf %sub3A_265, %sub3A_265 : vector<16xf32>
      %add3A_269 = arith.addf %scan3A_204, %mul3A_268 : vector<16xf32>
      %add3A_270 = arith.constant 3 : i32
      %add3A_271 = arith.addi %mul3A_211, %add3A_270 : i32
      %add3A_272 = vector.broadcast %add3A_271 : i32 to vector<16xi32>
      %add3A_273 = arith.addi %select_n3A_52, %add3A_272 : vector<16xi32>
      %ge3A_274 = arith.constant 128 : i32
      %ge3A_275 = vector.broadcast %ge3A_274 : i32 to vector<16xi32>
      %ge3A_276 = arith.cmpi sge, %add3A_273, %ge3A_275 : vector<16xi32>
      %sub3A_277 = arith.constant 128 : i32
      %sub3A_278 = vector.broadcast %sub3A_277 : i32 to vector<16xi32>
      %sub3A_279 = arith.subi %add3A_273, %sub3A_278 : vector<16xi32>
      %select_n3A_280 = arith.select %ge3A_276, %sub3A_279, %add3A_273 : vector<16xi1>, vector<16xi32>
      %gather3A_281 = tpu.vector_load_idx %arg10[%add3A_88, %select_n3A_280] : memref<64x128xf32, #tpu.memory_space<vmem>>[vector<16xi32>, vector<16xi32>], vector<16xf32>,
      %gather3A_282 = tpu.vector_load_idx %arg11[%add3A_88, %select_n3A_280] : memref<64x128xf32, #tpu.memory_space<vmem>>[vector<16xi32>, vector<16xi32>], vector<16xf32>,
      %gather3A_283 = tpu.vector_load_idx %arg12[%add3A_88, %select_n3A_280] : memref<64x128xf32, #tpu.memory_space<vmem>>[vector<16xi32>, vector<16xi32>], vector<16xf32>,
      %sub3A_284 = arith.subf %gather3A_281, %gather3A_282 : vector<16xf32>
      %sub3A_285 = arith.subf %gather3A_281, %gather3A_283 : vector<16xf32>
      %mul3A_286 = arith.mulf %sub3A_284, %sub3A_284 : vector<16xf32>
      %add3A_287 = arith.addf %scan3A_197, %mul3A_286 : vector<16xf32>
      %mul3A_288 = arith.mulf %sub3A_285, %sub3A_285 : vector<16xf32>
      %add3A_289 = arith.addf %scan3A_205, %mul3A_288 : vector<16xf32>
      %add3A_290 = arith.constant 4 : i32
      %add3A_291 = arith.addi %mul3A_211, %add3A_290 : i32
      %add3A_292 = vector.broadcast %add3A_291 : i32 to vector<16xi32>
      %add3A_293 = arith.addi %select_n3A_52, %add3A_292 : vector<16xi32>
      %ge3A_294 = arith.constant 128 : i32
      %ge3A_295 = vector.broadcast %ge3A_294 : i32 to vector<16xi32>
      %ge3A_296 = arith.cmpi sge, %add3A_293, %ge3A_295 : vector<16xi32>
      %sub3A_297 = arith.constant 128 : i32
      %sub3A_298 = vector.broadcast %sub3A_297 : i32 to vector<16xi32>
      %sub3A_299 = arith.subi %add3A_293, %sub3A_298 : vector<16xi32>
      %select_n3A_300 = arith.select %ge3A_296, %sub3A_299, %add3A_293 : vector<16xi1>, vector<16xi32>
      %gather3A_301 = tpu.vector_load_idx %arg10[%add3A_88, %select_n3A_300] : memref<64x128xf32, #tpu.memory_space<vmem>>[vector<16xi32>, vector<16xi32>], vector<16xf32>,
      %gather3A_302 = tpu.vector_load_idx %arg11[%add3A_88, %select_n3A_300] : memref<64x128xf32, #tpu.memory_space<vmem>>[vector<16xi32>, vector<16xi32>], vector<16xf32>,
      %gather3A_303 = tpu.vector_load_idx %arg12[%add3A_88, %select_n3A_300] : memref<64x128xf32, #tpu.memory_space<vmem>>[vector<16xi32>, vector<16xi32>], vector<16xf32>,
      %sub3A_304 = arith.subf %gather3A_301, %gather3A_302 : vector<16xf32>
      %sub3A_305 = arith.subf %gather3A_301, %gather3A_303 : vector<16xf32>
      %mul3A_306 = arith.mulf %sub3A_304, %sub3A_304 : vector<16xf32>
      %add3A_307 = arith.addf %scan3A_198, %mul3A_306 : vector<16xf32>
      %mul3A_308 = arith.mulf %sub3A_305, %sub3A_305 : vector<16xf32>
      %add3A_309 = arith.addf %scan3A_206, %mul3A_308 : vector<16xf32>
      %add3A_310 = arith.constant 5 : i32
      %add3A_311 = arith.addi %mul3A_211, %add3A_310 : i32
      %add3A_312 = vector.broadcast %add3A_311 : i32 to vector<16xi32>
      %add3A_313 = arith.addi %select_n3A_52, %add3A_312 : vector<16xi32>
      %ge3A_314 = arith.constant 128 : i32
      %ge3A_315 = vector.broadcast %ge3A_314 : i32 to vector<16xi32>
      %ge3A_316 = arith.cmpi sge, %add3A_313, %ge3A_315 : vector<16xi32>
      %sub3A_317 = arith.constant 128 : i32
      %sub3A_318 = vector.broadcast %sub3A_317 : i32 to vector<16xi32>
      %sub3A_319 = arith.subi %add3A_313, %sub3A_318 : vector<16xi32>
      %select_n3A_320 = arith.select %ge3A_316, %sub3A_319, %add3A_313 : vector<16xi1>, vector<16xi32>
      %gather3A_321 = tpu.vector_load_idx %arg10[%add3A_88, %select_n3A_320] : memref<64x128xf32, #tpu.memory_space<vmem>>[vector<16xi32>, vector<16xi32>], vector<16xf32>,
      %gather3A_322 = tpu.vector_load_idx %arg11[%add3A_88, %select_n3A_320] : memref<64x128xf32, #tpu.memory_space<vmem>>[vector<16xi32>, vector<16xi32>], vector<16xf32>,
      %gather3A_323 = tpu.vector_load_idx %arg12[%add3A_88, %select_n3A_320] : memref<64x128xf32, #tpu.memory_space<vmem>>[vector<16xi32>, vector<16xi32>], vector<16xf32>,
      %sub3A_324 = arith.subf %gather3A_321, %gather3A_322 : vector<16xf32>
      %sub3A_325 = arith.subf %gather3A_321, %gather3A_323 : vector<16xf32>
      %mul3A_326 = arith.mulf %sub3A_324, %sub3A_324 : vector<16xf32>
      %add3A_327 = arith.addf %scan3A_199, %mul3A_326 : vector<16xf32>
      %mul3A_328 = arith.mulf %sub3A_325, %sub3A_325 : vector<16xf32>
      %add3A_329 = arith.addf %scan3A_207, %mul3A_328 : vector<16xf32>
      %add3A_330 = arith.constant 6 : i32
      %add3A_331 = arith.addi %mul3A_211, %add3A_330 : i32
      %add3A_332 = vector.broadcast %add3A_331 : i32 to vector<16xi32>
      %add3A_333 = arith.addi %select_n3A_52, %add3A_332 : vector<16xi32>
      %ge3A_334 = arith.constant 128 : i32
      %ge3A_335 = vector.broadcast %ge3A_334 : i32 to vector<16xi32>
      %ge3A_336 = arith.cmpi sge, %add3A_333, %ge3A_335 : vector<16xi32>
      %sub3A_337 = arith.constant 128 : i32
      %sub3A_338 = vector.broadcast %sub3A_337 : i32 to vector<16xi32>
      %sub3A_339 = arith.subi %add3A_333, %sub3A_338 : vector<16xi32>
      %select_n3A_340 = arith.select %ge3A_336, %sub3A_339, %add3A_333 : vector<16xi1>, vector<16xi32>
      %gather3A_341 = tpu.vector_load_idx %arg10[%add3A_88, %select_n3A_340] : memref<64x128xf32, #tpu.memory_space<vmem>>[vector<16xi32>, vector<16xi32>], vector<16xf32>,
      %gather3A_342 = tpu.vector_load_idx %arg11[%add3A_88, %select_n3A_340] : memref<64x128xf32, #tpu.memory_space<vmem>>[vector<16xi32>, vector<16xi32>], vector<16xf32>,
      %gather3A_343 = tpu.vector_load_idx %arg12[%add3A_88, %select_n3A_340] : memref<64x128xf32, #tpu.memory_space<vmem>>[vector<16xi32>, vector<16xi32>], vector<16xf32>,
      %sub3A_344 = arith.subf %gather3A_341, %gather3A_342 : vector<16xf32>
      %sub3A_345 = arith.subf %gather3A_341, %gather3A_343 : vector<16xf32>
      %mul3A_346 = arith.mulf %sub3A_344, %sub3A_344 : vector<16xf32>
      %add3A_347 = arith.addf %scan3A_200, %mul3A_346 : vector<16xf32>
      %mul3A_348 = arith.mulf %sub3A_345, %sub3A_345 : vector<16xf32>
      %add3A_349 = arith.addf %scan3A_208, %mul3A_348 : vector<16xf32>
      %add3A_350 = arith.constant 7 : i32
      %add3A_351 = arith.addi %mul3A_211, %add3A_350 : i32
      %add3A_352 = vector.broadcast %add3A_351 : i32 to vector<16xi32>
      %add3A_353 = arith.addi %select_n3A_52, %add3A_352 : vector<16xi32>
      %ge3A_354 = arith.constant 128 : i32
      %ge3A_355 = vector.broadcast %ge3A_354 : i32 to vector<16xi32>
      %ge3A_356 = arith.cmpi sge, %add3A_353, %ge3A_355 : vector<16xi32>
      %sub3A_357 = arith.constant 128 : i32
      %sub3A_358 = vector.broadcast %sub3A_357 : i32 to vector<16xi32>
      %sub3A_359 = arith.subi %add3A_353, %sub3A_358 : vector<16xi32>
      %select_n3A_360 = arith.select %ge3A_356, %sub3A_359, %add3A_353 : vector<16xi1>, vector<16xi32>
      %gather3A_361 = tpu.vector_load_idx %arg10[%add3A_88, %select_n3A_360] : memref<64x128xf32, #tpu.memory_space<vmem>>[vector<16xi32>, vector<16xi32>], vector<16xf32>,
      %gather3A_362 = tpu.vector_load_idx %arg11[%add3A_88, %select_n3A_360] : memref<64x128xf32, #tpu.memory_space<vmem>>[vector<16xi32>, vector<16xi32>], vector<16xf32>,
      %gather3A_363 = tpu.vector_load_idx %arg12[%add3A_88, %select_n3A_360] : memref<64x128xf32, #tpu.memory_space<vmem>>[vector<16xi32>, vector<16xi32>], vector<16xf32>,
      %sub3A_364 = arith.subf %gather3A_361, %gather3A_362 : vector<16xf32>
      %sub3A_365 = arith.subf %gather3A_361, %gather3A_363 : vector<16xf32>
      %mul3A_366 = arith.mulf %sub3A_364, %sub3A_364 : vector<16xf32>
      %add3A_367 = arith.addf %scan3A_201, %mul3A_366 : vector<16xf32>
      %mul3A_368 = arith.mulf %sub3A_365, %sub3A_365 : vector<16xf32>
      %add3A_369 = arith.addf %scan3A_209, %mul3A_368 : vector<16xf32>
      %scan3A_370 = arith.constant 1 : i32
      %scan3A_371 = arith.addi %scan3A_193, %scan3A_370 : i32
      %mul3A_372 = arith.constant 8 : i32
      %mul3A_373 = arith.muli %scan3A_371, %mul3A_372 : i32
      %add3A_374 = arith.constant 0 : i32
      %add3A_375 = arith.addi %mul3A_373, %add3A_374 : i32
      %add3A_376 = vector.broadcast %add3A_375 : i32 to vector<16xi32>
      %add3A_377 = arith.addi %select_n3A_52, %add3A_376 : vector<16xi32>
      %ge3A_378 = arith.constant 128 : i32
      %ge3A_379 = vector.broadcast %ge3A_378 : i32 to vector<16xi32>
      %ge3A_380 = arith.cmpi sge, %add3A_377, %ge3A_379 : vector<16xi32>
      %sub3A_381 = arith.constant 128 : i32
      %sub3A_382 = vector.broadcast %sub3A_381 : i32 to vector<16xi32>
      %sub3A_383 = arith.subi %add3A_377, %sub3A_382 : vector<16xi32>
      %select_n3A_384 = arith.select %ge3A_380, %sub3A_383, %add3A_377 : vector<16xi1>, vector<16xi32>
      %gather3A_385 = tpu.vector_load_idx %arg10[%add3A_88, %select_n3A_384] : memref<64x128xf32, #tpu.memory_space<vmem>>[vector<16xi32>, vector<16xi32>], vector<16xf32>,
      %gather3A_386 = tpu.vector_load_idx %arg11[%add3A_88, %select_n3A_384] : memref<64x128xf32, #tpu.memory_space<vmem>>[vector<16xi32>, vector<16xi32>], vector<16xf32>,
      %gather3A_387 = tpu.vector_load_idx %arg12[%add3A_88, %select_n3A_384] : memref<64x128xf32, #tpu.memory_space<vmem>>[vector<16xi32>, vector<16xi32>], vector<16xf32>,
      %sub3A_388 = arith.subf %gather3A_385, %gather3A_386 : vector<16xf32>
      %sub3A_389 = arith.subf %gather3A_385, %gather3A_387 : vector<16xf32>
      %mul3A_390 = arith.mulf %sub3A_388, %sub3A_388 : vector<16xf32>
      %add3A_391 = arith.addf %add3A_227, %mul3A_390 : vector<16xf32>
      %mul3A_392 = arith.mulf %sub3A_389, %sub3A_389 : vector<16xf32>
      %add3A_393 = arith.addf %add3A_229, %mul3A_392 : vector<16xf32>
      %add3A_394 = arith.constant 1 : i32
      %add3A_395 = arith.addi %mul3A_373, %add3A_394 : i32
      %add3A_396 = vector.broadcast %add3A_395 : i32 to vector<16xi32>
      %add3A_397 = arith.addi %select_n3A_52, %add3A_396 : vector<16xi32>
      %ge3A_398 = arith.constant 128 : i32
      %ge3A_399 = vector.broadcast %ge3A_398 : i32 to vector<16xi32>
      %ge3A_400 = arith.cmpi sge, %add3A_397, %ge3A_399 : vector<16xi32>
      %sub3A_401 = arith.constant 128 : i32
      %sub3A_402 = vector.broadcast %sub3A_401 : i32 to vector<16xi32>
      %sub3A_403 = arith.subi %add3A_397, %sub3A_402 : vector<16xi32>
      %select_n3A_404 = arith.select %ge3A_400, %sub3A_403, %add3A_397 : vector<16xi1>, vector<16xi32>
      %gather3A_405 = tpu.vector_load_idx %arg10[%add3A_88, %select_n3A_404] : memref<64x128xf32, #tpu.memory_space<vmem>>[vector<16xi32>, vector<16xi32>], vector<16xf32>,
      %gather3A_406 = tpu.vector_load_idx %arg11[%add3A_88, %select_n3A_404] : memref<64x128xf32, #tpu.memory_space<vmem>>[vector<16xi32>, vector<16xi32>], vector<16xf32>,
      %gather3A_407 = tpu.vector_load_idx %arg12[%add3A_88, %select_n3A_404] : memref<64x128xf32, #tpu.memory_space<vmem>>[vector<16xi32>, vector<16xi32>], vector<16xf32>,
      %sub3A_408 = arith.subf %gather3A_405, %gather3A_406 : vector<16xf32>
      %sub3A_409 = arith.subf %gather3A_405, %gather3A_407 : vector<16xf32>
      %mul3A_410 = arith.mulf %sub3A_408, %sub3A_408 : vector<16xf32>
      %add3A_411 = arith.addf %add3A_247, %mul3A_410 : vector<16xf32>
      %mul3A_412 = arith.mulf %sub3A_409, %sub3A_409 : vector<16xf32>
      %add3A_413 = arith.addf %add3A_249, %mul3A_412 : vector<16xf32>
      %add3A_414 = arith.constant 2 : i32
      %add3A_415 = arith.addi %mul3A_373, %add3A_414 : i32
      %add3A_416 = vector.broadcast %add3A_415 : i32 to vector<16xi32>
      %add3A_417 = arith.addi %select_n3A_52, %add3A_416 : vector<16xi32>
      %ge3A_418 = arith.constant 128 : i32
      %ge3A_419 = vector.broadcast %ge3A_418 : i32 to vector<16xi32>
      %ge3A_420 = arith.cmpi sge, %add3A_417, %ge3A_419 : vector<16xi32>
      %sub3A_421 = arith.constant 128 : i32
      %sub3A_422 = vector.broadcast %sub3A_421 : i32 to vector<16xi32>
      %sub3A_423 = arith.subi %add3A_417, %sub3A_422 : vector<16xi32>
      %select_n3A_424 = arith.select %ge3A_420, %sub3A_423, %add3A_417 : vector<16xi1>, vector<16xi32>
      %gather3A_425 = tpu.vector_load_idx %arg10[%add3A_88, %select_n3A_424] : memref<64x128xf32, #tpu.memory_space<vmem>>[vector<16xi32>, vector<16xi32>], vector<16xf32>,
      %gather3A_426 = tpu.vector_load_idx %arg11[%add3A_88, %select_n3A_424] : memref<64x128xf32, #tpu.memory_space<vmem>>[vector<16xi32>, vector<16xi32>], vector<16xf32>,
      %gather3A_427 = tpu.vector_load_idx %arg12[%add3A_88, %select_n3A_424] : memref<64x128xf32, #tpu.memory_space<vmem>>[vector<16xi32>, vector<16xi32>], vector<16xf32>,
      %sub3A_428 = arith.subf %gather3A_425, %gather3A_426 : vector<16xf32>
      %sub3A_429 = arith.subf %gather3A_425, %gather3A_427 : vector<16xf32>
      %mul3A_430 = arith.mulf %sub3A_428, %sub3A_428 : vector<16xf32>
      %add3A_431 = arith.addf %add3A_267, %mul3A_430 : vector<16xf32>
      %mul3A_432 = arith.mulf %sub3A_429, %sub3A_429 : vector<16xf32>
      %add3A_433 = arith.addf %add3A_269, %mul3A_432 : vector<16xf32>
      %add3A_434 = arith.constant 3 : i32
      %add3A_435 = arith.addi %mul3A_373, %add3A_434 : i32
      %add3A_436 = vector.broadcast %add3A_435 : i32 to vector<16xi32>
      %add3A_437 = arith.addi %select_n3A_52, %add3A_436 : vector<16xi32>
      %ge3A_438 = arith.constant 128 : i32
      %ge3A_439 = vector.broadcast %ge3A_438 : i32 to vector<16xi32>
      %ge3A_440 = arith.cmpi sge, %add3A_437, %ge3A_439 : vector<16xi32>
      %sub3A_441 = arith.constant 128 : i32
      %sub3A_442 = vector.broadcast %sub3A_441 : i32 to vector<16xi32>
      %sub3A_443 = arith.subi %add3A_437, %sub3A_442 : vector<16xi32>
      %select_n3A_444 = arith.select %ge3A_440, %sub3A_443, %add3A_437 : vector<16xi1>, vector<16xi32>
      %gather3A_445 = tpu.vector_load_idx %arg10[%add3A_88, %select_n3A_444] : memref<64x128xf32, #tpu.memory_space<vmem>>[vector<16xi32>, vector<16xi32>], vector<16xf32>,
      %gather3A_446 = tpu.vector_load_idx %arg11[%add3A_88, %select_n3A_444] : memref<64x128xf32, #tpu.memory_space<vmem>>[vector<16xi32>, vector<16xi32>], vector<16xf32>,
      %gather3A_447 = tpu.vector_load_idx %arg12[%add3A_88, %select_n3A_444] : memref<64x128xf32, #tpu.memory_space<vmem>>[vector<16xi32>, vector<16xi32>], vector<16xf32>,
      %sub3A_448 = arith.subf %gather3A_445, %gather3A_446 : vector<16xf32>
      %sub3A_449 = arith.subf %gather3A_445, %gather3A_447 : vector<16xf32>
      %mul3A_450 = arith.mulf %sub3A_448, %sub3A_448 : vector<16xf32>
      %add3A_451 = arith.addf %add3A_287, %mul3A_450 : vector<16xf32>
      %mul3A_452 = arith.mulf %sub3A_449, %sub3A_449 : vector<16xf32>
      %add3A_453 = arith.addf %add3A_289, %mul3A_452 : vector<16xf32>
      %add3A_454 = arith.constant 4 : i32
      %add3A_455 = arith.addi %mul3A_373, %add3A_454 : i32
      %add3A_456 = vector.broadcast %add3A_455 : i32 to vector<16xi32>
      %add3A_457 = arith.addi %select_n3A_52, %add3A_456 : vector<16xi32>
      %ge3A_458 = arith.constant 128 : i32
      %ge3A_459 = vector.broadcast %ge3A_458 : i32 to vector<16xi32>
      %ge3A_460 = arith.cmpi sge, %add3A_457, %ge3A_459 : vector<16xi32>
      %sub3A_461 = arith.constant 128 : i32
      %sub3A_462 = vector.broadcast %sub3A_461 : i32 to vector<16xi32>
      %sub3A_463 = arith.subi %add3A_457, %sub3A_462 : vector<16xi32>
      %select_n3A_464 = arith.select %ge3A_460, %sub3A_463, %add3A_457 : vector<16xi1>, vector<16xi32>
      %gather3A_465 = tpu.vector_load_idx %arg10[%add3A_88, %select_n3A_464] : memref<64x128xf32, #tpu.memory_space<vmem>>[vector<16xi32>, vector<16xi32>], vector<16xf32>,
      %gather3A_466 = tpu.vector_load_idx %arg11[%add3A_88, %select_n3A_464] : memref<64x128xf32, #tpu.memory_space<vmem>>[vector<16xi32>, vector<16xi32>], vector<16xf32>,
      %gather3A_467 = tpu.vector_load_idx %arg12[%add3A_88, %select_n3A_464] : memref<64x128xf32, #tpu.memory_space<vmem>>[vector<16xi32>, vector<16xi32>], vector<16xf32>,
      %sub3A_468 = arith.subf %gather3A_465, %gather3A_466 : vector<16xf32>
      %sub3A_469 = arith.subf %gather3A_465, %gather3A_467 : vector<16xf32>
      %mul3A_470 = arith.mulf %sub3A_468, %sub3A_468 : vector<16xf32>
      %add3A_471 = arith.addf %add3A_307, %mul3A_470 : vector<16xf32>
      %mul3A_472 = arith.mulf %sub3A_469, %sub3A_469 : vector<16xf32>
      %add3A_473 = arith.addf %add3A_309, %mul3A_472 : vector<16xf32>
      %add3A_474 = arith.constant 5 : i32
      %add3A_475 = arith.addi %mul3A_373, %add3A_474 : i32
      %add3A_476 = vector.broadcast %add3A_475 : i32 to vector<16xi32>
      %add3A_477 = arith.addi %select_n3A_52, %add3A_476 : vector<16xi32>
      %ge3A_478 = arith.constant 128 : i32
      %ge3A_479 = vector.broadcast %ge3A_478 : i32 to vector<16xi32>
      %ge3A_480 = arith.cmpi sge, %add3A_477, %ge3A_479 : vector<16xi32>
      %sub3A_481 = arith.constant 128 : i32
      %sub3A_482 = vector.broadcast %sub3A_481 : i32 to vector<16xi32>
      %sub3A_483 = arith.subi %add3A_477, %sub3A_482 : vector<16xi32>
      %select_n3A_484 = arith.select %ge3A_480, %sub3A_483, %add3A_477 : vector<16xi1>, vector<16xi32>
      %gather3A_485 = tpu.vector_load_idx %arg10[%add3A_88, %select_n3A_484] : memref<64x128xf32, #tpu.memory_space<vmem>>[vector<16xi32>, vector<16xi32>], vector<16xf32>,
      %gather3A_486 = tpu.vector_load_idx %arg11[%add3A_88, %select_n3A_484] : memref<64x128xf32, #tpu.memory_space<vmem>>[vector<16xi32>, vector<16xi32>], vector<16xf32>,
      %gather3A_487 = tpu.vector_load_idx %arg12[%add3A_88, %select_n3A_484] : memref<64x128xf32, #tpu.memory_space<vmem>>[vector<16xi32>, vector<16xi32>], vector<16xf32>,
      %sub3A_488 = arith.subf %gather3A_485, %gather3A_486 : vector<16xf32>
      %sub3A_489 = arith.subf %gather3A_485, %gather3A_487 : vector<16xf32>
      %mul3A_490 = arith.mulf %sub3A_488, %sub3A_488 : vector<16xf32>
      %add3A_491 = arith.addf %add3A_327, %mul3A_490 : vector<16xf32>
      %mul3A_492 = arith.mulf %sub3A_489, %sub3A_489 : vector<16xf32>
      %add3A_493 = arith.addf %add3A_329, %mul3A_492 : vector<16xf32>
      %add3A_494 = arith.constant 6 : i32
      %add3A_495 = arith.addi %mul3A_373, %add3A_494 : i32
      %add3A_496 = vector.broadcast %add3A_495 : i32 to vector<16xi32>
      %add3A_497 = arith.addi %select_n3A_52, %add3A_496 : vector<16xi32>
      %ge3A_498 = arith.constant 128 : i32
      %ge3A_499 = vector.broadcast %ge3A_498 : i32 to vector<16xi32>
      %ge3A_500 = arith.cmpi sge, %add3A_497, %ge3A_499 : vector<16xi32>
      %sub3A_501 = arith.constant 128 : i32
      %sub3A_502 = vector.broadcast %sub3A_501 : i32 to vector<16xi32>
      %sub3A_503 = arith.subi %add3A_497, %sub3A_502 : vector<16xi32>
      %select_n3A_504 = arith.select %ge3A_500, %sub3A_503, %add3A_497 : vector<16xi1>, vector<16xi32>
      %gather3A_505 = tpu.vector_load_idx %arg10[%add3A_88, %select_n3A_504] : memref<64x128xf32, #tpu.memory_space<vmem>>[vector<16xi32>, vector<16xi32>], vector<16xf32>,
      %gather3A_506 = tpu.vector_load_idx %arg11[%add3A_88, %select_n3A_504] : memref<64x128xf32, #tpu.memory_space<vmem>>[vector<16xi32>, vector<16xi32>], vector<16xf32>,
      %gather3A_507 = tpu.vector_load_idx %arg12[%add3A_88, %select_n3A_504] : memref<64x128xf32, #tpu.memory_space<vmem>>[vector<16xi32>, vector<16xi32>], vector<16xf32>,
      %sub3A_508 = arith.subf %gather3A_505, %gather3A_506 : vector<16xf32>
      %sub3A_509 = arith.subf %gather3A_505, %gather3A_507 : vector<16xf32>
      %mul3A_510 = arith.mulf %sub3A_508, %sub3A_508 : vector<16xf32>
      %add3A_511 = arith.addf %add3A_347, %mul3A_510 : vector<16xf32>
      %mul3A_512 = arith.mulf %sub3A_509, %sub3A_509 : vector<16xf32>
      %add3A_513 = arith.addf %add3A_349, %mul3A_512 : vector<16xf32>
      %add3A_514 = arith.constant 7 : i32
      %add3A_515 = arith.addi %mul3A_373, %add3A_514 : i32
      %add3A_516 = vector.broadcast %add3A_515 : i32 to vector<16xi32>
      %add3A_517 = arith.addi %select_n3A_52, %add3A_516 : vector<16xi32>
      %ge3A_518 = arith.constant 128 : i32
      %ge3A_519 = vector.broadcast %ge3A_518 : i32 to vector<16xi32>
      %ge3A_520 = arith.cmpi sge, %add3A_517, %ge3A_519 : vector<16xi32>
      %sub3A_521 = arith.constant 128 : i32
      %sub3A_522 = vector.broadcast %sub3A_521 : i32 to vector<16xi32>
      %sub3A_523 = arith.subi %add3A_517, %sub3A_522 : vector<16xi32>
      %select_n3A_524 = arith.select %ge3A_520, %sub3A_523, %add3A_517 : vector<16xi1>, vector<16xi32>
      %gather3A_525 = tpu.vector_load_idx %arg10[%add3A_88, %select_n3A_524] : memref<64x128xf32, #tpu.memory_space<vmem>>[vector<16xi32>, vector<16xi32>], vector<16xf32>,
      %gather3A_526 = tpu.vector_load_idx %arg11[%add3A_88, %select_n3A_524] : memref<64x128xf32, #tpu.memory_space<vmem>>[vector<16xi32>, vector<16xi32>], vector<16xf32>,
      %gather3A_527 = tpu.vector_load_idx %arg12[%add3A_88, %select_n3A_524] : memref<64x128xf32, #tpu.memory_space<vmem>>[vector<16xi32>, vector<16xi32>], vector<16xf32>,
      %sub3A_528 = arith.subf %gather3A_525, %gather3A_526 : vector<16xf32>
      %sub3A_529 = arith.subf %gather3A_525, %gather3A_527 : vector<16xf32>
      %mul3A_530 = arith.mulf %sub3A_528, %sub3A_528 : vector<16xf32>
      %add3A_531 = arith.addf %add3A_367, %mul3A_530 : vector<16xf32>
      %mul3A_532 = arith.mulf %sub3A_529, %sub3A_529 : vector<16xf32>
      %add3A_533 = arith.addf %add3A_369, %mul3A_532 : vector<16xf32>
      scf.yield %add3A_391, %add3A_411, %add3A_431, %add3A_451, %add3A_471, %add3A_491, %add3A_511, %add3A_531, %add3A_393, %add3A_413, %add3A_433, %add3A_453, %add3A_473, %add3A_493, %add3A_513, %add3A_533 : vector<16xf32>, vector<16xf32>, vector<16xf32>, vector<16xf32>, vector<16xf32>, vector<16xf32>, vector<16xf32>, vector<16xf32>, vector<16xf32>, vector<16xf32>, vector<16xf32>, vector<16xf32>, vector<16xf32>, vector<16xf32>, vector<16xf32>, vector<16xf32>
    }
    %scan3A_98 = arith.constant 16 : i32
    %add3A_99 = arith.addf %scan3A_97#0, %scan3A_97#4 : vector<16xf32>
    %add3A_100 = arith.addf %scan3A_97#8, %scan3A_97#12 : vector<16xf32>
    %add3A_101 = arith.addf %scan3A_97#1, %scan3A_97#5 : vector<16xf32>
    %add3A_102 = arith.addf %scan3A_97#9, %scan3A_97#13 : vector<16xf32>
    %add3A_103 = arith.addf %scan3A_97#2, %scan3A_97#6 : vector<16xf32>
    %add3A_104 = arith.addf %scan3A_97#10, %scan3A_97#14 : vector<16xf32>
    %add3A_105 = arith.addf %scan3A_97#3, %scan3A_97#7 : vector<16xf32>
    %add3A_106 = arith.addf %scan3A_97#11, %scan3A_97#15 : vector<16xf32>
    %add3A_107 = arith.addf %add3A_99, %add3A_103 : vector<16xf32>
    %add3A_108 = arith.addf %add3A_100, %add3A_104 : vector<16xf32>
    %add3A_109 = arith.addf %add3A_101, %add3A_105 : vector<16xf32>
    %add3A_110 = arith.addf %add3A_102, %add3A_106 : vector<16xf32>
    %add3A_111 = arith.addf %add3A_107, %add3A_109 : vector<16xf32>
    %add3A_112 = arith.addf %add3A_108, %add3A_110 : vector<16xf32>
    %lt3A_113 = arith.cmpf olt, %add3A_112, %add3A_111 : vector<16xf32>
    %eq3A_114 = arith.cmpf oeq, %add3A_112, %add3A_111 : vector<16xf32>
    %lt3A_115 = arith.cmpi slt, %get3A_92, %get3A_90 : vector<16xi32>
    %and3A_116 = arith.andi %eq3A_114, %lt3A_115 : vector<16xi1>
    %or3A_117 = arith.ori %lt3A_113, %and3A_116 : vector<16xi1>
    %select_n3A_118 = arith.select %or3A_117, %get3A_92, %get3A_90 : vector<16xi1>, vector<16xi32>
    %gather3A_119 = tpu.vector_load_idx %arg13[%select_n3A_118, %broadcast_in_dim3A_31] : memref<1024x2xi32, #tpu.memory_space<vmem>>[vector<16xi32>, vector<16xi32>], vector<16xi32>,
    %gather3A_120 = tpu.vector_load_idx %arg13[%select_n3A_118, %add3A_34] : memref<1024x2xi32, #tpu.memory_space<vmem>>[vector<16xi32>, vector<16xi32>], vector<16xi32>,
    tpu.vector_store_idx %arg14[%add3A_88, %broadcast_in_dim3A_31], %gather3A_119 : memref<64x2xi32, #tpu.memory_space<vmem>>[vector<16xi32>, vector<16xi32>], vector<16xi32>,
    tpu.vector_store_idx %arg14[%add3A_88, %add3A_34], %gather3A_120 : memref<64x2xi32, #tpu.memory_space<vmem>>[vector<16xi32>, vector<16xi32>], vector<16xi32>,
    %iota3A_121 = tpu.iota {dimensions = array<i32: 0>} : vector<16xi32>
    %add3A_122 = arith.constant 32 : i32
    %add3A_123 = vector.broadcast %add3A_122 : i32 to vector<16xi32>
    %add3A_124 = arith.addi %iota3A_121, %add3A_123 : vector<16xi32>
    %get3A_125 = arith.constant 32 : index
    %get3A_126 = tpu.vector_load %arg8[%get3A_125] {strides = array<i32>} : memref<64xi32, #tpu.memory_space<vmem>>, vector<16xi32>,
    %get3A_127 = arith.constant 32 : index
    %get3A_128 = tpu.vector_load %arg9[%get3A_127] {strides = array<i32>} : memref<64xi32, #tpu.memory_space<vmem>>, vector<16xi32>,
    %scan3A_129 = arith.constant 0 : i32
    %scan3A_130 = arith.constant 16 : i32
    %scan3A_131 = arith.addi %scan3A_129, %scan3A_130 : i32
    %scan3A_132 = arith.constant 2 : i32
    %scan3A_133:16 = scf.for %scan3A_193 = %scan3A_129 to %scan3A_131 step %scan3A_132 iter_args(%scan3A_194 = %broadcast_in_dim3A_29, %scan3A_195 = %broadcast_in_dim3A_29, %scan3A_196 = %broadcast_in_dim3A_29, %scan3A_197 = %broadcast_in_dim3A_29, %scan3A_198 = %broadcast_in_dim3A_29, %scan3A_199 = %broadcast_in_dim3A_29, %scan3A_200 = %broadcast_in_dim3A_29, %scan3A_201 = %broadcast_in_dim3A_29, %scan3A_202 = %broadcast_in_dim3A_29, %scan3A_203 = %broadcast_in_dim3A_29, %scan3A_204 = %broadcast_in_dim3A_29, %scan3A_205 = %broadcast_in_dim3A_29, %scan3A_206 = %broadcast_in_dim3A_29, %scan3A_207 = %broadcast_in_dim3A_29, %scan3A_208 = %broadcast_in_dim3A_29, %scan3A_209 = %broadcast_in_dim3A_29) -> (vector<16xf32>, vector<16xf32>, vector<16xf32>, vector<16xf32>, vector<16xf32>, vector<16xf32>, vector<16xf32>, vector<16xf32>, vector<16xf32>, vector<16xf32>, vector<16xf32>, vector<16xf32>, vector<16xf32>, vector<16xf32>, vector<16xf32>, vector<16xf32>)  : i32 {
      %mul3A_210 = arith.constant 8 : i32
      %mul3A_211 = arith.muli %scan3A_193, %mul3A_210 : i32
      %add3A_212 = arith.constant 0 : i32
      %add3A_213 = arith.addi %mul3A_211, %add3A_212 : i32
      %add3A_214 = vector.broadcast %add3A_213 : i32 to vector<16xi32>
      %add3A_215 = arith.addi %select_n3A_52, %add3A_214 : vector<16xi32>
      %ge3A = arith.constant 128 : i32
      %ge3A_216 = vector.broadcast %ge3A : i32 to vector<16xi32>
      %ge3A_217 = arith.cmpi sge, %add3A_215, %ge3A_216 : vector<16xi32>
      %sub3A = arith.constant 128 : i32
      %sub3A_218 = vector.broadcast %sub3A : i32 to vector<16xi32>
      %sub3A_219 = arith.subi %add3A_215, %sub3A_218 : vector<16xi32>
      %select_n3A_220 = arith.select %ge3A_217, %sub3A_219, %add3A_215 : vector<16xi1>, vector<16xi32>
      %gather3A_221 = tpu.vector_load_idx %arg10[%add3A_124, %select_n3A_220] : memref<64x128xf32, #tpu.memory_space<vmem>>[vector<16xi32>, vector<16xi32>], vector<16xf32>,
      %gather3A_222 = tpu.vector_load_idx %arg11[%add3A_124, %select_n3A_220] : memref<64x128xf32, #tpu.memory_space<vmem>>[vector<16xi32>, vector<16xi32>], vector<16xf32>,
      %gather3A_223 = tpu.vector_load_idx %arg12[%add3A_124, %select_n3A_220] : memref<64x128xf32, #tpu.memory_space<vmem>>[vector<16xi32>, vector<16xi32>], vector<16xf32>,
      %sub3A_224 = arith.subf %gather3A_221, %gather3A_222 : vector<16xf32>
      %sub3A_225 = arith.subf %gather3A_221, %gather3A_223 : vector<16xf32>
      %mul3A_226 = arith.mulf %sub3A_224, %sub3A_224 : vector<16xf32>
      %add3A_227 = arith.addf %scan3A_194, %mul3A_226 : vector<16xf32>
      %mul3A_228 = arith.mulf %sub3A_225, %sub3A_225 : vector<16xf32>
      %add3A_229 = arith.addf %scan3A_202, %mul3A_228 : vector<16xf32>
      %add3A_230 = arith.constant 1 : i32
      %add3A_231 = arith.addi %mul3A_211, %add3A_230 : i32
      %add3A_232 = vector.broadcast %add3A_231 : i32 to vector<16xi32>
      %add3A_233 = arith.addi %select_n3A_52, %add3A_232 : vector<16xi32>
      %ge3A_234 = arith.constant 128 : i32
      %ge3A_235 = vector.broadcast %ge3A_234 : i32 to vector<16xi32>
      %ge3A_236 = arith.cmpi sge, %add3A_233, %ge3A_235 : vector<16xi32>
      %sub3A_237 = arith.constant 128 : i32
      %sub3A_238 = vector.broadcast %sub3A_237 : i32 to vector<16xi32>
      %sub3A_239 = arith.subi %add3A_233, %sub3A_238 : vector<16xi32>
      %select_n3A_240 = arith.select %ge3A_236, %sub3A_239, %add3A_233 : vector<16xi1>, vector<16xi32>
      %gather3A_241 = tpu.vector_load_idx %arg10[%add3A_124, %select_n3A_240] : memref<64x128xf32, #tpu.memory_space<vmem>>[vector<16xi32>, vector<16xi32>], vector<16xf32>,
      %gather3A_242 = tpu.vector_load_idx %arg11[%add3A_124, %select_n3A_240] : memref<64x128xf32, #tpu.memory_space<vmem>>[vector<16xi32>, vector<16xi32>], vector<16xf32>,
      %gather3A_243 = tpu.vector_load_idx %arg12[%add3A_124, %select_n3A_240] : memref<64x128xf32, #tpu.memory_space<vmem>>[vector<16xi32>, vector<16xi32>], vector<16xf32>,
      %sub3A_244 = arith.subf %gather3A_241, %gather3A_242 : vector<16xf32>
      %sub3A_245 = arith.subf %gather3A_241, %gather3A_243 : vector<16xf32>
      %mul3A_246 = arith.mulf %sub3A_244, %sub3A_244 : vector<16xf32>
      %add3A_247 = arith.addf %scan3A_195, %mul3A_246 : vector<16xf32>
      %mul3A_248 = arith.mulf %sub3A_245, %sub3A_245 : vector<16xf32>
      %add3A_249 = arith.addf %scan3A_203, %mul3A_248 : vector<16xf32>
      %add3A_250 = arith.constant 2 : i32
      %add3A_251 = arith.addi %mul3A_211, %add3A_250 : i32
      %add3A_252 = vector.broadcast %add3A_251 : i32 to vector<16xi32>
      %add3A_253 = arith.addi %select_n3A_52, %add3A_252 : vector<16xi32>
      %ge3A_254 = arith.constant 128 : i32
      %ge3A_255 = vector.broadcast %ge3A_254 : i32 to vector<16xi32>
      %ge3A_256 = arith.cmpi sge, %add3A_253, %ge3A_255 : vector<16xi32>
      %sub3A_257 = arith.constant 128 : i32
      %sub3A_258 = vector.broadcast %sub3A_257 : i32 to vector<16xi32>
      %sub3A_259 = arith.subi %add3A_253, %sub3A_258 : vector<16xi32>
      %select_n3A_260 = arith.select %ge3A_256, %sub3A_259, %add3A_253 : vector<16xi1>, vector<16xi32>
      %gather3A_261 = tpu.vector_load_idx %arg10[%add3A_124, %select_n3A_260] : memref<64x128xf32, #tpu.memory_space<vmem>>[vector<16xi32>, vector<16xi32>], vector<16xf32>,
      %gather3A_262 = tpu.vector_load_idx %arg11[%add3A_124, %select_n3A_260] : memref<64x128xf32, #tpu.memory_space<vmem>>[vector<16xi32>, vector<16xi32>], vector<16xf32>,
      %gather3A_263 = tpu.vector_load_idx %arg12[%add3A_124, %select_n3A_260] : memref<64x128xf32, #tpu.memory_space<vmem>>[vector<16xi32>, vector<16xi32>], vector<16xf32>,
      %sub3A_264 = arith.subf %gather3A_261, %gather3A_262 : vector<16xf32>
      %sub3A_265 = arith.subf %gather3A_261, %gather3A_263 : vector<16xf32>
      %mul3A_266 = arith.mulf %sub3A_264, %sub3A_264 : vector<16xf32>
      %add3A_267 = arith.addf %scan3A_196, %mul3A_266 : vector<16xf32>
      %mul3A_268 = arith.mulf %sub3A_265, %sub3A_265 : vector<16xf32>
      %add3A_269 = arith.addf %scan3A_204, %mul3A_268 : vector<16xf32>
      %add3A_270 = arith.constant 3 : i32
      %add3A_271 = arith.addi %mul3A_211, %add3A_270 : i32
      %add3A_272 = vector.broadcast %add3A_271 : i32 to vector<16xi32>
      %add3A_273 = arith.addi %select_n3A_52, %add3A_272 : vector<16xi32>
      %ge3A_274 = arith.constant 128 : i32
      %ge3A_275 = vector.broadcast %ge3A_274 : i32 to vector<16xi32>
      %ge3A_276 = arith.cmpi sge, %add3A_273, %ge3A_275 : vector<16xi32>
      %sub3A_277 = arith.constant 128 : i32
      %sub3A_278 = vector.broadcast %sub3A_277 : i32 to vector<16xi32>
      %sub3A_279 = arith.subi %add3A_273, %sub3A_278 : vector<16xi32>
      %select_n3A_280 = arith.select %ge3A_276, %sub3A_279, %add3A_273 : vector<16xi1>, vector<16xi32>
      %gather3A_281 = tpu.vector_load_idx %arg10[%add3A_124, %select_n3A_280] : memref<64x128xf32, #tpu.memory_space<vmem>>[vector<16xi32>, vector<16xi32>], vector<16xf32>,
      %gather3A_282 = tpu.vector_load_idx %arg11[%add3A_124, %select_n3A_280] : memref<64x128xf32, #tpu.memory_space<vmem>>[vector<16xi32>, vector<16xi32>], vector<16xf32>,
      %gather3A_283 = tpu.vector_load_idx %arg12[%add3A_124, %select_n3A_280] : memref<64x128xf32, #tpu.memory_space<vmem>>[vector<16xi32>, vector<16xi32>], vector<16xf32>,
      %sub3A_284 = arith.subf %gather3A_281, %gather3A_282 : vector<16xf32>
      %sub3A_285 = arith.subf %gather3A_281, %gather3A_283 : vector<16xf32>
      %mul3A_286 = arith.mulf %sub3A_284, %sub3A_284 : vector<16xf32>
      %add3A_287 = arith.addf %scan3A_197, %mul3A_286 : vector<16xf32>
      %mul3A_288 = arith.mulf %sub3A_285, %sub3A_285 : vector<16xf32>
      %add3A_289 = arith.addf %scan3A_205, %mul3A_288 : vector<16xf32>
      %add3A_290 = arith.constant 4 : i32
      %add3A_291 = arith.addi %mul3A_211, %add3A_290 : i32
      %add3A_292 = vector.broadcast %add3A_291 : i32 to vector<16xi32>
      %add3A_293 = arith.addi %select_n3A_52, %add3A_292 : vector<16xi32>
      %ge3A_294 = arith.constant 128 : i32
      %ge3A_295 = vector.broadcast %ge3A_294 : i32 to vector<16xi32>
      %ge3A_296 = arith.cmpi sge, %add3A_293, %ge3A_295 : vector<16xi32>
      %sub3A_297 = arith.constant 128 : i32
      %sub3A_298 = vector.broadcast %sub3A_297 : i32 to vector<16xi32>
      %sub3A_299 = arith.subi %add3A_293, %sub3A_298 : vector<16xi32>
      %select_n3A_300 = arith.select %ge3A_296, %sub3A_299, %add3A_293 : vector<16xi1>, vector<16xi32>
      %gather3A_301 = tpu.vector_load_idx %arg10[%add3A_124, %select_n3A_300] : memref<64x128xf32, #tpu.memory_space<vmem>>[vector<16xi32>, vector<16xi32>], vector<16xf32>,
      %gather3A_302 = tpu.vector_load_idx %arg11[%add3A_124, %select_n3A_300] : memref<64x128xf32, #tpu.memory_space<vmem>>[vector<16xi32>, vector<16xi32>], vector<16xf32>,
      %gather3A_303 = tpu.vector_load_idx %arg12[%add3A_124, %select_n3A_300] : memref<64x128xf32, #tpu.memory_space<vmem>>[vector<16xi32>, vector<16xi32>], vector<16xf32>,
      %sub3A_304 = arith.subf %gather3A_301, %gather3A_302 : vector<16xf32>
      %sub3A_305 = arith.subf %gather3A_301, %gather3A_303 : vector<16xf32>
      %mul3A_306 = arith.mulf %sub3A_304, %sub3A_304 : vector<16xf32>
      %add3A_307 = arith.addf %scan3A_198, %mul3A_306 : vector<16xf32>
      %mul3A_308 = arith.mulf %sub3A_305, %sub3A_305 : vector<16xf32>
      %add3A_309 = arith.addf %scan3A_206, %mul3A_308 : vector<16xf32>
      %add3A_310 = arith.constant 5 : i32
      %add3A_311 = arith.addi %mul3A_211, %add3A_310 : i32
      %add3A_312 = vector.broadcast %add3A_311 : i32 to vector<16xi32>
      %add3A_313 = arith.addi %select_n3A_52, %add3A_312 : vector<16xi32>
      %ge3A_314 = arith.constant 128 : i32
      %ge3A_315 = vector.broadcast %ge3A_314 : i32 to vector<16xi32>
      %ge3A_316 = arith.cmpi sge, %add3A_313, %ge3A_315 : vector<16xi32>
      %sub3A_317 = arith.constant 128 : i32
      %sub3A_318 = vector.broadcast %sub3A_317 : i32 to vector<16xi32>
      %sub3A_319 = arith.subi %add3A_313, %sub3A_318 : vector<16xi32>
      %select_n3A_320 = arith.select %ge3A_316, %sub3A_319, %add3A_313 : vector<16xi1>, vector<16xi32>
      %gather3A_321 = tpu.vector_load_idx %arg10[%add3A_124, %select_n3A_320] : memref<64x128xf32, #tpu.memory_space<vmem>>[vector<16xi32>, vector<16xi32>], vector<16xf32>,
      %gather3A_322 = tpu.vector_load_idx %arg11[%add3A_124, %select_n3A_320] : memref<64x128xf32, #tpu.memory_space<vmem>>[vector<16xi32>, vector<16xi32>], vector<16xf32>,
      %gather3A_323 = tpu.vector_load_idx %arg12[%add3A_124, %select_n3A_320] : memref<64x128xf32, #tpu.memory_space<vmem>>[vector<16xi32>, vector<16xi32>], vector<16xf32>,
      %sub3A_324 = arith.subf %gather3A_321, %gather3A_322 : vector<16xf32>
      %sub3A_325 = arith.subf %gather3A_321, %gather3A_323 : vector<16xf32>
      %mul3A_326 = arith.mulf %sub3A_324, %sub3A_324 : vector<16xf32>
      %add3A_327 = arith.addf %scan3A_199, %mul3A_326 : vector<16xf32>
      %mul3A_328 = arith.mulf %sub3A_325, %sub3A_325 : vector<16xf32>
      %add3A_329 = arith.addf %scan3A_207, %mul3A_328 : vector<16xf32>
      %add3A_330 = arith.constant 6 : i32
      %add3A_331 = arith.addi %mul3A_211, %add3A_330 : i32
      %add3A_332 = vector.broadcast %add3A_331 : i32 to vector<16xi32>
      %add3A_333 = arith.addi %select_n3A_52, %add3A_332 : vector<16xi32>
      %ge3A_334 = arith.constant 128 : i32
      %ge3A_335 = vector.broadcast %ge3A_334 : i32 to vector<16xi32>
      %ge3A_336 = arith.cmpi sge, %add3A_333, %ge3A_335 : vector<16xi32>
      %sub3A_337 = arith.constant 128 : i32
      %sub3A_338 = vector.broadcast %sub3A_337 : i32 to vector<16xi32>
      %sub3A_339 = arith.subi %add3A_333, %sub3A_338 : vector<16xi32>
      %select_n3A_340 = arith.select %ge3A_336, %sub3A_339, %add3A_333 : vector<16xi1>, vector<16xi32>
      %gather3A_341 = tpu.vector_load_idx %arg10[%add3A_124, %select_n3A_340] : memref<64x128xf32, #tpu.memory_space<vmem>>[vector<16xi32>, vector<16xi32>], vector<16xf32>,
      %gather3A_342 = tpu.vector_load_idx %arg11[%add3A_124, %select_n3A_340] : memref<64x128xf32, #tpu.memory_space<vmem>>[vector<16xi32>, vector<16xi32>], vector<16xf32>,
      %gather3A_343 = tpu.vector_load_idx %arg12[%add3A_124, %select_n3A_340] : memref<64x128xf32, #tpu.memory_space<vmem>>[vector<16xi32>, vector<16xi32>], vector<16xf32>,
      %sub3A_344 = arith.subf %gather3A_341, %gather3A_342 : vector<16xf32>
      %sub3A_345 = arith.subf %gather3A_341, %gather3A_343 : vector<16xf32>
      %mul3A_346 = arith.mulf %sub3A_344, %sub3A_344 : vector<16xf32>
      %add3A_347 = arith.addf %scan3A_200, %mul3A_346 : vector<16xf32>
      %mul3A_348 = arith.mulf %sub3A_345, %sub3A_345 : vector<16xf32>
      %add3A_349 = arith.addf %scan3A_208, %mul3A_348 : vector<16xf32>
      %add3A_350 = arith.constant 7 : i32
      %add3A_351 = arith.addi %mul3A_211, %add3A_350 : i32
      %add3A_352 = vector.broadcast %add3A_351 : i32 to vector<16xi32>
      %add3A_353 = arith.addi %select_n3A_52, %add3A_352 : vector<16xi32>
      %ge3A_354 = arith.constant 128 : i32
      %ge3A_355 = vector.broadcast %ge3A_354 : i32 to vector<16xi32>
      %ge3A_356 = arith.cmpi sge, %add3A_353, %ge3A_355 : vector<16xi32>
      %sub3A_357 = arith.constant 128 : i32
      %sub3A_358 = vector.broadcast %sub3A_357 : i32 to vector<16xi32>
      %sub3A_359 = arith.subi %add3A_353, %sub3A_358 : vector<16xi32>
      %select_n3A_360 = arith.select %ge3A_356, %sub3A_359, %add3A_353 : vector<16xi1>, vector<16xi32>
      %gather3A_361 = tpu.vector_load_idx %arg10[%add3A_124, %select_n3A_360] : memref<64x128xf32, #tpu.memory_space<vmem>>[vector<16xi32>, vector<16xi32>], vector<16xf32>,
      %gather3A_362 = tpu.vector_load_idx %arg11[%add3A_124, %select_n3A_360] : memref<64x128xf32, #tpu.memory_space<vmem>>[vector<16xi32>, vector<16xi32>], vector<16xf32>,
      %gather3A_363 = tpu.vector_load_idx %arg12[%add3A_124, %select_n3A_360] : memref<64x128xf32, #tpu.memory_space<vmem>>[vector<16xi32>, vector<16xi32>], vector<16xf32>,
      %sub3A_364 = arith.subf %gather3A_361, %gather3A_362 : vector<16xf32>
      %sub3A_365 = arith.subf %gather3A_361, %gather3A_363 : vector<16xf32>
      %mul3A_366 = arith.mulf %sub3A_364, %sub3A_364 : vector<16xf32>
      %add3A_367 = arith.addf %scan3A_201, %mul3A_366 : vector<16xf32>
      %mul3A_368 = arith.mulf %sub3A_365, %sub3A_365 : vector<16xf32>
      %add3A_369 = arith.addf %scan3A_209, %mul3A_368 : vector<16xf32>
      %scan3A_370 = arith.constant 1 : i32
      %scan3A_371 = arith.addi %scan3A_193, %scan3A_370 : i32
      %mul3A_372 = arith.constant 8 : i32
      %mul3A_373 = arith.muli %scan3A_371, %mul3A_372 : i32
      %add3A_374 = arith.constant 0 : i32
      %add3A_375 = arith.addi %mul3A_373, %add3A_374 : i32
      %add3A_376 = vector.broadcast %add3A_375 : i32 to vector<16xi32>
      %add3A_377 = arith.addi %select_n3A_52, %add3A_376 : vector<16xi32>
      %ge3A_378 = arith.constant 128 : i32
      %ge3A_379 = vector.broadcast %ge3A_378 : i32 to vector<16xi32>
      %ge3A_380 = arith.cmpi sge, %add3A_377, %ge3A_379 : vector<16xi32>
      %sub3A_381 = arith.constant 128 : i32
      %sub3A_382 = vector.broadcast %sub3A_381 : i32 to vector<16xi32>
      %sub3A_383 = arith.subi %add3A_377, %sub3A_382 : vector<16xi32>
      %select_n3A_384 = arith.select %ge3A_380, %sub3A_383, %add3A_377 : vector<16xi1>, vector<16xi32>
      %gather3A_385 = tpu.vector_load_idx %arg10[%add3A_124, %select_n3A_384] : memref<64x128xf32, #tpu.memory_space<vmem>>[vector<16xi32>, vector<16xi32>], vector<16xf32>,
      %gather3A_386 = tpu.vector_load_idx %arg11[%add3A_124, %select_n3A_384] : memref<64x128xf32, #tpu.memory_space<vmem>>[vector<16xi32>, vector<16xi32>], vector<16xf32>,
      %gather3A_387 = tpu.vector_load_idx %arg12[%add3A_124, %select_n3A_384] : memref<64x128xf32, #tpu.memory_space<vmem>>[vector<16xi32>, vector<16xi32>], vector<16xf32>,
      %sub3A_388 = arith.subf %gather3A_385, %gather3A_386 : vector<16xf32>
      %sub3A_389 = arith.subf %gather3A_385, %gather3A_387 : vector<16xf32>
      %mul3A_390 = arith.mulf %sub3A_388, %sub3A_388 : vector<16xf32>
      %add3A_391 = arith.addf %add3A_227, %mul3A_390 : vector<16xf32>
      %mul3A_392 = arith.mulf %sub3A_389, %sub3A_389 : vector<16xf32>
      %add3A_393 = arith.addf %add3A_229, %mul3A_392 : vector<16xf32>
      %add3A_394 = arith.constant 1 : i32
      %add3A_395 = arith.addi %mul3A_373, %add3A_394 : i32
      %add3A_396 = vector.broadcast %add3A_395 : i32 to vector<16xi32>
      %add3A_397 = arith.addi %select_n3A_52, %add3A_396 : vector<16xi32>
      %ge3A_398 = arith.constant 128 : i32
      %ge3A_399 = vector.broadcast %ge3A_398 : i32 to vector<16xi32>
      %ge3A_400 = arith.cmpi sge, %add3A_397, %ge3A_399 : vector<16xi32>
      %sub3A_401 = arith.constant 128 : i32
      %sub3A_402 = vector.broadcast %sub3A_401 : i32 to vector<16xi32>
      %sub3A_403 = arith.subi %add3A_397, %sub3A_402 : vector<16xi32>
      %select_n3A_404 = arith.select %ge3A_400, %sub3A_403, %add3A_397 : vector<16xi1>, vector<16xi32>
      %gather3A_405 = tpu.vector_load_idx %arg10[%add3A_124, %select_n3A_404] : memref<64x128xf32, #tpu.memory_space<vmem>>[vector<16xi32>, vector<16xi32>], vector<16xf32>,
      %gather3A_406 = tpu.vector_load_idx %arg11[%add3A_124, %select_n3A_404] : memref<64x128xf32, #tpu.memory_space<vmem>>[vector<16xi32>, vector<16xi32>], vector<16xf32>,
      %gather3A_407 = tpu.vector_load_idx %arg12[%add3A_124, %select_n3A_404] : memref<64x128xf32, #tpu.memory_space<vmem>>[vector<16xi32>, vector<16xi32>], vector<16xf32>,
      %sub3A_408 = arith.subf %gather3A_405, %gather3A_406 : vector<16xf32>
      %sub3A_409 = arith.subf %gather3A_405, %gather3A_407 : vector<16xf32>
      %mul3A_410 = arith.mulf %sub3A_408, %sub3A_408 : vector<16xf32>
      %add3A_411 = arith.addf %add3A_247, %mul3A_410 : vector<16xf32>
      %mul3A_412 = arith.mulf %sub3A_409, %sub3A_409 : vector<16xf32>
      %add3A_413 = arith.addf %add3A_249, %mul3A_412 : vector<16xf32>
      %add3A_414 = arith.constant 2 : i32
      %add3A_415 = arith.addi %mul3A_373, %add3A_414 : i32
      %add3A_416 = vector.broadcast %add3A_415 : i32 to vector<16xi32>
      %add3A_417 = arith.addi %select_n3A_52, %add3A_416 : vector<16xi32>
      %ge3A_418 = arith.constant 128 : i32
      %ge3A_419 = vector.broadcast %ge3A_418 : i32 to vector<16xi32>
      %ge3A_420 = arith.cmpi sge, %add3A_417, %ge3A_419 : vector<16xi32>
      %sub3A_421 = arith.constant 128 : i32
      %sub3A_422 = vector.broadcast %sub3A_421 : i32 to vector<16xi32>
      %sub3A_423 = arith.subi %add3A_417, %sub3A_422 : vector<16xi32>
      %select_n3A_424 = arith.select %ge3A_420, %sub3A_423, %add3A_417 : vector<16xi1>, vector<16xi32>
      %gather3A_425 = tpu.vector_load_idx %arg10[%add3A_124, %select_n3A_424] : memref<64x128xf32, #tpu.memory_space<vmem>>[vector<16xi32>, vector<16xi32>], vector<16xf32>,
      %gather3A_426 = tpu.vector_load_idx %arg11[%add3A_124, %select_n3A_424] : memref<64x128xf32, #tpu.memory_space<vmem>>[vector<16xi32>, vector<16xi32>], vector<16xf32>,
      %gather3A_427 = tpu.vector_load_idx %arg12[%add3A_124, %select_n3A_424] : memref<64x128xf32, #tpu.memory_space<vmem>>[vector<16xi32>, vector<16xi32>], vector<16xf32>,
      %sub3A_428 = arith.subf %gather3A_425, %gather3A_426 : vector<16xf32>
      %sub3A_429 = arith.subf %gather3A_425, %gather3A_427 : vector<16xf32>
      %mul3A_430 = arith.mulf %sub3A_428, %sub3A_428 : vector<16xf32>
      %add3A_431 = arith.addf %add3A_267, %mul3A_430 : vector<16xf32>
      %mul3A_432 = arith.mulf %sub3A_429, %sub3A_429 : vector<16xf32>
      %add3A_433 = arith.addf %add3A_269, %mul3A_432 : vector<16xf32>
      %add3A_434 = arith.constant 3 : i32
      %add3A_435 = arith.addi %mul3A_373, %add3A_434 : i32
      %add3A_436 = vector.broadcast %add3A_435 : i32 to vector<16xi32>
      %add3A_437 = arith.addi %select_n3A_52, %add3A_436 : vector<16xi32>
      %ge3A_438 = arith.constant 128 : i32
      %ge3A_439 = vector.broadcast %ge3A_438 : i32 to vector<16xi32>
      %ge3A_440 = arith.cmpi sge, %add3A_437, %ge3A_439 : vector<16xi32>
      %sub3A_441 = arith.constant 128 : i32
      %sub3A_442 = vector.broadcast %sub3A_441 : i32 to vector<16xi32>
      %sub3A_443 = arith.subi %add3A_437, %sub3A_442 : vector<16xi32>
      %select_n3A_444 = arith.select %ge3A_440, %sub3A_443, %add3A_437 : vector<16xi1>, vector<16xi32>
      %gather3A_445 = tpu.vector_load_idx %arg10[%add3A_124, %select_n3A_444] : memref<64x128xf32, #tpu.memory_space<vmem>>[vector<16xi32>, vector<16xi32>], vector<16xf32>,
      %gather3A_446 = tpu.vector_load_idx %arg11[%add3A_124, %select_n3A_444] : memref<64x128xf32, #tpu.memory_space<vmem>>[vector<16xi32>, vector<16xi32>], vector<16xf32>,
      %gather3A_447 = tpu.vector_load_idx %arg12[%add3A_124, %select_n3A_444] : memref<64x128xf32, #tpu.memory_space<vmem>>[vector<16xi32>, vector<16xi32>], vector<16xf32>,
      %sub3A_448 = arith.subf %gather3A_445, %gather3A_446 : vector<16xf32>
      %sub3A_449 = arith.subf %gather3A_445, %gather3A_447 : vector<16xf32>
      %mul3A_450 = arith.mulf %sub3A_448, %sub3A_448 : vector<16xf32>
      %add3A_451 = arith.addf %add3A_287, %mul3A_450 : vector<16xf32>
      %mul3A_452 = arith.mulf %sub3A_449, %sub3A_449 : vector<16xf32>
      %add3A_453 = arith.addf %add3A_289, %mul3A_452 : vector<16xf32>
      %add3A_454 = arith.constant 4 : i32
      %add3A_455 = arith.addi %mul3A_373, %add3A_454 : i32
      %add3A_456 = vector.broadcast %add3A_455 : i32 to vector<16xi32>
      %add3A_457 = arith.addi %select_n3A_52, %add3A_456 : vector<16xi32>
      %ge3A_458 = arith.constant 128 : i32
      %ge3A_459 = vector.broadcast %ge3A_458 : i32 to vector<16xi32>
      %ge3A_460 = arith.cmpi sge, %add3A_457, %ge3A_459 : vector<16xi32>
      %sub3A_461 = arith.constant 128 : i32
      %sub3A_462 = vector.broadcast %sub3A_461 : i32 to vector<16xi32>
      %sub3A_463 = arith.subi %add3A_457, %sub3A_462 : vector<16xi32>
      %select_n3A_464 = arith.select %ge3A_460, %sub3A_463, %add3A_457 : vector<16xi1>, vector<16xi32>
      %gather3A_465 = tpu.vector_load_idx %arg10[%add3A_124, %select_n3A_464] : memref<64x128xf32, #tpu.memory_space<vmem>>[vector<16xi32>, vector<16xi32>], vector<16xf32>,
      %gather3A_466 = tpu.vector_load_idx %arg11[%add3A_124, %select_n3A_464] : memref<64x128xf32, #tpu.memory_space<vmem>>[vector<16xi32>, vector<16xi32>], vector<16xf32>,
      %gather3A_467 = tpu.vector_load_idx %arg12[%add3A_124, %select_n3A_464] : memref<64x128xf32, #tpu.memory_space<vmem>>[vector<16xi32>, vector<16xi32>], vector<16xf32>,
      %sub3A_468 = arith.subf %gather3A_465, %gather3A_466 : vector<16xf32>
      %sub3A_469 = arith.subf %gather3A_465, %gather3A_467 : vector<16xf32>
      %mul3A_470 = arith.mulf %sub3A_468, %sub3A_468 : vector<16xf32>
      %add3A_471 = arith.addf %add3A_307, %mul3A_470 : vector<16xf32>
      %mul3A_472 = arith.mulf %sub3A_469, %sub3A_469 : vector<16xf32>
      %add3A_473 = arith.addf %add3A_309, %mul3A_472 : vector<16xf32>
      %add3A_474 = arith.constant 5 : i32
      %add3A_475 = arith.addi %mul3A_373, %add3A_474 : i32
      %add3A_476 = vector.broadcast %add3A_475 : i32 to vector<16xi32>
      %add3A_477 = arith.addi %select_n3A_52, %add3A_476 : vector<16xi32>
      %ge3A_478 = arith.constant 128 : i32
      %ge3A_479 = vector.broadcast %ge3A_478 : i32 to vector<16xi32>
      %ge3A_480 = arith.cmpi sge, %add3A_477, %ge3A_479 : vector<16xi32>
      %sub3A_481 = arith.constant 128 : i32
      %sub3A_482 = vector.broadcast %sub3A_481 : i32 to vector<16xi32>
      %sub3A_483 = arith.subi %add3A_477, %sub3A_482 : vector<16xi32>
      %select_n3A_484 = arith.select %ge3A_480, %sub3A_483, %add3A_477 : vector<16xi1>, vector<16xi32>
      %gather3A_485 = tpu.vector_load_idx %arg10[%add3A_124, %select_n3A_484] : memref<64x128xf32, #tpu.memory_space<vmem>>[vector<16xi32>, vector<16xi32>], vector<16xf32>,
      %gather3A_486 = tpu.vector_load_idx %arg11[%add3A_124, %select_n3A_484] : memref<64x128xf32, #tpu.memory_space<vmem>>[vector<16xi32>, vector<16xi32>], vector<16xf32>,
      %gather3A_487 = tpu.vector_load_idx %arg12[%add3A_124, %select_n3A_484] : memref<64x128xf32, #tpu.memory_space<vmem>>[vector<16xi32>, vector<16xi32>], vector<16xf32>,
      %sub3A_488 = arith.subf %gather3A_485, %gather3A_486 : vector<16xf32>
      %sub3A_489 = arith.subf %gather3A_485, %gather3A_487 : vector<16xf32>
      %mul3A_490 = arith.mulf %sub3A_488, %sub3A_488 : vector<16xf32>
      %add3A_491 = arith.addf %add3A_327, %mul3A_490 : vector<16xf32>
      %mul3A_492 = arith.mulf %sub3A_489, %sub3A_489 : vector<16xf32>
      %add3A_493 = arith.addf %add3A_329, %mul3A_492 : vector<16xf32>
      %add3A_494 = arith.constant 6 : i32
      %add3A_495 = arith.addi %mul3A_373, %add3A_494 : i32
      %add3A_496 = vector.broadcast %add3A_495 : i32 to vector<16xi32>
      %add3A_497 = arith.addi %select_n3A_52, %add3A_496 : vector<16xi32>
      %ge3A_498 = arith.constant 128 : i32
      %ge3A_499 = vector.broadcast %ge3A_498 : i32 to vector<16xi32>
      %ge3A_500 = arith.cmpi sge, %add3A_497, %ge3A_499 : vector<16xi32>
      %sub3A_501 = arith.constant 128 : i32
      %sub3A_502 = vector.broadcast %sub3A_501 : i32 to vector<16xi32>
      %sub3A_503 = arith.subi %add3A_497, %sub3A_502 : vector<16xi32>
      %select_n3A_504 = arith.select %ge3A_500, %sub3A_503, %add3A_497 : vector<16xi1>, vector<16xi32>
      %gather3A_505 = tpu.vector_load_idx %arg10[%add3A_124, %select_n3A_504] : memref<64x128xf32, #tpu.memory_space<vmem>>[vector<16xi32>, vector<16xi32>], vector<16xf32>,
      %gather3A_506 = tpu.vector_load_idx %arg11[%add3A_124, %select_n3A_504] : memref<64x128xf32, #tpu.memory_space<vmem>>[vector<16xi32>, vector<16xi32>], vector<16xf32>,
      %gather3A_507 = tpu.vector_load_idx %arg12[%add3A_124, %select_n3A_504] : memref<64x128xf32, #tpu.memory_space<vmem>>[vector<16xi32>, vector<16xi32>], vector<16xf32>,
      %sub3A_508 = arith.subf %gather3A_505, %gather3A_506 : vector<16xf32>
      %sub3A_509 = arith.subf %gather3A_505, %gather3A_507 : vector<16xf32>
      %mul3A_510 = arith.mulf %sub3A_508, %sub3A_508 : vector<16xf32>
      %add3A_511 = arith.addf %add3A_347, %mul3A_510 : vector<16xf32>
      %mul3A_512 = arith.mulf %sub3A_509, %sub3A_509 : vector<16xf32>
      %add3A_513 = arith.addf %add3A_349, %mul3A_512 : vector<16xf32>
      %add3A_514 = arith.constant 7 : i32
      %add3A_515 = arith.addi %mul3A_373, %add3A_514 : i32
      %add3A_516 = vector.broadcast %add3A_515 : i32 to vector<16xi32>
      %add3A_517 = arith.addi %select_n3A_52, %add3A_516 : vector<16xi32>
      %ge3A_518 = arith.constant 128 : i32
      %ge3A_519 = vector.broadcast %ge3A_518 : i32 to vector<16xi32>
      %ge3A_520 = arith.cmpi sge, %add3A_517, %ge3A_519 : vector<16xi32>
      %sub3A_521 = arith.constant 128 : i32
      %sub3A_522 = vector.broadcast %sub3A_521 : i32 to vector<16xi32>
      %sub3A_523 = arith.subi %add3A_517, %sub3A_522 : vector<16xi32>
      %select_n3A_524 = arith.select %ge3A_520, %sub3A_523, %add3A_517 : vector<16xi1>, vector<16xi32>
      %gather3A_525 = tpu.vector_load_idx %arg10[%add3A_124, %select_n3A_524] : memref<64x128xf32, #tpu.memory_space<vmem>>[vector<16xi32>, vector<16xi32>], vector<16xf32>,
      %gather3A_526 = tpu.vector_load_idx %arg11[%add3A_124, %select_n3A_524] : memref<64x128xf32, #tpu.memory_space<vmem>>[vector<16xi32>, vector<16xi32>], vector<16xf32>,
      %gather3A_527 = tpu.vector_load_idx %arg12[%add3A_124, %select_n3A_524] : memref<64x128xf32, #tpu.memory_space<vmem>>[vector<16xi32>, vector<16xi32>], vector<16xf32>,
      %sub3A_528 = arith.subf %gather3A_525, %gather3A_526 : vector<16xf32>
      %sub3A_529 = arith.subf %gather3A_525, %gather3A_527 : vector<16xf32>
      %mul3A_530 = arith.mulf %sub3A_528, %sub3A_528 : vector<16xf32>
      %add3A_531 = arith.addf %add3A_367, %mul3A_530 : vector<16xf32>
      %mul3A_532 = arith.mulf %sub3A_529, %sub3A_529 : vector<16xf32>
      %add3A_533 = arith.addf %add3A_369, %mul3A_532 : vector<16xf32>
      scf.yield %add3A_391, %add3A_411, %add3A_431, %add3A_451, %add3A_471, %add3A_491, %add3A_511, %add3A_531, %add3A_393, %add3A_413, %add3A_433, %add3A_453, %add3A_473, %add3A_493, %add3A_513, %add3A_533 : vector<16xf32>, vector<16xf32>, vector<16xf32>, vector<16xf32>, vector<16xf32>, vector<16xf32>, vector<16xf32>, vector<16xf32>, vector<16xf32>, vector<16xf32>, vector<16xf32>, vector<16xf32>, vector<16xf32>, vector<16xf32>, vector<16xf32>, vector<16xf32>
    }
    %scan3A_134 = arith.constant 16 : i32
    %add3A_135 = arith.addf %scan3A_133#0, %scan3A_133#4 : vector<16xf32>
    %add3A_136 = arith.addf %scan3A_133#8, %scan3A_133#12 : vector<16xf32>
    %add3A_137 = arith.addf %scan3A_133#1, %scan3A_133#5 : vector<16xf32>
    %add3A_138 = arith.addf %scan3A_133#9, %scan3A_133#13 : vector<16xf32>
    %add3A_139 = arith.addf %scan3A_133#2, %scan3A_133#6 : vector<16xf32>
    %add3A_140 = arith.addf %scan3A_133#10, %scan3A_133#14 : vector<16xf32>
    %add3A_141 = arith.addf %scan3A_133#3, %scan3A_133#7 : vector<16xf32>
    %add3A_142 = arith.addf %scan3A_133#11, %scan3A_133#15 : vector<16xf32>
    %add3A_143 = arith.addf %add3A_135, %add3A_139 : vector<16xf32>
    %add3A_144 = arith.addf %add3A_136, %add3A_140 : vector<16xf32>
    %add3A_145 = arith.addf %add3A_137, %add3A_141 : vector<16xf32>
    %add3A_146 = arith.addf %add3A_138, %add3A_142 : vector<16xf32>
    %add3A_147 = arith.addf %add3A_143, %add3A_145 : vector<16xf32>
    %add3A_148 = arith.addf %add3A_144, %add3A_146 : vector<16xf32>
    %lt3A_149 = arith.cmpf olt, %add3A_148, %add3A_147 : vector<16xf32>
    %eq3A_150 = arith.cmpf oeq, %add3A_148, %add3A_147 : vector<16xf32>
    %lt3A_151 = arith.cmpi slt, %get3A_128, %get3A_126 : vector<16xi32>
    %and3A_152 = arith.andi %eq3A_150, %lt3A_151 : vector<16xi1>
    %or3A_153 = arith.ori %lt3A_149, %and3A_152 : vector<16xi1>
    %select_n3A_154 = arith.select %or3A_153, %get3A_128, %get3A_126 : vector<16xi1>, vector<16xi32>
    %gather3A_155 = tpu.vector_load_idx %arg13[%select_n3A_154, %broadcast_in_dim3A_31] : memref<1024x2xi32, #tpu.memory_space<vmem>>[vector<16xi32>, vector<16xi32>], vector<16xi32>,
    %gather3A_156 = tpu.vector_load_idx %arg13[%select_n3A_154, %add3A_34] : memref<1024x2xi32, #tpu.memory_space<vmem>>[vector<16xi32>, vector<16xi32>], vector<16xi32>,
    tpu.vector_store_idx %arg14[%add3A_124, %broadcast_in_dim3A_31], %gather3A_155 : memref<64x2xi32, #tpu.memory_space<vmem>>[vector<16xi32>, vector<16xi32>], vector<16xi32>,
    tpu.vector_store_idx %arg14[%add3A_124, %add3A_34], %gather3A_156 : memref<64x2xi32, #tpu.memory_space<vmem>>[vector<16xi32>, vector<16xi32>], vector<16xi32>,
    %iota3A_157 = tpu.iota {dimensions = array<i32: 0>} : vector<16xi32>
    %add3A_158 = arith.constant 48 : i32
    %add3A_159 = vector.broadcast %add3A_158 : i32 to vector<16xi32>
    %add3A_160 = arith.addi %iota3A_157, %add3A_159 : vector<16xi32>
    %get3A_161 = arith.constant 48 : index
    %get3A_162 = tpu.vector_load %arg8[%get3A_161] {strides = array<i32>} : memref<64xi32, #tpu.memory_space<vmem>>, vector<16xi32>,
    %get3A_163 = arith.constant 48 : index
    %get3A_164 = tpu.vector_load %arg9[%get3A_163] {strides = array<i32>} : memref<64xi32, #tpu.memory_space<vmem>>, vector<16xi32>,
    %scan3A_165 = arith.constant 0 : i32
    %scan3A_166 = arith.constant 16 : i32
    %scan3A_167 = arith.addi %scan3A_165, %scan3A_166 : i32
    %scan3A_168 = arith.constant 2 : i32
    %scan3A_169:16 = scf.for %scan3A_193 = %scan3A_165 to %scan3A_167 step %scan3A_168 iter_args(%scan3A_194 = %broadcast_in_dim3A_29, %scan3A_195 = %broadcast_in_dim3A_29, %scan3A_196 = %broadcast_in_dim3A_29, %scan3A_197 = %broadcast_in_dim3A_29, %scan3A_198 = %broadcast_in_dim3A_29, %scan3A_199 = %broadcast_in_dim3A_29, %scan3A_200 = %broadcast_in_dim3A_29, %scan3A_201 = %broadcast_in_dim3A_29, %scan3A_202 = %broadcast_in_dim3A_29, %scan3A_203 = %broadcast_in_dim3A_29, %scan3A_204 = %broadcast_in_dim3A_29, %scan3A_205 = %broadcast_in_dim3A_29, %scan3A_206 = %broadcast_in_dim3A_29, %scan3A_207 = %broadcast_in_dim3A_29, %scan3A_208 = %broadcast_in_dim3A_29, %scan3A_209 = %broadcast_in_dim3A_29) -> (vector<16xf32>, vector<16xf32>, vector<16xf32>, vector<16xf32>, vector<16xf32>, vector<16xf32>, vector<16xf32>, vector<16xf32>, vector<16xf32>, vector<16xf32>, vector<16xf32>, vector<16xf32>, vector<16xf32>, vector<16xf32>, vector<16xf32>, vector<16xf32>)  : i32 {
      %mul3A_210 = arith.constant 8 : i32
      %mul3A_211 = arith.muli %scan3A_193, %mul3A_210 : i32
      %add3A_212 = arith.constant 0 : i32
      %add3A_213 = arith.addi %mul3A_211, %add3A_212 : i32
      %add3A_214 = vector.broadcast %add3A_213 : i32 to vector<16xi32>
      %add3A_215 = arith.addi %select_n3A_52, %add3A_214 : vector<16xi32>
      %ge3A = arith.constant 128 : i32
      %ge3A_216 = vector.broadcast %ge3A : i32 to vector<16xi32>
      %ge3A_217 = arith.cmpi sge, %add3A_215, %ge3A_216 : vector<16xi32>
      %sub3A = arith.constant 128 : i32
      %sub3A_218 = vector.broadcast %sub3A : i32 to vector<16xi32>
      %sub3A_219 = arith.subi %add3A_215, %sub3A_218 : vector<16xi32>
      %select_n3A_220 = arith.select %ge3A_217, %sub3A_219, %add3A_215 : vector<16xi1>, vector<16xi32>
      %gather3A_221 = tpu.vector_load_idx %arg10[%add3A_160, %select_n3A_220] : memref<64x128xf32, #tpu.memory_space<vmem>>[vector<16xi32>, vector<16xi32>], vector<16xf32>,
      %gather3A_222 = tpu.vector_load_idx %arg11[%add3A_160, %select_n3A_220] : memref<64x128xf32, #tpu.memory_space<vmem>>[vector<16xi32>, vector<16xi32>], vector<16xf32>,
      %gather3A_223 = tpu.vector_load_idx %arg12[%add3A_160, %select_n3A_220] : memref<64x128xf32, #tpu.memory_space<vmem>>[vector<16xi32>, vector<16xi32>], vector<16xf32>,
      %sub3A_224 = arith.subf %gather3A_221, %gather3A_222 : vector<16xf32>
      %sub3A_225 = arith.subf %gather3A_221, %gather3A_223 : vector<16xf32>
      %mul3A_226 = arith.mulf %sub3A_224, %sub3A_224 : vector<16xf32>
      %add3A_227 = arith.addf %scan3A_194, %mul3A_226 : vector<16xf32>
      %mul3A_228 = arith.mulf %sub3A_225, %sub3A_225 : vector<16xf32>
      %add3A_229 = arith.addf %scan3A_202, %mul3A_228 : vector<16xf32>
      %add3A_230 = arith.constant 1 : i32
      %add3A_231 = arith.addi %mul3A_211, %add3A_230 : i32
      %add3A_232 = vector.broadcast %add3A_231 : i32 to vector<16xi32>
      %add3A_233 = arith.addi %select_n3A_52, %add3A_232 : vector<16xi32>
      %ge3A_234 = arith.constant 128 : i32
      %ge3A_235 = vector.broadcast %ge3A_234 : i32 to vector<16xi32>
      %ge3A_236 = arith.cmpi sge, %add3A_233, %ge3A_235 : vector<16xi32>
      %sub3A_237 = arith.constant 128 : i32
      %sub3A_238 = vector.broadcast %sub3A_237 : i32 to vector<16xi32>
      %sub3A_239 = arith.subi %add3A_233, %sub3A_238 : vector<16xi32>
      %select_n3A_240 = arith.select %ge3A_236, %sub3A_239, %add3A_233 : vector<16xi1>, vector<16xi32>
      %gather3A_241 = tpu.vector_load_idx %arg10[%add3A_160, %select_n3A_240] : memref<64x128xf32, #tpu.memory_space<vmem>>[vector<16xi32>, vector<16xi32>], vector<16xf32>,
      %gather3A_242 = tpu.vector_load_idx %arg11[%add3A_160, %select_n3A_240] : memref<64x128xf32, #tpu.memory_space<vmem>>[vector<16xi32>, vector<16xi32>], vector<16xf32>,
      %gather3A_243 = tpu.vector_load_idx %arg12[%add3A_160, %select_n3A_240] : memref<64x128xf32, #tpu.memory_space<vmem>>[vector<16xi32>, vector<16xi32>], vector<16xf32>,
      %sub3A_244 = arith.subf %gather3A_241, %gather3A_242 : vector<16xf32>
      %sub3A_245 = arith.subf %gather3A_241, %gather3A_243 : vector<16xf32>
      %mul3A_246 = arith.mulf %sub3A_244, %sub3A_244 : vector<16xf32>
      %add3A_247 = arith.addf %scan3A_195, %mul3A_246 : vector<16xf32>
      %mul3A_248 = arith.mulf %sub3A_245, %sub3A_245 : vector<16xf32>
      %add3A_249 = arith.addf %scan3A_203, %mul3A_248 : vector<16xf32>
      %add3A_250 = arith.constant 2 : i32
      %add3A_251 = arith.addi %mul3A_211, %add3A_250 : i32
      %add3A_252 = vector.broadcast %add3A_251 : i32 to vector<16xi32>
      %add3A_253 = arith.addi %select_n3A_52, %add3A_252 : vector<16xi32>
      %ge3A_254 = arith.constant 128 : i32
      %ge3A_255 = vector.broadcast %ge3A_254 : i32 to vector<16xi32>
      %ge3A_256 = arith.cmpi sge, %add3A_253, %ge3A_255 : vector<16xi32>
      %sub3A_257 = arith.constant 128 : i32
      %sub3A_258 = vector.broadcast %sub3A_257 : i32 to vector<16xi32>
      %sub3A_259 = arith.subi %add3A_253, %sub3A_258 : vector<16xi32>
      %select_n3A_260 = arith.select %ge3A_256, %sub3A_259, %add3A_253 : vector<16xi1>, vector<16xi32>
      %gather3A_261 = tpu.vector_load_idx %arg10[%add3A_160, %select_n3A_260] : memref<64x128xf32, #tpu.memory_space<vmem>>[vector<16xi32>, vector<16xi32>], vector<16xf32>,
      %gather3A_262 = tpu.vector_load_idx %arg11[%add3A_160, %select_n3A_260] : memref<64x128xf32, #tpu.memory_space<vmem>>[vector<16xi32>, vector<16xi32>], vector<16xf32>,
      %gather3A_263 = tpu.vector_load_idx %arg12[%add3A_160, %select_n3A_260] : memref<64x128xf32, #tpu.memory_space<vmem>>[vector<16xi32>, vector<16xi32>], vector<16xf32>,
      %sub3A_264 = arith.subf %gather3A_261, %gather3A_262 : vector<16xf32>
      %sub3A_265 = arith.subf %gather3A_261, %gather3A_263 : vector<16xf32>
      %mul3A_266 = arith.mulf %sub3A_264, %sub3A_264 : vector<16xf32>
      %add3A_267 = arith.addf %scan3A_196, %mul3A_266 : vector<16xf32>
      %mul3A_268 = arith.mulf %sub3A_265, %sub3A_265 : vector<16xf32>
      %add3A_269 = arith.addf %scan3A_204, %mul3A_268 : vector<16xf32>
      %add3A_270 = arith.constant 3 : i32
      %add3A_271 = arith.addi %mul3A_211, %add3A_270 : i32
      %add3A_272 = vector.broadcast %add3A_271 : i32 to vector<16xi32>
      %add3A_273 = arith.addi %select_n3A_52, %add3A_272 : vector<16xi32>
      %ge3A_274 = arith.constant 128 : i32
      %ge3A_275 = vector.broadcast %ge3A_274 : i32 to vector<16xi32>
      %ge3A_276 = arith.cmpi sge, %add3A_273, %ge3A_275 : vector<16xi32>
      %sub3A_277 = arith.constant 128 : i32
      %sub3A_278 = vector.broadcast %sub3A_277 : i32 to vector<16xi32>
      %sub3A_279 = arith.subi %add3A_273, %sub3A_278 : vector<16xi32>
      %select_n3A_280 = arith.select %ge3A_276, %sub3A_279, %add3A_273 : vector<16xi1>, vector<16xi32>
      %gather3A_281 = tpu.vector_load_idx %arg10[%add3A_160, %select_n3A_280] : memref<64x128xf32, #tpu.memory_space<vmem>>[vector<16xi32>, vector<16xi32>], vector<16xf32>,
      %gather3A_282 = tpu.vector_load_idx %arg11[%add3A_160, %select_n3A_280] : memref<64x128xf32, #tpu.memory_space<vmem>>[vector<16xi32>, vector<16xi32>], vector<16xf32>,
      %gather3A_283 = tpu.vector_load_idx %arg12[%add3A_160, %select_n3A_280] : memref<64x128xf32, #tpu.memory_space<vmem>>[vector<16xi32>, vector<16xi32>], vector<16xf32>,
      %sub3A_284 = arith.subf %gather3A_281, %gather3A_282 : vector<16xf32>
      %sub3A_285 = arith.subf %gather3A_281, %gather3A_283 : vector<16xf32>
      %mul3A_286 = arith.mulf %sub3A_284, %sub3A_284 : vector<16xf32>
      %add3A_287 = arith.addf %scan3A_197, %mul3A_286 : vector<16xf32>
      %mul3A_288 = arith.mulf %sub3A_285, %sub3A_285 : vector<16xf32>
      %add3A_289 = arith.addf %scan3A_205, %mul3A_288 : vector<16xf32>
      %add3A_290 = arith.constant 4 : i32
      %add3A_291 = arith.addi %mul3A_211, %add3A_290 : i32
      %add3A_292 = vector.broadcast %add3A_291 : i32 to vector<16xi32>
      %add3A_293 = arith.addi %select_n3A_52, %add3A_292 : vector<16xi32>
      %ge3A_294 = arith.constant 128 : i32
      %ge3A_295 = vector.broadcast %ge3A_294 : i32 to vector<16xi32>
      %ge3A_296 = arith.cmpi sge, %add3A_293, %ge3A_295 : vector<16xi32>
      %sub3A_297 = arith.constant 128 : i32
      %sub3A_298 = vector.broadcast %sub3A_297 : i32 to vector<16xi32>
      %sub3A_299 = arith.subi %add3A_293, %sub3A_298 : vector<16xi32>
      %select_n3A_300 = arith.select %ge3A_296, %sub3A_299, %add3A_293 : vector<16xi1>, vector<16xi32>
      %gather3A_301 = tpu.vector_load_idx %arg10[%add3A_160, %select_n3A_300] : memref<64x128xf32, #tpu.memory_space<vmem>>[vector<16xi32>, vector<16xi32>], vector<16xf32>,
      %gather3A_302 = tpu.vector_load_idx %arg11[%add3A_160, %select_n3A_300] : memref<64x128xf32, #tpu.memory_space<vmem>>[vector<16xi32>, vector<16xi32>], vector<16xf32>,
      %gather3A_303 = tpu.vector_load_idx %arg12[%add3A_160, %select_n3A_300] : memref<64x128xf32, #tpu.memory_space<vmem>>[vector<16xi32>, vector<16xi32>], vector<16xf32>,
      %sub3A_304 = arith.subf %gather3A_301, %gather3A_302 : vector<16xf32>
      %sub3A_305 = arith.subf %gather3A_301, %gather3A_303 : vector<16xf32>
      %mul3A_306 = arith.mulf %sub3A_304, %sub3A_304 : vector<16xf32>
      %add3A_307 = arith.addf %scan3A_198, %mul3A_306 : vector<16xf32>
      %mul3A_308 = arith.mulf %sub3A_305, %sub3A_305 : vector<16xf32>
      %add3A_309 = arith.addf %scan3A_206, %mul3A_308 : vector<16xf32>
      %add3A_310 = arith.constant 5 : i32
      %add3A_311 = arith.addi %mul3A_211, %add3A_310 : i32
      %add3A_312 = vector.broadcast %add3A_311 : i32 to vector<16xi32>
      %add3A_313 = arith.addi %select_n3A_52, %add3A_312 : vector<16xi32>
      %ge3A_314 = arith.constant 128 : i32
      %ge3A_315 = vector.broadcast %ge3A_314 : i32 to vector<16xi32>
      %ge3A_316 = arith.cmpi sge, %add3A_313, %ge3A_315 : vector<16xi32>
      %sub3A_317 = arith.constant 128 : i32
      %sub3A_318 = vector.broadcast %sub3A_317 : i32 to vector<16xi32>
      %sub3A_319 = arith.subi %add3A_313, %sub3A_318 : vector<16xi32>
      %select_n3A_320 = arith.select %ge3A_316, %sub3A_319, %add3A_313 : vector<16xi1>, vector<16xi32>
      %gather3A_321 = tpu.vector_load_idx %arg10[%add3A_160, %select_n3A_320] : memref<64x128xf32, #tpu.memory_space<vmem>>[vector<16xi32>, vector<16xi32>], vector<16xf32>,
      %gather3A_322 = tpu.vector_load_idx %arg11[%add3A_160, %select_n3A_320] : memref<64x128xf32, #tpu.memory_space<vmem>>[vector<16xi32>, vector<16xi32>], vector<16xf32>,
      %gather3A_323 = tpu.vector_load_idx %arg12[%add3A_160, %select_n3A_320] : memref<64x128xf32, #tpu.memory_space<vmem>>[vector<16xi32>, vector<16xi32>], vector<16xf32>,
      %sub3A_324 = arith.subf %gather3A_321, %gather3A_322 : vector<16xf32>
      %sub3A_325 = arith.subf %gather3A_321, %gather3A_323 : vector<16xf32>
      %mul3A_326 = arith.mulf %sub3A_324, %sub3A_324 : vector<16xf32>
      %add3A_327 = arith.addf %scan3A_199, %mul3A_326 : vector<16xf32>
      %mul3A_328 = arith.mulf %sub3A_325, %sub3A_325 : vector<16xf32>
      %add3A_329 = arith.addf %scan3A_207, %mul3A_328 : vector<16xf32>
      %add3A_330 = arith.constant 6 : i32
      %add3A_331 = arith.addi %mul3A_211, %add3A_330 : i32
      %add3A_332 = vector.broadcast %add3A_331 : i32 to vector<16xi32>
      %add3A_333 = arith.addi %select_n3A_52, %add3A_332 : vector<16xi32>
      %ge3A_334 = arith.constant 128 : i32
      %ge3A_335 = vector.broadcast %ge3A_334 : i32 to vector<16xi32>
      %ge3A_336 = arith.cmpi sge, %add3A_333, %ge3A_335 : vector<16xi32>
      %sub3A_337 = arith.constant 128 : i32
      %sub3A_338 = vector.broadcast %sub3A_337 : i32 to vector<16xi32>
      %sub3A_339 = arith.subi %add3A_333, %sub3A_338 : vector<16xi32>
      %select_n3A_340 = arith.select %ge3A_336, %sub3A_339, %add3A_333 : vector<16xi1>, vector<16xi32>
      %gather3A_341 = tpu.vector_load_idx %arg10[%add3A_160, %select_n3A_340] : memref<64x128xf32, #tpu.memory_space<vmem>>[vector<16xi32>, vector<16xi32>], vector<16xf32>,
      %gather3A_342 = tpu.vector_load_idx %arg11[%add3A_160, %select_n3A_340] : memref<64x128xf32, #tpu.memory_space<vmem>>[vector<16xi32>, vector<16xi32>], vector<16xf32>,
      %gather3A_343 = tpu.vector_load_idx %arg12[%add3A_160, %select_n3A_340] : memref<64x128xf32, #tpu.memory_space<vmem>>[vector<16xi32>, vector<16xi32>], vector<16xf32>,
      %sub3A_344 = arith.subf %gather3A_341, %gather3A_342 : vector<16xf32>
      %sub3A_345 = arith.subf %gather3A_341, %gather3A_343 : vector<16xf32>
      %mul3A_346 = arith.mulf %sub3A_344, %sub3A_344 : vector<16xf32>
      %add3A_347 = arith.addf %scan3A_200, %mul3A_346 : vector<16xf32>
      %mul3A_348 = arith.mulf %sub3A_345, %sub3A_345 : vector<16xf32>
      %add3A_349 = arith.addf %scan3A_208, %mul3A_348 : vector<16xf32>
      %add3A_350 = arith.constant 7 : i32
      %add3A_351 = arith.addi %mul3A_211, %add3A_350 : i32
      %add3A_352 = vector.broadcast %add3A_351 : i32 to vector<16xi32>
      %add3A_353 = arith.addi %select_n3A_52, %add3A_352 : vector<16xi32>
      %ge3A_354 = arith.constant 128 : i32
      %ge3A_355 = vector.broadcast %ge3A_354 : i32 to vector<16xi32>
      %ge3A_356 = arith.cmpi sge, %add3A_353, %ge3A_355 : vector<16xi32>
      %sub3A_357 = arith.constant 128 : i32
      %sub3A_358 = vector.broadcast %sub3A_357 : i32 to vector<16xi32>
      %sub3A_359 = arith.subi %add3A_353, %sub3A_358 : vector<16xi32>
      %select_n3A_360 = arith.select %ge3A_356, %sub3A_359, %add3A_353 : vector<16xi1>, vector<16xi32>
      %gather3A_361 = tpu.vector_load_idx %arg10[%add3A_160, %select_n3A_360] : memref<64x128xf32, #tpu.memory_space<vmem>>[vector<16xi32>, vector<16xi32>], vector<16xf32>,
      %gather3A_362 = tpu.vector_load_idx %arg11[%add3A_160, %select_n3A_360] : memref<64x128xf32, #tpu.memory_space<vmem>>[vector<16xi32>, vector<16xi32>], vector<16xf32>,
      %gather3A_363 = tpu.vector_load_idx %arg12[%add3A_160, %select_n3A_360] : memref<64x128xf32, #tpu.memory_space<vmem>>[vector<16xi32>, vector<16xi32>], vector<16xf32>,
      %sub3A_364 = arith.subf %gather3A_361, %gather3A_362 : vector<16xf32>
      %sub3A_365 = arith.subf %gather3A_361, %gather3A_363 : vector<16xf32>
      %mul3A_366 = arith.mulf %sub3A_364, %sub3A_364 : vector<16xf32>
      %add3A_367 = arith.addf %scan3A_201, %mul3A_366 : vector<16xf32>
      %mul3A_368 = arith.mulf %sub3A_365, %sub3A_365 : vector<16xf32>
      %add3A_369 = arith.addf %scan3A_209, %mul3A_368 : vector<16xf32>
      %scan3A_370 = arith.constant 1 : i32
      %scan3A_371 = arith.addi %scan3A_193, %scan3A_370 : i32
      %mul3A_372 = arith.constant 8 : i32
      %mul3A_373 = arith.muli %scan3A_371, %mul3A_372 : i32
      %add3A_374 = arith.constant 0 : i32
      %add3A_375 = arith.addi %mul3A_373, %add3A_374 : i32
      %add3A_376 = vector.broadcast %add3A_375 : i32 to vector<16xi32>
      %add3A_377 = arith.addi %select_n3A_52, %add3A_376 : vector<16xi32>
      %ge3A_378 = arith.constant 128 : i32
      %ge3A_379 = vector.broadcast %ge3A_378 : i32 to vector<16xi32>
      %ge3A_380 = arith.cmpi sge, %add3A_377, %ge3A_379 : vector<16xi32>
      %sub3A_381 = arith.constant 128 : i32
      %sub3A_382 = vector.broadcast %sub3A_381 : i32 to vector<16xi32>
      %sub3A_383 = arith.subi %add3A_377, %sub3A_382 : vector<16xi32>
      %select_n3A_384 = arith.select %ge3A_380, %sub3A_383, %add3A_377 : vector<16xi1>, vector<16xi32>
      %gather3A_385 = tpu.vector_load_idx %arg10[%add3A_160, %select_n3A_384] : memref<64x128xf32, #tpu.memory_space<vmem>>[vector<16xi32>, vector<16xi32>], vector<16xf32>,
      %gather3A_386 = tpu.vector_load_idx %arg11[%add3A_160, %select_n3A_384] : memref<64x128xf32, #tpu.memory_space<vmem>>[vector<16xi32>, vector<16xi32>], vector<16xf32>,
      %gather3A_387 = tpu.vector_load_idx %arg12[%add3A_160, %select_n3A_384] : memref<64x128xf32, #tpu.memory_space<vmem>>[vector<16xi32>, vector<16xi32>], vector<16xf32>,
      %sub3A_388 = arith.subf %gather3A_385, %gather3A_386 : vector<16xf32>
      %sub3A_389 = arith.subf %gather3A_385, %gather3A_387 : vector<16xf32>
      %mul3A_390 = arith.mulf %sub3A_388, %sub3A_388 : vector<16xf32>
      %add3A_391 = arith.addf %add3A_227, %mul3A_390 : vector<16xf32>
      %mul3A_392 = arith.mulf %sub3A_389, %sub3A_389 : vector<16xf32>
      %add3A_393 = arith.addf %add3A_229, %mul3A_392 : vector<16xf32>
      %add3A_394 = arith.constant 1 : i32
      %add3A_395 = arith.addi %mul3A_373, %add3A_394 : i32
      %add3A_396 = vector.broadcast %add3A_395 : i32 to vector<16xi32>
      %add3A_397 = arith.addi %select_n3A_52, %add3A_396 : vector<16xi32>
      %ge3A_398 = arith.constant 128 : i32
      %ge3A_399 = vector.broadcast %ge3A_398 : i32 to vector<16xi32>
      %ge3A_400 = arith.cmpi sge, %add3A_397, %ge3A_399 : vector<16xi32>
      %sub3A_401 = arith.constant 128 : i32
      %sub3A_402 = vector.broadcast %sub3A_401 : i32 to vector<16xi32>
      %sub3A_403 = arith.subi %add3A_397, %sub3A_402 : vector<16xi32>
      %select_n3A_404 = arith.select %ge3A_400, %sub3A_403, %add3A_397 : vector<16xi1>, vector<16xi32>
      %gather3A_405 = tpu.vector_load_idx %arg10[%add3A_160, %select_n3A_404] : memref<64x128xf32, #tpu.memory_space<vmem>>[vector<16xi32>, vector<16xi32>], vector<16xf32>,
      %gather3A_406 = tpu.vector_load_idx %arg11[%add3A_160, %select_n3A_404] : memref<64x128xf32, #tpu.memory_space<vmem>>[vector<16xi32>, vector<16xi32>], vector<16xf32>,
      %gather3A_407 = tpu.vector_load_idx %arg12[%add3A_160, %select_n3A_404] : memref<64x128xf32, #tpu.memory_space<vmem>>[vector<16xi32>, vector<16xi32>], vector<16xf32>,
      %sub3A_408 = arith.subf %gather3A_405, %gather3A_406 : vector<16xf32>
      %sub3A_409 = arith.subf %gather3A_405, %gather3A_407 : vector<16xf32>
      %mul3A_410 = arith.mulf %sub3A_408, %sub3A_408 : vector<16xf32>
      %add3A_411 = arith.addf %add3A_247, %mul3A_410 : vector<16xf32>
      %mul3A_412 = arith.mulf %sub3A_409, %sub3A_409 : vector<16xf32>
      %add3A_413 = arith.addf %add3A_249, %mul3A_412 : vector<16xf32>
      %add3A_414 = arith.constant 2 : i32
      %add3A_415 = arith.addi %mul3A_373, %add3A_414 : i32
      %add3A_416 = vector.broadcast %add3A_415 : i32 to vector<16xi32>
      %add3A_417 = arith.addi %select_n3A_52, %add3A_416 : vector<16xi32>
      %ge3A_418 = arith.constant 128 : i32
      %ge3A_419 = vector.broadcast %ge3A_418 : i32 to vector<16xi32>
      %ge3A_420 = arith.cmpi sge, %add3A_417, %ge3A_419 : vector<16xi32>
      %sub3A_421 = arith.constant 128 : i32
      %sub3A_422 = vector.broadcast %sub3A_421 : i32 to vector<16xi32>
      %sub3A_423 = arith.subi %add3A_417, %sub3A_422 : vector<16xi32>
      %select_n3A_424 = arith.select %ge3A_420, %sub3A_423, %add3A_417 : vector<16xi1>, vector<16xi32>
      %gather3A_425 = tpu.vector_load_idx %arg10[%add3A_160, %select_n3A_424] : memref<64x128xf32, #tpu.memory_space<vmem>>[vector<16xi32>, vector<16xi32>], vector<16xf32>,
      %gather3A_426 = tpu.vector_load_idx %arg11[%add3A_160, %select_n3A_424] : memref<64x128xf32, #tpu.memory_space<vmem>>[vector<16xi32>, vector<16xi32>], vector<16xf32>,
      %gather3A_427 = tpu.vector_load_idx %arg12[%add3A_160, %select_n3A_424] : memref<64x128xf32, #tpu.memory_space<vmem>>[vector<16xi32>, vector<16xi32>], vector<16xf32>,
      %sub3A_428 = arith.subf %gather3A_425, %gather3A_426 : vector<16xf32>
      %sub3A_429 = arith.subf %gather3A_425, %gather3A_427 : vector<16xf32>
      %mul3A_430 = arith.mulf %sub3A_428, %sub3A_428 : vector<16xf32>
      %add3A_431 = arith.addf %add3A_267, %mul3A_430 : vector<16xf32>
      %mul3A_432 = arith.mulf %sub3A_429, %sub3A_429 : vector<16xf32>
      %add3A_433 = arith.addf %add3A_269, %mul3A_432 : vector<16xf32>
      %add3A_434 = arith.constant 3 : i32
      %add3A_435 = arith.addi %mul3A_373, %add3A_434 : i32
      %add3A_436 = vector.broadcast %add3A_435 : i32 to vector<16xi32>
      %add3A_437 = arith.addi %select_n3A_52, %add3A_436 : vector<16xi32>
      %ge3A_438 = arith.constant 128 : i32
      %ge3A_439 = vector.broadcast %ge3A_438 : i32 to vector<16xi32>
      %ge3A_440 = arith.cmpi sge, %add3A_437, %ge3A_439 : vector<16xi32>
      %sub3A_441 = arith.constant 128 : i32
      %sub3A_442 = vector.broadcast %sub3A_441 : i32 to vector<16xi32>
      %sub3A_443 = arith.subi %add3A_437, %sub3A_442 : vector<16xi32>
      %select_n3A_444 = arith.select %ge3A_440, %sub3A_443, %add3A_437 : vector<16xi1>, vector<16xi32>
      %gather3A_445 = tpu.vector_load_idx %arg10[%add3A_160, %select_n3A_444] : memref<64x128xf32, #tpu.memory_space<vmem>>[vector<16xi32>, vector<16xi32>], vector<16xf32>,
      %gather3A_446 = tpu.vector_load_idx %arg11[%add3A_160, %select_n3A_444] : memref<64x128xf32, #tpu.memory_space<vmem>>[vector<16xi32>, vector<16xi32>], vector<16xf32>,
      %gather3A_447 = tpu.vector_load_idx %arg12[%add3A_160, %select_n3A_444] : memref<64x128xf32, #tpu.memory_space<vmem>>[vector<16xi32>, vector<16xi32>], vector<16xf32>,
      %sub3A_448 = arith.subf %gather3A_445, %gather3A_446 : vector<16xf32>
      %sub3A_449 = arith.subf %gather3A_445, %gather3A_447 : vector<16xf32>
      %mul3A_450 = arith.mulf %sub3A_448, %sub3A_448 : vector<16xf32>
      %add3A_451 = arith.addf %add3A_287, %mul3A_450 : vector<16xf32>
      %mul3A_452 = arith.mulf %sub3A_449, %sub3A_449 : vector<16xf32>
      %add3A_453 = arith.addf %add3A_289, %mul3A_452 : vector<16xf32>
      %add3A_454 = arith.constant 4 : i32
      %add3A_455 = arith.addi %mul3A_373, %add3A_454 : i32
      %add3A_456 = vector.broadcast %add3A_455 : i32 to vector<16xi32>
      %add3A_457 = arith.addi %select_n3A_52, %add3A_456 : vector<16xi32>
      %ge3A_458 = arith.constant 128 : i32
      %ge3A_459 = vector.broadcast %ge3A_458 : i32 to vector<16xi32>
      %ge3A_460 = arith.cmpi sge, %add3A_457, %ge3A_459 : vector<16xi32>
      %sub3A_461 = arith.constant 128 : i32
      %sub3A_462 = vector.broadcast %sub3A_461 : i32 to vector<16xi32>
      %sub3A_463 = arith.subi %add3A_457, %sub3A_462 : vector<16xi32>
      %select_n3A_464 = arith.select %ge3A_460, %sub3A_463, %add3A_457 : vector<16xi1>, vector<16xi32>
      %gather3A_465 = tpu.vector_load_idx %arg10[%add3A_160, %select_n3A_464] : memref<64x128xf32, #tpu.memory_space<vmem>>[vector<16xi32>, vector<16xi32>], vector<16xf32>,
      %gather3A_466 = tpu.vector_load_idx %arg11[%add3A_160, %select_n3A_464] : memref<64x128xf32, #tpu.memory_space<vmem>>[vector<16xi32>, vector<16xi32>], vector<16xf32>,
      %gather3A_467 = tpu.vector_load_idx %arg12[%add3A_160, %select_n3A_464] : memref<64x128xf32, #tpu.memory_space<vmem>>[vector<16xi32>, vector<16xi32>], vector<16xf32>,
      %sub3A_468 = arith.subf %gather3A_465, %gather3A_466 : vector<16xf32>
      %sub3A_469 = arith.subf %gather3A_465, %gather3A_467 : vector<16xf32>
      %mul3A_470 = arith.mulf %sub3A_468, %sub3A_468 : vector<16xf32>
      %add3A_471 = arith.addf %add3A_307, %mul3A_470 : vector<16xf32>
      %mul3A_472 = arith.mulf %sub3A_469, %sub3A_469 : vector<16xf32>
      %add3A_473 = arith.addf %add3A_309, %mul3A_472 : vector<16xf32>
      %add3A_474 = arith.constant 5 : i32
      %add3A_475 = arith.addi %mul3A_373, %add3A_474 : i32
      %add3A_476 = vector.broadcast %add3A_475 : i32 to vector<16xi32>
      %add3A_477 = arith.addi %select_n3A_52, %add3A_476 : vector<16xi32>
      %ge3A_478 = arith.constant 128 : i32
      %ge3A_479 = vector.broadcast %ge3A_478 : i32 to vector<16xi32>
      %ge3A_480 = arith.cmpi sge, %add3A_477, %ge3A_479 : vector<16xi32>
      %sub3A_481 = arith.constant 128 : i32
      %sub3A_482 = vector.broadcast %sub3A_481 : i32 to vector<16xi32>
      %sub3A_483 = arith.subi %add3A_477, %sub3A_482 : vector<16xi32>
      %select_n3A_484 = arith.select %ge3A_480, %sub3A_483, %add3A_477 : vector<16xi1>, vector<16xi32>
      %gather3A_485 = tpu.vector_load_idx %arg10[%add3A_160, %select_n3A_484] : memref<64x128xf32, #tpu.memory_space<vmem>>[vector<16xi32>, vector<16xi32>], vector<16xf32>,
      %gather3A_486 = tpu.vector_load_idx %arg11[%add3A_160, %select_n3A_484] : memref<64x128xf32, #tpu.memory_space<vmem>>[vector<16xi32>, vector<16xi32>], vector<16xf32>,
      %gather3A_487 = tpu.vector_load_idx %arg12[%add3A_160, %select_n3A_484] : memref<64x128xf32, #tpu.memory_space<vmem>>[vector<16xi32>, vector<16xi32>], vector<16xf32>,
      %sub3A_488 = arith.subf %gather3A_485, %gather3A_486 : vector<16xf32>
      %sub3A_489 = arith.subf %gather3A_485, %gather3A_487 : vector<16xf32>
      %mul3A_490 = arith.mulf %sub3A_488, %sub3A_488 : vector<16xf32>
      %add3A_491 = arith.addf %add3A_327, %mul3A_490 : vector<16xf32>
      %mul3A_492 = arith.mulf %sub3A_489, %sub3A_489 : vector<16xf32>
      %add3A_493 = arith.addf %add3A_329, %mul3A_492 : vector<16xf32>
      %add3A_494 = arith.constant 6 : i32
      %add3A_495 = arith.addi %mul3A_373, %add3A_494 : i32
      %add3A_496 = vector.broadcast %add3A_495 : i32 to vector<16xi32>
      %add3A_497 = arith.addi %select_n3A_52, %add3A_496 : vector<16xi32>
      %ge3A_498 = arith.constant 128 : i32
      %ge3A_499 = vector.broadcast %ge3A_498 : i32 to vector<16xi32>
      %ge3A_500 = arith.cmpi sge, %add3A_497, %ge3A_499 : vector<16xi32>
      %sub3A_501 = arith.constant 128 : i32
      %sub3A_502 = vector.broadcast %sub3A_501 : i32 to vector<16xi32>
      %sub3A_503 = arith.subi %add3A_497, %sub3A_502 : vector<16xi32>
      %select_n3A_504 = arith.select %ge3A_500, %sub3A_503, %add3A_497 : vector<16xi1>, vector<16xi32>
      %gather3A_505 = tpu.vector_load_idx %arg10[%add3A_160, %select_n3A_504] : memref<64x128xf32, #tpu.memory_space<vmem>>[vector<16xi32>, vector<16xi32>], vector<16xf32>,
      %gather3A_506 = tpu.vector_load_idx %arg11[%add3A_160, %select_n3A_504] : memref<64x128xf32, #tpu.memory_space<vmem>>[vector<16xi32>, vector<16xi32>], vector<16xf32>,
      %gather3A_507 = tpu.vector_load_idx %arg12[%add3A_160, %select_n3A_504] : memref<64x128xf32, #tpu.memory_space<vmem>>[vector<16xi32>, vector<16xi32>], vector<16xf32>,
      %sub3A_508 = arith.subf %gather3A_505, %gather3A_506 : vector<16xf32>
      %sub3A_509 = arith.subf %gather3A_505, %gather3A_507 : vector<16xf32>
      %mul3A_510 = arith.mulf %sub3A_508, %sub3A_508 : vector<16xf32>
      %add3A_511 = arith.addf %add3A_347, %mul3A_510 : vector<16xf32>
      %mul3A_512 = arith.mulf %sub3A_509, %sub3A_509 : vector<16xf32>
      %add3A_513 = arith.addf %add3A_349, %mul3A_512 : vector<16xf32>
      %add3A_514 = arith.constant 7 : i32
      %add3A_515 = arith.addi %mul3A_373, %add3A_514 : i32
      %add3A_516 = vector.broadcast %add3A_515 : i32 to vector<16xi32>
      %add3A_517 = arith.addi %select_n3A_52, %add3A_516 : vector<16xi32>
      %ge3A_518 = arith.constant 128 : i32
      %ge3A_519 = vector.broadcast %ge3A_518 : i32 to vector<16xi32>
      %ge3A_520 = arith.cmpi sge, %add3A_517, %ge3A_519 : vector<16xi32>
      %sub3A_521 = arith.constant 128 : i32
      %sub3A_522 = vector.broadcast %sub3A_521 : i32 to vector<16xi32>
      %sub3A_523 = arith.subi %add3A_517, %sub3A_522 : vector<16xi32>
      %select_n3A_524 = arith.select %ge3A_520, %sub3A_523, %add3A_517 : vector<16xi1>, vector<16xi32>
      %gather3A_525 = tpu.vector_load_idx %arg10[%add3A_160, %select_n3A_524] : memref<64x128xf32, #tpu.memory_space<vmem>>[vector<16xi32>, vector<16xi32>], vector<16xf32>,
      %gather3A_526 = tpu.vector_load_idx %arg11[%add3A_160, %select_n3A_524] : memref<64x128xf32, #tpu.memory_space<vmem>>[vector<16xi32>, vector<16xi32>], vector<16xf32>,
      %gather3A_527 = tpu.vector_load_idx %arg12[%add3A_160, %select_n3A_524] : memref<64x128xf32, #tpu.memory_space<vmem>>[vector<16xi32>, vector<16xi32>], vector<16xf32>,
      %sub3A_528 = arith.subf %gather3A_525, %gather3A_526 : vector<16xf32>
      %sub3A_529 = arith.subf %gather3A_525, %gather3A_527 : vector<16xf32>
      %mul3A_530 = arith.mulf %sub3A_528, %sub3A_528 : vector<16xf32>
      %add3A_531 = arith.addf %add3A_367, %mul3A_530 : vector<16xf32>
      %mul3A_532 = arith.mulf %sub3A_529, %sub3A_529 : vector<16xf32>
      %add3A_533 = arith.addf %add3A_369, %mul3A_532 : vector<16xf32>
      scf.yield %add3A_391, %add3A_411, %add3A_431, %add3A_451, %add3A_471, %add3A_491, %add3A_511, %add3A_531, %add3A_393, %add3A_413, %add3A_433, %add3A_453, %add3A_473, %add3A_493, %add3A_513, %add3A_533 : vector<16xf32>, vector<16xf32>, vector<16xf32>, vector<16xf32>, vector<16xf32>, vector<16xf32>, vector<16xf32>, vector<16xf32>, vector<16xf32>, vector<16xf32>, vector<16xf32>, vector<16xf32>, vector<16xf32>, vector<16xf32>, vector<16xf32>, vector<16xf32>
    }
    %scan3A_170 = arith.constant 16 : i32
    %add3A_171 = arith.addf %scan3A_169#0, %scan3A_169#4 : vector<16xf32>
    %add3A_172 = arith.addf %scan3A_169#8, %scan3A_169#12 : vector<16xf32>
    %add3A_173 = arith.addf %scan3A_169#1, %scan3A_169#5 : vector<16xf32>
    %add3A_174 = arith.addf %scan3A_169#9, %scan3A_169#13 : vector<16xf32>
    %add3A_175 = arith.addf %scan3A_169#2, %scan3A_169#6 : vector<16xf32>
    %add3A_176 = arith.addf %scan3A_169#10, %scan3A_169#14 : vector<16xf32>
    %add3A_177 = arith.addf %scan3A_169#3, %scan3A_169#7 : vector<16xf32>
    %add3A_178 = arith.addf %scan3A_169#11, %scan3A_169#15 : vector<16xf32>
    %add3A_179 = arith.addf %add3A_171, %add3A_175 : vector<16xf32>
    %add3A_180 = arith.addf %add3A_172, %add3A_176 : vector<16xf32>
    %add3A_181 = arith.addf %add3A_173, %add3A_177 : vector<16xf32>
    %add3A_182 = arith.addf %add3A_174, %add3A_178 : vector<16xf32>
    %add3A_183 = arith.addf %add3A_179, %add3A_181 : vector<16xf32>
    %add3A_184 = arith.addf %add3A_180, %add3A_182 : vector<16xf32>
    %lt3A_185 = arith.cmpf olt, %add3A_184, %add3A_183 : vector<16xf32>
    %eq3A_186 = arith.cmpf oeq, %add3A_184, %add3A_183 : vector<16xf32>
    %lt3A_187 = arith.cmpi slt, %get3A_164, %get3A_162 : vector<16xi32>
    %and3A_188 = arith.andi %eq3A_186, %lt3A_187 : vector<16xi1>
    %or3A_189 = arith.ori %lt3A_185, %and3A_188 : vector<16xi1>
    %select_n3A_190 = arith.select %or3A_189, %get3A_164, %get3A_162 : vector<16xi1>, vector<16xi32>
    %gather3A_191 = tpu.vector_load_idx %arg13[%select_n3A_190, %broadcast_in_dim3A_31] : memref<1024x2xi32, #tpu.memory_space<vmem>>[vector<16xi32>, vector<16xi32>], vector<16xi32>,
    %gather3A_192 = tpu.vector_load_idx %arg13[%select_n3A_190, %add3A_34] : memref<1024x2xi32, #tpu.memory_space<vmem>>[vector<16xi32>, vector<16xi32>], vector<16xi32>,
    tpu.vector_store_idx %arg14[%add3A_160, %broadcast_in_dim3A_31], %gather3A_191 : memref<64x2xi32, #tpu.memory_space<vmem>>[vector<16xi32>, vector<16xi32>], vector<16xi32>,
    tpu.vector_store_idx %arg14[%add3A_160, %add3A_34], %gather3A_192 : memref<64x2xi32, #tpu.memory_space<vmem>>[vector<16xi32>, vector<16xi32>], vector<16xi32>,
    "tpu.region"() ({
      %run_scoped3A = tpu.sem_alloc : memref<!tpu.dma_semaphore, #tpu.memory_space<semaphore_mem>>
      %dma_start3A_193 = arith.constant 0 : i32
      %dma_start3A_194 = tpu.memref_slice %arg7[%mul3A_2, %dma_start3A_193] : memref<2048x2xi32, #tpu.memory_space<hbm>> -> memref<64x2xi32, #tpu.memory_space<hbm>>
      %dma_start3A_195 = arith.constant 0 : i32
      %dma_start3A_196 = tpu.memref_slice %arg7[%mul3A_2, %dma_start3A_195] : memref<2048x2xi32, #tpu.memory_space<hbm>> -> memref<64x2xi32, #tpu.memory_space<hbm>>
      tpu.enqueue_dma source(%arg14 : memref<64x2xi32, #tpu.memory_space<vmem>>) target(%dma_start3A_196 : memref<64x2xi32, #tpu.memory_space<hbm>>) target_semaphore(%run_scoped3A : memref<!tpu.dma_semaphore, #tpu.memory_space<semaphore_mem>>)
      %dma_wait3A_197 = arith.constant 0 : i32
      %dma_wait3A_198 = tpu.memref_slice %arg7[%mul3A_2, %dma_wait3A_197] : memref<2048x2xi32, #tpu.memory_space<hbm>> -> memref<64x2xi32, #tpu.memory_space<hbm>>
      %dma_wait3A_199 = arith.constant 0 : i32
      %dma_wait3A_200 = tpu.memref_slice %arg7[%mul3A_2, %dma_wait3A_199] : memref<2048x2xi32, #tpu.memory_space<hbm>> -> memref<64x2xi32, #tpu.memory_space<hbm>>
      tpu.wait_dma2 semaphore(%run_scoped3A : memref<!tpu.dma_semaphore, #tpu.memory_space<semaphore_mem>>) src(%arg14 : memref<64x2xi32, #tpu.memory_space<vmem>>) dst(%dma_wait3A_200 : memref<64x2xi32, #tpu.memory_space<hbm>>)
      tpu.yield
    }) : () -> ()
    return
  }
}

module attributes {stable_mosaic.version = 14 : i64} {
  func.func @_tc_top2_body(%arg0: memref<1024x128xf32, #tpu.memory_space<vmem>>, %arg1: memref<2048x128xf32, #tpu.memory_space<vmem>>, %arg2: memref<2048xi32, #tpu.memory_space<vmem>>, %arg3: memref<2048xi32, #tpu.memory_space<vmem>>) attributes {dimension_semantics = [], scalar_prefetch = 0 : i64, scratch_operands = 0 : i64, tpu.core_type = #tpu.core_type<tc>} {
    %get3A = arith.constant 0 : index
    %get3A_0 = arith.constant 0 : index
    %get3A_1 = vector.load %arg0[%get3A, %get3A_0] : memref<1024x128xf32, #tpu.memory_space<vmem>>, vector<1024x128xf32>
    %get3A_2 = arith.constant 0 : index
    %get3A_3 = arith.constant 0 : index
    %get3A_4 = vector.load %arg1[%get3A_2, %get3A_3] : memref<2048x128xf32, #tpu.memory_space<vmem>>, vector<2048x128xf32>
    %mul3A = arith.mulf %get3A_1, %get3A_1 : vector<1024x128xf32>
    %reduce_sum3A = arith.constant dense<0.000000e+00> : vector<1024xf32>
    %reduce_sum3A_5 = vector.multi_reduction <add>, %mul3A, %reduce_sum3A [1] : vector<1024x128xf32> to vector<1024xf32>
    %broadcast_in_dim3A = vector.shape_cast %reduce_sum3A_5 : vector<1024xf32> to vector<1024x1xf32>
    %dot_general3A = arith.constant dense<0.000000e+00> : vector<1024x2048xf32>
    %dot_general3A_6 = tpu.matmul %get3A_1, %get3A_4, %dot_general3A {dimension_numbers = #tpu.dot_dimension_numbers<[1], [1], [0], [0], [0, 0, 1, 0], [], []>, precision = #tpu.contract_precision<fp32>, transpose_lhs_hint = false} : vector<1024x128xf32>, vector<2048x128xf32>, vector<1024x2048xf32> -> vector<1024x2048xf32>
    %mul3A_7 = arith.constant 5.000000e-01 : f32
    %mul3A_8 = vector.broadcast %mul3A_7 : f32 to vector<1024x1xf32>
    %mul3A_9 = arith.mulf %mul3A_8, %broadcast_in_dim3A : vector<1024x1xf32>
    %sub3A = vector.broadcast %mul3A_9 : vector<1024x1xf32> to vector<1024x2048xf32>
    %sub3A_10 = arith.subf %sub3A, %dot_general3A_6 : vector<1024x2048xf32>
    %argmin3A = tpu.reduce_index %sub3A_10 {axis = 0 : i32, kind = #tpu.reduction_kind<arg_min>} : vector<1024x2048xf32> -> vector<2048xi32>
    %iota3A = tpu.iota {dimensions = array<i32: 0>} : vector<1024x2048xi32>
    %broadcast_in_dim3A_11 = vector.shape_cast %argmin3A : vector<2048xi32> to vector<1x2048xi32>
    %eq3A = vector.broadcast %broadcast_in_dim3A_11 : vector<1x2048xi32> to vector<1024x2048xi32>
    %eq3A_12 = arith.cmpi eq, %iota3A, %eq3A : vector<1024x2048xi32>
    %jit3A = arith.constant 0x7F800000 : f32
    %broadcast_in_dim3A_13 = vector.broadcast %jit3A : f32 to vector<1024x2048xf32>
    %select_n3A = arith.select %eq3A_12, %broadcast_in_dim3A_13, %sub3A_10 : vector<1024x2048xi1>, vector<1024x2048xf32>
    %argmin3A_14 = tpu.reduce_index %select_n3A {axis = 0 : i32, kind = #tpu.reduction_kind<arg_min>} : vector<1024x2048xf32> -> vector<2048xi32>
    %swap3A = arith.constant 0 : index
    %swap3A_15 = vector.load %arg2[%swap3A] : memref<2048xi32, #tpu.memory_space<vmem>>, vector<2048xi32>
    tpu.vector_store %arg2[%swap3A], %argmin3A {strides = array<i32>} : memref<2048xi32, #tpu.memory_space<vmem>>, vector<2048xi32>,
    %swap3A_16 = arith.constant 0 : index
    %swap3A_17 = vector.load %arg3[%swap3A_16] : memref<2048xi32, #tpu.memory_space<vmem>>, vector<2048xi32>
    tpu.vector_store %arg3[%swap3A_16], %argmin3A_14 {strides = array<i32>} : memref<2048xi32, #tpu.memory_space<vmem>>, vector<2048xi32>,
    return
  }
}

</mosaic_0001>

<sc_bundles>
// kernel: kernel.4.cloned.1.call-start
scs
__scs_entry_jumppad:
0x0: {  	(pc) =	sbr.rel $0x88, $3  }
0x1: {  	(tag) =	ssettag $0x0;
	lr =	simm.s32 $0x1  }
0x2: {  	[smem:$0x3F9E] =	sst lr;
	_ =	strace $0xD0000000  }
0x3: {  	_ = 	snop  }
0x4: {  	_ = 	snop  }
0x5: {  	_ = 	snop  }
0x6: {  	_ = 	snop  }
0x7: {  	_ = 	snop  }
__scs_overlays_trampoline_lowered:
0x8: {  	[smem:$0x3FAD] =	sst s0  }
0x9: {  	[smem:$0x3FAE] =	sst s1  }
0xa: {  	[smem:$0x3FAF] =	sst s2  }
0xb: {  	[smem:$0x3FB0] =	sst s3  }
0xc: {  	[smem:$0x3FB1] =	sst s4  }
0xd: {  	[smem:$0x3FB2] =	sst s5  }
0xe: {  	[smem:$0x3FB3] =	sst s6  }
0xf: {  	[smem:$0x3FB4] =	sst s7  }
0x10: {  	[smem:$0x3FB5] =	sst s8  }
0x11: {  	[smem:$0x3FB6] =	sst s9;
	s0 =	simm.s32 @!p0 $0x0  }
0x12: {  	s1 =	sld [smem:$0x3F9C];
	s0 =	simm.s32 @p0 $0x1  }
0x13: {  	[smem:$0x3FB7] =	sst s0;
	s0 =	simm.s32 @!p1 $0x0  }
0x14: {  	s2 =	sld [smem:$0x3F9B];
	s0 =	simm.s32 @p1 $0x1  }
0x15: {  	[smem:$0x3FB8] =	sst s0;
	s0 =	simm.s32 @!p2 $0x0  }
0x16: {  	s3 =	sld [smem:$0x3FDB];
	s0 =	simm.s32 @p2 $0x1  }
0x17: {  	s4 =	simm.s32 $0x1BF5;
	[smem:$0x3FBA] =	sst s0  }
0x18: {  	s0 =	sld [smem:$0x3F9D];
	_ =	swait.ge [sflag:s4], $0x0  }
0x19: {  	s7 =	sld [smem:$0x3F9E]  }
0x1a: {  	s8 =	sadd.s32 $0xFFFFE003, lr  }
0x1b: {  	s9 =	sadd.s32 $0xFFFFFEF7, lr;
	s5 =	simm.s32 $0xFFFFFFFF;
	p2 =	slt.u32 s8, $0xFFFFF086  }
0x1c: {  	p1 =	slt.u32 s9, $0xF7A;
	s5 =	simm.s32 @!p2 $0x0  }
0x1d: {  	s5 =	simm.s32 @p1 $0x1;
	p0 =	seq.s32 s7, s2  }
0x1e: {  	s7 =	smul.u32 @!p0 $0xF7A, s2;
	p2 =	seq.s32 @!p0 s5, $0x0  }
0x1f: {  	s9 =	smul.u32 $0xF7A, s1;
	s8 =	simm.s32 @!p0 $0x1BF5;
	p2 =	por !p2, p0  }
0x20: {  	[sflag:s8] =	ssyncset.s32 @!p0 $0xFFFFF086;
	s6 =	sadd.s32 @!p0 s3, s7;
	s7 =	simm.s32 @!p0 $0x108  }
0x21: {  	s3 =	sadd.s32 s3, s9;
	s6 =	sadd.s32 @!p0 $0x88, s6;
	s7 =	simm.s32 @p2 $0x1082  }
0x22: {  	[simem:s7], [sflag:s8] =	dma.local @!p0 [hbm:s6], $0xF7A  }
0x23: {  	s9 =	sor.u32 $0xD0000000, s2;
	s6 =	simm.s32 $0x108;
	_ =	swait.ge @!p0 [sflag:s8], $0x0  }
0x24: {  	s3 =	sadd.s32 $0x88, s3;
	s6 =	simm.s32 @!p1 $0x1082;
	[sflag:s4] =	ssyncset.s32 $0xFFFFF086  }
0x25: {  	[simem:s6], [sflag:s4] =	dma.local [hbm:s3], $0xF7A  }
0x26: {  	[smem:$0x3F9E] =	sst s1;
	(tag) =	ssettag s2;
	_ =	strace s9  }
0x27: {  	s1 =	sld [smem:$0x3FAE]  }
0x28: {  	s2 =	sld [smem:$0x3FAF]  }
0x29: {  	s4 =	sld [smem:$0x3FB1]  }
0x2a: {  	p0 =	seq.s32 s5, $0x0;
	s5 =	sld [smem:$0x3FB2]  }
0x2b: {  	s6 =	sld [smem:$0x3FB3]  }
0x2c: {  	s7 =	sld [smem:$0x3FB4]  }
0x2d: {  	s3 =	simm.s32 $0x108;
	s8 =	sld [smem:$0x3FB5]  }
0x2e: {  	s3 =	simm.s32 @!p0 $0x1082;
	s9 =	sld [smem:$0x3FB6]  }
0x2f: {  	lr =	sadd.s32 s0, s3;
	s0 =	sld [smem:$0x3FAD]  }
0x30: {  	s3 =	sld [smem:$0x3FB0]  }
0x31: {  	[smem:$0x3FB9] =	sst s10  }
0x32: {  	s10 =	sld [smem:$0x3FB7];
	_ =	sdelay $0x3  }
0x33: {  	p0 =	seq.s32 s10, $0x1;
	s10 =	sld [smem:$0x3FB9];
	_ =	sdelay $0x3  }
0x34: {  	[smem:$0x3FB9] =	sst s10  }
0x35: {  	s10 =	sld [smem:$0x3FB8];
	_ =	sdelay $0x3  }
0x36: {  	p1 =	seq.s32 s10, $0x1;
	s10 =	sld [smem:$0x3FB9];
	_ =	sdelay $0x3  }
0x37: {  	[smem:$0x3FB9] =	sst s10  }
0x38: {  	s10 =	sld [smem:$0x3FBA]  }
0x39: {  	_ = 	snop;
	(pc) =	sbr.ind lr, $3  }
0x3a: {  	_ = 	snop  }
0x3b: {  	_ = 	snop  }
0x3c: {  	p2 =	seq.s32 s10, $0x1;
	s10 =	sld [smem:$0x3FB9]  }
0x3d: {  	_ =	shalt  }
0x3e: {  	_ =	shalt  }
0x3f: {  	_ =	shalt  }
0x40: {  	_ =	shalt  }
0x41: {  	_ =	shalt  }
0x42: {  	_ =	shalt  }
0x43: {  	_ =	shalt  }
0x44: {  	_ =	shalt  }
0x45: {  	_ =	shalt  }
0x46: {  	_ =	shalt  }
0x47: {  	_ =	shalt  }
0x48: {  	_ =	shalt  }
0x49: {  	_ =	shalt  }
0x4a: {  	_ =	shalt  }
0x4b: {  	_ =	shalt  }
0x4c: {  	_ =	shalt  }
0x4d: {  	_ =	shalt  }
0x4e: {  	_ =	shalt  }
0x4f: {  	_ =	shalt  }
0x50: {  	_ =	shalt  }
0x51: {  	_ =	shalt  }
0x52: {  	_ =	shalt  }
0x53: {  	_ =	shalt  }
0x54: {  	_ =	shalt  }
0x55: {  	_ =	shalt  }
0x56: {  	_ =	shalt  }
0x57: {  	_ =	shalt  }
0x58: {  	_ =	shalt  }
0x59: {  	_ =	shalt  }
0x5a: {  	_ =	shalt  }
0x5b: {  	_ =	shalt  }
0x5c: {  	_ =	shalt  }
0x5d: {  	_ =	shalt  }
0x5e: {  	_ =	shalt  }
0x5f: {  	_ =	shalt  }
0x60: {  	_ =	shalt  }
0x61: {  	_ =	shalt  }
0x62: {  	_ =	shalt  }
0x63: {  	_ =	shalt  }
0x64: {  	_ =	shalt  }
0x65: {  	_ =	shalt  }
0x66: {  	_ =	shalt  }
0x67: {  	_ =	shalt  }
0x68: {  	_ =	shalt  }
0x69: {  	_ =	shalt  }
0x6a: {  	_ =	shalt  }
0x6b: {  	_ =	shalt  }
0x6c: {  	_ =	shalt  }
0x6d: {  	_ =	shalt  }
0x6e: {  	_ =	shalt  }
0x6f: {  	_ =	shalt  }
0x70: {  	_ =	shalt  }
0x71: {  	_ =	shalt  }
0x72: {  	_ =	shalt  }
0x73: {  	_ =	shalt  }
0x74: {  	_ =	shalt  }
0x75: {  	_ =	shalt  }
0x76: {  	_ =	shalt  }
0x77: {  	_ =	shalt  }
0x78: {  	_ =	shalt  }
0x79: {  	_ =	shalt  }
0x7a: {  	_ =	shalt  }
0x7b: {  	_ =	shalt  }
0x7c: {  	_ =	shalt  }
0x7d: {  	_ =	shalt  }
0x7e: {  	_ =	shalt  }
0x7f: {  	_ =	shalt  }
0x80: {  	_ =	shalt  }
0x81: {  	_ =	shalt  }
0x82: {  	_ =	shalt  }
0x83: {  	_ =	shalt  }
0x84: {  	_ =	shalt  }
0x85: {  	_ =	shalt  }
0x86: {  	_ =	shalt  }
0x87: {  	_ =	shalt  }
.Lfunc_end0:
.L_simem_size_0:
called_computation_lowered:
.L_overlay_start_0:
0x88: {  	s2 =	sld [smem:$0x3FD9]  }
0x89: {  	s3 =	sld [smem:$0x3FFE];
	_ =	sdelay $0x1  }
0x8a: {  	s1 =	srdreg.scid  }
0x8b: {  	s0 =	sand.u32 $0x1, s1  }
0x8c: {  	s17 =	sshll.u32 s0, $0xA;
	s2 =	sadd.s32 s3, s2  }
0x8d: {  	s2 =	sadd.s32 s2, s17  }
0x8e: {  	[smem:$0x3FC5] =	sst s2  }
0x8f: {  	_ = 	snop  }
0x90: {  	s2 =	sld [smem:$0x3FC9]  }
0x91: {  	s18 =	sld [smem:$0x3FC8]  }
0x92: {  	s4 =	sld [smem:$0x3FD0];
	(tm) =	ssettm $0x1  }
0x93: {  	s5 =	sld [smem:$0x3FFB];
	_ =	sdelay $0x3  }
0x94: {  	_ =	strace s5  }
0x95: {  	s5 =	sld [smem:$0x3FFC];
	_ =	sdelay $0x3  }
0x96: {  	_ =	strace s5  }
0x97: {  	s5 =	sld [smem:$0x3FFD];
	_ =	sdelay $0x3  }
0x98: {  	_ =	strace s5  }
0x99: {  	_ =	strace $0x8FFFFFFF  }
0x9a: {  	s19 =	sld [smem:$0x3FDB];
	_ =	sdelay $0x1  }
0x9b: {  	s6 =	simm.s32 $_scs_section_size  }
0x9c: {  	s7 =	simm.s32 $_size__tile_overlayer_lowered;
	s8 =	simm.s32 $_tile_overlayer_lowered  }
0x9d: {  	s22 =	simm.s32 $0x1BFF;
	s21 =	sshll.u32 s8, $0x1;
	s5 =	sadd.s32 s6, s19  }
0x9e: {  	s9 =	simm.s32 $0x0;
	s20 =	sshll.u32 s7, $0x1;
	s7 =	sadd.s32 s21, s5  }
0x9f: {  	[timem:s9], [sflag:s22] =	dma.local [hbm:s7], s20  }
0xa0: {  	_ =	swait.ge [sflag:s22], s20  }
0xa1: {  	s6 =	ssub.s32 $0x0, s20;
	[sflag:s22] =	ssyncset.done $0x0  }
0xa2: {  	[sflag:s22] =	ssyncadd.s32 s6;
	_ =	sdelay $0x1  }
0xa3: {  	s23 =	simm.s32 $0x1B8B  }
0xa4: {  	_ =	swait.ge [sflag:s23], $0x1  }
0xa5: {  	[sflag:s23] =	ssyncset.done $0x0  }
0xa6: {  	s25 =	simm.s32 $0x1B8E;
	s24 =	sld [smem:$0x3FFE];
	[sflag:s23] =	ssyncadd.s32 $0xFFFFFFFF  }
0xa7: {  	s26 =	simm.s32 $execute0_lowered;
	[smem:$0x3FD2] =	sst s25  }
0xa8: {  	s7 =	sshll.u32 s26, $0x1;
	_ =	strace $0x80000046;
	[dreg:$0x1] =	wrdreg $0xFFFFFFFF  }
0xa9: {  	s28 =	simm.s32 $_size_execute0_lowered;
	s5 =	sadd.s32 s5, s7;
	[dreg:$0x0] =	wrdreg $0x0  }
0xaa: {  	s7 =	sshll.u32 s28, $0x1;
	[dreg:$0x2] =	wrdreg s5  }
0xab: {  	[dreg:$0x3] =	wrdreg s7  }
0xac: {  	[dreg:$0x4] =	wrdreg $0xC0  }
0xad: {  	_ =	task [dreg:s9], $0x5FFFF  }
0xae: {  	[dreg:$0x1] =	wrdreg $0xFFFFFFFF  }
0xaf: {  	[dreg:$0x0] =	wrdreg $0x60  }
0xb0: {  	[dreg:$0x2] =	wrdreg s2  }
0xb1: {  	[dreg:$0x3] =	wrdreg s18  }
0xb2: {  	[dreg:$0x4] =	wrdreg s24  }
0xb3: {  	[dreg:$0x5] =	wrdreg s4  }
0xb4: {  	[dreg:$0x6] =	wrdreg $0x9  }
0xb5: {  	_ =	task.clear_ibuf [dreg:s9], $0x7FFFF;
	_ =	strace $0x90000046  }
0xb6: {  	s29 =	simm.s32 $0x9;
	_ =	strace $0x80000048  }
0xb7: {  	_ =	swait.ge [sflag:s29], $0x1  }
0xb8: {  	[sflag:s29] =	ssyncadd.s32 $0xFFFFFFFF  }
0xb9: {  	_ =	strace $0x90000048  }
0xba: {  	_ =	sfence  }
0xbb: {  	s30 =	sld [smem:$0x0];
	_ =	sdelay $0x2  }
0xbc: {  	s31 =	sshll.u32 s1, $0xD;
	s1 =	sshrl.u32 s1, $0x2  }
0xbd: {  	s3 =	sand.u32 $0x4000, s31;
	s1 =	sadd.s32 s1, s30  }
0xbe: {  	s0 =	sor.u32 s3, s0;
	s1 =	sshll.u32 s1, $0x11  }
0xbf: {  	s0 =	sor.u32 s1, s0  }
0xc0: {  	s0 =	sadd.s32 $0x8F2B, s0  }
0xc1: {  	[sflag:s0] =	ssyncadd.remote.s32 $0x1  }
0xc2: {  	_ =	sfence.sel $0xFFFF  }
0xc3: {  	[dreg:$0x0] =	wrdreg $0xFFFFFFFF;
	(pc) =	sbr.abs _section_cstart, $3  }
0xc4: {  	[dreg:$0x1] =	wrdreg $0xFFFFFFFF  }
0xc5: {  	_ =	task.clear_ibuf [dreg:s9], $0x2FFFF;
	_ =	strace $0x9FFFFFFF  }
0xc6: {  	(tm) =	ssettm $0x7FFFFFFF  }
0xc7: {  	_ =	shalt  }
tec
execute0_lowered:
.L_overlay_start_1:
0x0: {  	(tag) =	ssettag $0x1  }
0x1: {  	s7 =	rddreg [dreg:$0x0]  }
0x2: {  	s1 =	rddreg [dreg:$0x1]  }
0x3: {  	s5 =	rddreg [dreg:$0x2]  }
0x4: {  	s6 =	rddreg [dreg:$0x3];
	s3 =	srdreg.scid  }
0x5: {  	s0 =	rddreg [dreg:$0x4];
	s2 =	stileid.u32  }
0x6: {  	v0 =	vimm.s32 $0x635A5148;
	s14 =	simm.s32 $0x2080;
	s15 =	simm.s32 $0x4080;
	s16 =	simm.s32 $0x2  }
0x7: {  	v1 =	vimm.s32 $0x77E756C;
	v2 =	vimm.s32 $0x1B120900;
	s17 =	simm.s32 $0x8080;
	s18 =	simm.s32 $0x3;
	s19 =	simm.s32 $0x0  }
0x8: {  	v3 =	vimm.s32 $0x3F362D24;
	v4 =	vimm.s32 $0xE3DAD1C8;
	v5 =	vimm.s32 $0x87FEF5EC;
	s8 =	sand.u32 $0x1, s3;
	s3 =	simm.s32 $0x0;
	s4 =	sshll.u32 s2, $0x7  }
0x9: {  	v6 =	vimm.s32 $0x9B928980;
	v7 =	vimm.s32 $0xBFB6ADA4;
	s9 =	sshll.u32 s8, $0x6;
	[smem:$0x7FF] =	sst s3;
	s8 =	ssub.s32 $0x2, s8  }
0xa: {  	v0 =	vunpack.c.0.s8.s32 v0;
	v1 =	vunpack.c.0.s8.s32 v1;
	v2 =	vunpack.c.0.s8.s32 v2;
	s9 =	sor.u32 s9, s4;
	_ =	strace $0x80000047;
	s4 =	sadd.s32 $0xE00, s5  }
0xb: {  	v3 =	vunpack.c.0.s8.s32 v3;
	v4 =	vunpack.c.0.s8.s32 v4;
	v5 =	vunpack.c.0.s8.s32 v5;
	s13 =	sshrl.u32 s8, $0x1;
	s10 =	sshrl.u32 s9, $0x3;
	s12 =	sadd.s32 s9, s5  }
0xc: {  	vm0 =	vcmask $0x1F10;
	v6 =	vunpack.c.0.s8.s32 v6;
	v7 =	vunpack.c.0.s8.s32 v7;
	s9 =	sshll.u32 s9, $0x4;
	s31 =	ssub.s32 s8, s13;
	s13 =	simm.s32 $0x1  }
0xd: {  	v1 =	vsel vm0, v1, v0;
	v2 =	vsel vm0, v3, v2;
	v3 =	vsel vm0, v5, v4;
	s11 =	sadd.s32 s10, s5;
	s6 =	sadd.s32 s6, s10;
	s7 =	sadd.s32 s7, s9  }
0xe: {  	v4 =	vsel vm0, v7, v6;
	v0 =	vlaneseq.u32;
	v1 =	vcombine.low v2, v1;
	s8 =	sadd.s32 $0x1400, s12;
	s9 =	smax.u32 s31, $0x1;
	s10 =	simm.s32 $0x40  }
0xf: {  	v2 =	vcombine.low v4, v3;
	v3 =	vmul.u32 $0x80, v0;
	s12 =	simm.s32 $0x80;
	s5 =	sadd.s32 $0x1200, s11;
	s11 =	simm.s32 $0x6080  }
.LBB2_1:
0x10: {  	[tilespmem:s3], [sflag:$0x1] =	stream.linear.gather [hbm4b:s6+s3], $0x40, $0x38;
	[tilespmem:$0x8280] =	vst v63  }
0x11: {  	_ = 	snop  }
0x12: {  	[tilespmem:s10], [sflag:$0x1] =	stream.linear.gather [hbm4b:s5+s3], $0x40, $0x38;
	[tilespmem:$0x8280] =	vst v63  }
0x13: {  	_ = 	snop  }
0x14: {  	[tilespmem:s11], [sflag:$0x2] =	stream.linear.gather [hbm4b:s4+s3], $0x2000, $0x38;
	[tilespmem:$0x8280] =	vst v63  }
0x15: {  	_ = 	snop  }
0x16: {  	[tilespmem:s12], [sflag:$0x2] =	stream.linear.gather [hbm4b:s7+s3], $0x2000, $0x38;
	[tilespmem:$0x8280] =	vst v63  }
0x17: {  	_ =	swait.ge [sflag:s13], $0x40  }
0x18: {  	[sflag:s13] =	ssyncset.done $0x0  }
0x19: {  	[sflag:s13] =	ssyncadd.s32 $0xFFFFFFC0  }
0x1a: {  	_ =	swait.ge [sflag:s13], $0x40  }
0x1b: {  	[sflag:s13] =	ssyncset.done $0x0  }
0x1c: {  	[sflag:s13] =	ssyncadd.s32 $0xFFFFFFC0  }
0x1d: {  	[tilespmem:s14], [sflag:$0x2] =	stream.indirect.gather [hbm4b:s1+s10], $0x80, s3, s10, $0xb8;
	[tilespmem:$0x8280] =	vst v63  }
0x1e: {  	_ = 	snop  }
0x1f: {  	[tilespmem:s15], [sflag:$0x2] =	stream.indirect.gather [hbm4b:s1+s10], $0x80, s10, s10, $0xb8;
	[tilespmem:$0x8280] =	vst v63  }
0x20: {  	_ =	swait.ge [sflag:s16], $0x2000  }
0x21: {  	[sflag:s16] =	ssyncset.done $0x0  }
0x22: {  	[sflag:s16] =	ssyncadd.s32 $0xFFFFE000  }
0x23: {  	s20 =	simm.s32 $0xF;
	_ =	swait.ge [sflag:s16], $0x2000  }
0x24: {  	v4 =	vadd.s32 s20, v1;
	[sflag:s16] =	ssyncset.done $0x0  }
0x25: {  	v5 =	vadd.s32 s20, v2;
	vm0 =	vgt.u32 v4, $0x7F;
	[sflag:s16] =	ssyncadd.s32 $0xFFFFE000  }
0x26: {  	s28 =	simm.s32 $0x8;
	v4 =	vsel vm0, v5, v4;
	_ =	swait.ge [sflag:s16], $0x2000  }
0x27: {  	v5 =	vadd.s32 s28, v1;
	v4 =	vadd.s32 v3, v4;
	[sflag:s16] =	ssyncset.done $0x0  }
0x28: {  	v6 =	vadd.s32 s28, v2;
	vm13 =	vgt.u32 v5, $0x7F;
	[sflag:s16] =	ssyncadd.s32 $0xFFFFE000  }
0x29: {  	s29 =	simm.s32 $0x9;
	v5 =	vsel vm13, v6, v5;
	_ =	swait.ge [sflag:s16], $0x2000  }
0x2a: {  	v6 =	vadd.s32 s29, v1;
	v5 =	vadd.s32 v3, v5;
	[sflag:s16] =	ssyncset.done $0x0  }
0x2b: {  	v7 =	vadd.s32 s29, v2;
	vm14 =	vgt.u32 v6, $0x7F;
	[sflag:s16] =	ssyncadd.s32 $0xFFFFE000  }
0x2c: {  	s30 =	simm.s32 $0xA;
	v6 =	vsel vm14, v7, v6;
	v7 =	vld.idx.msk [tilespmem:v4+s12+$0x0], $0xffff  }
0x2d: {  	v8 =	vadd.s32 s30, v1;
	v6 =	vadd.s32 v3, v6;
	v9 =	vld.idx.msk [tilespmem:v4+s14+$0x0], $0xffff  }
0x2e: {  	v10 =	vadd.s32 s30, v2;
	vm15 =	vgt.u32 v8, $0x7F;
	v4 =	vld.idx.msk [tilespmem:v4+s15+$0x0], $0xffff  }
0x2f: {  	s31 =	simm.s32 $0xB;
	v8 =	vsel vm15, v10, v8;
	v11 =	vld.idx.msk [tilespmem:v5+s12+$0x0], $0xffff  }
0x30: {  	v12 =	vadd.s32 s31, v1;
	v8 =	vadd.s32 v3, v8;
	v10 =	vld.idx.msk [tilespmem:v5+s14+$0x0], $0xffff  }
0x31: {  	v13 =	vadd.s32 s31, v2;
	vm4 =	vgt.u32 v12, $0x7F;
	v5 =	vld.idx.msk [tilespmem:v5+s15+$0x0], $0xffff  }
0x32: {  	s21 =	simm.s32 $0xC;
	v12 =	vsel vm4, v13, v12;
	v14 =	vld.idx.msk [tilespmem:v6+s12+$0x0], $0xffff  }
0x33: {  	v15 =	vadd.s32 s21, v1;
	v12 =	vadd.s32 v3, v12;
	v13 =	vld.idx.msk [tilespmem:v6+s14+$0x0], $0xffff  }
0x34: {  	v16 =	vadd.s32 s21, v2;
	vm5 =	vgt.u32 v15, $0x7F;
	v6 =	vld.idx.msk [tilespmem:v6+s15+$0x0], $0xffff  }
0x35: {  	s22 =	simm.s32 $0xD;
	v15 =	vsel vm5, v16, v15;
	v17 =	vld.idx.msk [tilespmem:v8+s12+$0x0], $0xffff  }
0x36: {  	v18 =	vadd.s32 s22, v1;
	v15 =	vadd.s32 v3, v15;
	v16 =	vld.idx.msk [tilespmem:v8+s14+$0x0], $0xffff  }
0x37: {  	v19 =	vadd.s32 s22, v2;
	vm6 =	vgt.u32 v18, $0x7F;
	v8 =	vld.idx.msk [tilespmem:v8+s15+$0x0], $0xffff  }
0x38: {  	s23 =	simm.s32 $0xE;
	v18 =	vsel vm6, v19, v18;
	v20 =	vld.idx.msk [tilespmem:v12+s12+$0x0], $0xffff  }
0x39: {  	v21 =	vadd.s32 s23, v1;
	v18 =	vadd.s32 v3, v18;
	v19 =	vld.idx.msk [tilespmem:v12+s14+$0x0], $0xffff  }
0x3a: {  	v22 =	vadd.s32 s23, v2;
	vm7 =	vgt.u32 v21, $0x7F;
	v12 =	vld.idx.msk [tilespmem:v12+s15+$0x0], $0xffff  }
0x3b: {  	s24 =	simm.s32 $0x0;
	v21 =	vsel vm7, v22, v21;
	v23 =	vld.idx.msk [tilespmem:v15+s12+$0x0], $0xffff  }
0x3c: {  	v22 =	vadd.s32 s24, v1;
	v21 =	vadd.s32 v3, v21;
	v24 =	vld.idx.msk [tilespmem:v15+s14+$0x0], $0xffff  }
0x3d: {  	v25 =	vadd.s32 s24, v2;
	vm8 =	vgt.u32 v22, $0x7F;
	v15 =	vld.idx.msk [tilespmem:v15+s15+$0x0], $0xffff  }
0x3e: {  	s25 =	simm.s32 $0x1;
	v22 =	vsel vm8, v25, v22;
	v58 =	vld.idx.msk [tilespmem:v18+s12+$0x0], $0xffff  }
0x3f: {  	v26 =	vadd.s32 s25, v1;
	v22 =	vadd.s32 v3, v22;
	v27 =	vld.idx.msk [tilespmem:v18+s14+$0x0], $0xffff  }
0x40: {  	v28 =	vadd.s32 s25, v2;
	vm9 =	vgt.u32 v26, $0x7F;
	v18 =	vld.idx.msk [tilespmem:v18+s15+$0x0], $0xffff  }
0x41: {  	s26 =	simm.s32 $0x2;
	v26 =	vsel vm9, v28, v26;
	v59 =	vld.idx.msk [tilespmem:v21+s12+$0x0], $0xffff  }
0x42: {  	v29 =	vadd.s32 s26, v1;
	v26 =	vadd.s32 v3, v26;
	v30 =	vld.idx.msk [tilespmem:v21+s14+$0x0], $0xffff  }
0x43: {  	v31 =	vadd.s32 s26, v2;
	vm10 =	vgt.u32 v29, $0x7F;
	v21 =	vld.idx.msk [tilespmem:v21+s15+$0x0], $0xffff  }
0x44: {  	v29 =	vsel vm10, v31, v29;
	s28 =	simm.s32 $0x3;
	v32 =	vld.idx.msk [tilespmem:v22+s12+$0x0], $0xffff  }
0x45: {  	v29 =	vadd.s32 v3, v29;
	v33 =	vadd.s32 s28, v1;
	v60 =	vld.idx.msk [tilespmem:v22+s14+$0x0], $0xffff  }
0x46: {  	v34 =	vadd.s32 s28, v2;
	vm11 =	vgt.u32 v33, $0x7F;
	v22 =	vld.idx.msk [tilespmem:v22+s15+$0x0], $0xffff  }
0x47: {  	s29 =	simm.s32 $0x4;
	v33 =	vsel vm11, v34, v33;
	v35 =	vld.idx.msk [tilespmem:v26+s12+$0x0], $0xffff  }
0x48: {  	v36 =	vadd.s32 s29, v1;
	v33 =	vadd.s32 v3, v33;
	v61 =	vld.idx.msk [tilespmem:v26+s14+$0x0], $0xffff  }
0x49: {  	s30 =	simm.s32 $0x5;
	v37 =	vadd.s32 s29, v2;
	vm12 =	vgt.u32 v36, $0x7F;
	v26 =	vld.idx.msk [tilespmem:v26+s15+$0x0], $0xffff  }
0x4a: {  	s21 =	simm.s32 $0x6;
	v62 =	vadd.s32 s30, v2;
	v36 =	vsel vm12, v37, v36;
	v38 =	vld.idx.msk [tilespmem:v29+s12+$0x0], $0xffff  }
0x4b: {  	s31 =	simm.s32 $0x7;
	v39 =	vadd.s32 s30, v1;
	v41 =	vadd.s32 s21, v2;
	v36 =	vadd.s32 v3, v36;
	v40 =	vld.idx.msk [tilespmem:v29+s14+$0x0], $0xffff  }
0x4c: {  	v42 =	vadd.s32 s21, v1;
	v43 =	vadd.s32 s31, v2;
	vm13 =	vgt.u32 v39, $0x7F;
	v29 =	vld.idx.msk [tilespmem:v29+s15+$0x0], $0xffff  }
0x4d: {  	v44 =	vadd.s32 s31, v1;
	v37 =	vsel vm13, v62, v39;
	v63 =	vld.idx.msk [tilespmem:v33+s12+$0x0], $0xffff;
	v9 =	vsub.f32 v7, v9  }
0x4e: {  	v37 =	vadd.s32 v3, v37;
	v45 =	vld.idx.msk [tilespmem:v33+s14+$0x0], $0xffff;
	v10 =	vsub.f32 v11, v10;
	v46 =	vsub.f32 v7, v4  }
0x4f: {  	vm14 =	vgt.u32 v42, $0x7F;
	v4 =	vsub.f32 v11, v5;
	v5 =	vld.idx.msk [tilespmem:v33+s15+$0x0], $0xffff;
	v7 =	vsub.f32 v14, v13  }
0x50: {  	v6 =	vsub.f32 v14, v6;
	v11 =	vld.idx.msk [tilespmem:v36+s12+$0x0], $0xffff;
	v13 =	vsel vm14, v41, v42;
	v14 =	vsub.f32 v17, v16  }
0x51: {  	v8 =	vsub.f32 v17, v8;
	v16 =	vld.idx.msk [tilespmem:v36+s14+$0x0], $0xffff;
	v17 =	vsub.f32 v20, v19;
	v13 =	vadd.s32 v3, v13  }
0x52: {  	vm15 =	vgt.u32 v44, $0x7F;
	v12 =	vsub.f32 v20, v12;
	v19 =	vld.idx.msk [tilespmem:v36+s15+$0x0], $0xffff;
	v20 =	vsub.f32 v23, v24  }
0x53: {  	v15 =	vsub.f32 v23, v15;
	v23 =	vld.idx.msk [tilespmem:v37+s12+$0x0], $0xffff;
	v42 =	vsel vm15, v43, v44;
	v27 =	vsub.f32 v58, v27  }
0x54: {  	v18 =	vsub.f32 v58, v18;
	v43 =	vld.idx.msk [tilespmem:v37+s14+$0x0], $0xffff;
	v30 =	vsub.f32 v59, v30;
	v24 =	vadd.s32 v3, v42  }
0x55: {  	v49 =	vimm.f32 $0.0e+00;
	v31 =	vsub.f32 v32, v60;
	v44 =	vld.idx.msk [tilespmem:v37+s15+$0x0], $0xffff;
	v21 =	vsub.f32 v59, v21  }
0x56: {  	v22 =	vsub.f32 v32, v22;
	v47 =	vsub.f32 v35, v61;
	v54 =	vmul.f32 v4, v4;
	v48 =	vld.idx.msk [tilespmem:v13+s12+$0x0], $0xffff  }
0x57: {  	v26 =	vsub.f32 v35, v26;
	v7 =	vmul.f32 v7, v7;
	v14 =	vmul.f32 v14, v14;
	v51 =	vld.idx.msk [tilespmem:v13+s14+$0x0], $0xffff  }
0x58: {  	v50 =	vsub.f32 v38, v40;
	v8 =	vmul.f32 v8, v8;
	v17 =	vmul.f32 v17, v17;
	v13 =	vld.idx.msk [tilespmem:v13+s15+$0x0], $0xffff  }
0x59: {  	v56 =	vmul.f32 v12, v12;
	v53 =	vsub.f32 v63, v5;
	v5 =	vmul.f32 v10, v10;
	v10 =	vld.idx.msk [tilespmem:v24+s12+$0x0], $0xffff  }
0x5a: {  	v29 =	vsub.f32 v38, v29;
	v20 =	vmul.f32 v20, v20;
	v26 =	vmul.f32 v26, v26;
	v4 =	vld.idx.msk [tilespmem:v24+s14+$0x0], $0xffff  }
0x5b: {  	v16 =	vsub.f32 v11, v16;
	v11 =	vsub.f32 v11, v19;
	v19 =	vmul.f32 v6, v6;
	v6 =	vld.idx.msk [tilespmem:v24+s15+$0x0], $0xffff  }
0x5c: {  	v52 =	vsub.f32 v63, v45;
	v15 =	vmul.f32 v15, v15;
	v27 =	vmul.f32 v27, v27  }
0x5d: {  	v12 =	vmul.f32 v31, v31;
	v29 =	vmul.f32 v29, v29;
	v26 =	vadd.f32 v26, v49  }
0x5e: {  	v59 =	vmul.f32 v52, v52;
	v55 =	vsub.f32 v23, v43;
	v23 =	vsub.f32 v23, v44  }
0x5f: {  	v32 =	vsub.f32 v48, v13;
	v13 =	vmul.f32 v22, v22;
	v22 =	vsub.f32 v10, v4  }
0x60: {  	v4 =	vmul.f32 v47, v47;
	v58 =	vsub.f32 v10, v6;
	v6 =	vadd.f32 v12, v49  }
0x61: {  	v57 =	vsub.f32 v48, v51;
	v12 =	vmul.f32 v50, v50;
	v10 =	vadd.f32 v13, v49  }
0x62: {  	v63 =	vmul.f32 v21, v21;
	v13 =	vadd.f32 v4, v49;
	v4 =	vadd.f32 v5, v6  }
0x63: {  	v12 =	vadd.f32 v12, v49;
	v62 =	vmul.f32 v58, v58;
	v5 =	vadd.f32 v54, v10  }
0x64: {  	v10 =	vmul.f32 v53, v53;
	v6 =	vadd.f32 v7, v13;
	v7 =	vadd.f32 v19, v26  }
0x65: {  	v16 =	vmul.f32 v16, v16;
	v13 =	vadd.f32 v29, v49;
	v19 =	vadd.f32 v59, v49  }
0x66: {  	v61 =	vmul.f32 v11, v11;
	v21 =	vadd.f32 v62, v49;
	v60 =	vadd.f32 v10, v49  }
0x67: {  	v24 =	vmul.f32 v55, v55;
	v10 =	vadd.f32 v14, v12;
	v11 =	vadd.f32 v8, v13  }
0x68: {  	v8 =	vmul.f32 v23, v23;
	v12 =	vadd.f32 v17, v19;
	v14 =	vadd.f32 v16, v49  }
0x69: {  	v18 =	vmul.f32 v18, v18;
	v16 =	vadd.f32 v61, v49;
	v17 =	vadd.f32 v24, v49  }
0x6a: {  	v19 =	vmul.f32 v57, v57;
	v13 =	vadd.f32 v56, v60;
	v8 =	vadd.f32 v8, v49  }
0x6b: {  	v23 =	vmul.f32 v32, v32;
	v14 =	vadd.f32 v20, v14;
	v15 =	vadd.f32 v15, v16  }
0x6c: {  	v22 =	vmul.f32 v22, v22;
	v16 =	vadd.f32 v27, v17;
	v17 =	vadd.f32 v18, v8  }
0x6d: {  	v30 =	vmul.f32 v30, v30;
	v18 =	vadd.f32 v19, v49;
	v19 =	vadd.f32 v23, v49  }
0x6e: {  	v20 =	vadd.f32 v22, v49;
	v22 =	vmul.f32 v46, v46;
	v8 =	vld [tilespmem:$0x0];
	v23 =	vmul.f32 v9, v9  }
0x6f: {  	s20 =	simm.s32 $0x0;
	s21 =	simm.s32 $0x1F;
	v9 =	vld [tilespmem:$0x40];
	v18 =	vadd.f32 v30, v18;
	v19 =	vadd.f32 v63, v19  }
.LBB2_2:
0x70: {  	v24 =	vadd.s32 s21, v1;
	v20 =	vadd.f32 v23, v20;
	v21 =	vadd.f32 v22, v21  }
0x71: {  	v22 =	vadd.s32 s21, v2;
	vm0 =	vgt.u32 v24, $0x7F  }
0x72: {  	s22 =	sadd.s32 $0xFFFFFFF9, s21;
	v22 =	vsel vm0, v22, v24  }
0x73: {  	v23 =	vadd.s32 s22, v1;
	v24 =	vadd.s32 v3, v22  }
0x74: {  	vm0 =	vgt.u32 v23, $0x7F;
	v22 =	vadd.s32 s22, v2  }
0x75: {  	s22 =	sadd.s32 $0xFFFFFFFA, s21;
	v22 =	vsel vm0, v22, v23  }
0x76: {  	v26 =	vadd.s32 v3, v22;
	v22 =	vadd.s32 s22, v1  }
0x77: {  	v23 =	vadd.s32 s22, v2;
	vm0 =	vgt.u32 v22, $0x7F  }
0x78: {  	s22 =	sadd.s32 $0xFFFFFFFB, s21;
	v23 =	vsel vm0, v23, v22;
	v22 =	vld.idx.msk [tilespmem:v24+s12+$0x0], $0xffff  }
0x79: {  	v27 =	vadd.s32 s22, v1;
	v28 =	vadd.s32 v3, v23;
	v25 =	vld.idx.msk [tilespmem:v24+s14+$0x0], $0xffff  }
0x7a: {  	v29 =	vadd.s32 s22, v2;
	vm0 =	vgt.u32 v27, $0x7F;
	v24 =	vld.idx.msk [tilespmem:v24+s15+$0x0], $0xffff  }
0x7b: {  	s22 =	sadd.s32 $0xFFFFFFFC, s21;
	v27 =	vsel vm0, v29, v27;
	v23 =	vld.idx.msk [tilespmem:v26+s12+$0x0], $0xffff  }
0x7c: {  	v31 =	vadd.s32 s22, v1;
	v30 =	vadd.s32 v3, v27;
	v29 =	vld.idx.msk [tilespmem:v26+s14+$0x0], $0xffff  }
0x7d: {  	v32 =	vadd.s32 s22, v2;
	vm0 =	vgt.u32 v31, $0x7F;
	v27 =	vld.idx.msk [tilespmem:v26+s15+$0x0], $0xffff  }
0x7e: {  	s22 =	sadd.s32 $0xFFFFFFFD, s21;
	v31 =	vsel vm0, v32, v31;
	v26 =	vld.idx.msk [tilespmem:v28+s12+$0x0], $0xffff  }
0x7f: {  	v33 =	vadd.s32 s22, v1;
	v31 =	vadd.s32 v3, v31;
	v32 =	vld.idx.msk [tilespmem:v28+s14+$0x0], $0xffff  }
0x80: {  	v34 =	vadd.s32 s22, v2;
	vm0 =	vgt.u32 v33, $0x7F;
	v28 =	vld.idx.msk [tilespmem:v28+s15+$0x0], $0xffff  }
0x81: {  	s22 =	sadd.s32 $0xFFFFFFFE, s21;
	v33 =	vsel vm0, v34, v33;
	v35 =	vld.idx.msk [tilespmem:v30+s12+$0x0], $0xffff  }
0x82: {  	v36 =	vadd.s32 s22, v1;
	v33 =	vadd.s32 v3, v33;
	v34 =	vld.idx.msk [tilespmem:v30+s14+$0x0], $0xffff  }
0x83: {  	v37 =	vadd.s32 s22, v2;
	vm0 =	vgt.u32 v36, $0x7F;
	v30 =	vld.idx.msk [tilespmem:v30+s15+$0x0], $0xffff  }
0x84: {  	s22 =	sadd.s32 $0xFFFFFFFF, s21;
	v36 =	vsel vm0, v37, v36;
	v38 =	vld.idx.msk [tilespmem:v31+s12+$0x0], $0xffff  }
0x85: {  	v39 =	vadd.s32 s22, v1;
	v36 =	vadd.s32 v3, v36;
	v37 =	vld.idx.msk [tilespmem:v31+s14+$0x0], $0xffff  }
0x86: {  	v40 =	vadd.s32 s22, v2;
	vm0 =	vgt.u32 v39, $0x7F;
	v31 =	vld.idx.msk [tilespmem:v31+s15+$0x0], $0xffff  }
0x87: {  	s22 =	sadd.s32 $0xFFFFFFF1, s21;
	v39 =	vsel vm0, v40, v39;
	v41 =	vld.idx.msk [tilespmem:v33+s12+$0x0], $0xffff  }
0x88: {  	v40 =	vadd.s32 s22, v1;
	v39 =	vadd.s32 v3, v39;
	v42 =	vld.idx.msk [tilespmem:v33+s14+$0x0], $0xffff  }
0x89: {  	v43 =	vadd.s32 s22, v2;
	vm0 =	vgt.u32 v40, $0x7F;
	v33 =	vld.idx.msk [tilespmem:v33+s15+$0x0], $0xffff  }
0x8a: {  	s22 =	sadd.s32 $0xFFFFFFF2, s21;
	v40 =	vsel vm0, v43, v40;
	v43 =	vld.idx.msk [tilespmem:v36+s12+$0x0], $0xffff  }
0x8b: {  	v44 =	vadd.s32 s22, v1;
	v40 =	vadd.s32 v3, v40;
	v45 =	vld.idx.msk [tilespmem:v36+s14+$0x0], $0xffff  }
0x8c: {  	v46 =	vadd.s32 s22, v2;
	vm0 =	vgt.u32 v44, $0x7F;
	v36 =	vld.idx.msk [tilespmem:v36+s15+$0x0], $0xffff  }
0x8d: {  	s22 =	sadd.s32 $0xFFFFFFF3, s21;
	v44 =	vsel vm0, v46, v44;
	v46 =	vld.idx.msk [tilespmem:v39+s12+$0x0], $0xffff  }
0x8e: {  	v47 =	vadd.s32 s22, v1;
	v44 =	vadd.s32 v3, v44;
	v48 =	vld.idx.msk [tilespmem:v39+s14+$0x0], $0xffff  }
0x8f: {  	v49 =	vadd.s32 s22, v2;
	vm0 =	vgt.u32 v47, $0x7F;
	v39 =	vld.idx.msk [tilespmem:v39+s15+$0x0], $0xffff  }
0x90: {  	s22 =	sadd.s32 $0xFFFFFFF4, s21;
	v47 =	vsel vm0, v49, v47;
	v50 =	vld.idx.msk [tilespmem:v40+s12+$0x0], $0xffff  }
0x91: {  	v51 =	vadd.s32 s22, v1;
	v47 =	vadd.s32 v3, v47;
	v49 =	vld.idx.msk [tilespmem:v40+s14+$0x0], $0xffff  }
0x92: {  	v52 =	vadd.s32 s22, v2;
	vm0 =	vgt.u32 v51, $0x7F;
	v40 =	vld.idx.msk [tilespmem:v40+s15+$0x0], $0xffff  }
0x93: {  	s22 =	sadd.s32 $0xFFFFFFF5, s21;
	v51 =	vsel vm0, v52, v51;
	v53 =	vld.idx.msk [tilespmem:v44+s12+$0x0], $0xffff  }
0x94: {  	v54 =	vadd.s32 s22, v1;
	v51 =	vadd.s32 v3, v51;
	v52 =	vld.idx.msk [tilespmem:v44+s14+$0x0], $0xffff  }
0x95: {  	v55 =	vadd.s32 s22, v2;
	s22 =	sadd.s32 $0xFFFFFFF6, s21;
	vm0 =	vgt.u32 v54, $0x7F;
	v44 =	vld.idx.msk [tilespmem:v44+s15+$0x0], $0xffff  }
0x96: {  	s23 =	sadd.s32 $0xFFFFFFF7, s21;
	v54 =	vsel vm0, v55, v54;
	v55 =	vadd.s32 s22, v2;
	v56 =	vld.idx.msk [tilespmem:v47+s12+$0x0], $0xffff  }
0x97: {  	v59 =	vadd.s32 s23, v2;
	v58 =	vadd.s32 s22, v1;
	s22 =	sadd.s32 $0xFFFFFFF8, s21;
	v54 =	vadd.s32 v3, v54;
	v57 =	vld.idx.msk [tilespmem:v47+s14+$0x0], $0xffff  }
0x98: {  	v60 =	vadd.s32 s23, v1;
	vm0 =	vgt.u32 v58, $0x7F;
	v61 =	vadd.s32 s22, v2;
	v47 =	vld.idx.msk [tilespmem:v47+s15+$0x0], $0xffff  }
0x99: {  	v25 =	vsub.f32 v22, v25;
	v55 =	vsel vm0, v55, v58;
	v58 =	vadd.s32 s22, v1;
	v62 =	vld.idx.msk [tilespmem:v51+s12+$0x0], $0xffff  }
0x9a: {  	v22 =	vsub.f32 v22, v24;
	v29 =	vsub.f32 v23, v29;
	v55 =	vadd.s32 v3, v55;
	v63 =	vld.idx.msk [tilespmem:v51+s14+$0x0], $0xffff  }
0x9b: {  	v27 =	vsub.f32 v23, v27;
	vm0 =	vgt.u32 v60, $0x7F;
	v32 =	vsub.f32 v26, v32;
	v24 =	vld.idx.msk [tilespmem:v51+s15+$0x0], $0xffff  }
0x9c: {  	v23 =	vsel vm0, v59, v60;
	v26 =	vsub.f32 v26, v28;
	v28 =	vsub.f32 v35, v34;
	v51 =	vld.idx.msk [tilespmem:v54+s12+$0x0], $0xffff  }
0x9d: {  	v23 =	vadd.s32 v3, v23;
	v30 =	vsub.f32 v35, v30;
	v35 =	vsub.f32 v38, v37;
	v34 =	vld.idx.msk [tilespmem:v54+s14+$0x0], $0xffff  }
0x9e: {  	vm0 =	vgt.u32 v58, $0x7F;
	v31 =	vsub.f32 v38, v31;
	v38 =	vsub.f32 v41, v42;
	v37 =	vld.idx.msk [tilespmem:v54+s15+$0x0], $0xffff  }
0x9f: {  	v33 =	vsub.f32 v41, v33;
	v41 =	vsub.f32 v43, v45;
	v54 =	vsel vm0, v61, v58;
	v42 =	vld.idx.msk [tilespmem:v55+s12+$0x0], $0xffff  }
0xa0: {  	v36 =	vsub.f32 v43, v36;
	v43 =	vsub.f32 v46, v48;
	v54 =	vadd.s32 v3, v54;
	v45 =	vld.idx.msk [tilespmem:v55+s14+$0x0], $0xffff  }
0xa1: {  	v39 =	vsub.f32 v46, v39;
	v48 =	vsub.f32 v50, v49;
	v49 =	vld.idx.msk [tilespmem:v55+s15+$0x0], $0xffff  }
0xa2: {  	v40 =	vsub.f32 v50, v40;
	v46 =	vsub.f32 v53, v52;
	v50 =	vld.idx.msk [tilespmem:v23+s12+$0x0], $0xffff  }
0xa3: {  	v44 =	vsub.f32 v53, v44;
	v52 =	vsub.f32 v56, v57;
	v53 =	vld.idx.msk [tilespmem:v23+s14+$0x0], $0xffff  }
0xa4: {  	v47 =	vsub.f32 v56, v47;
	v55 =	vsub.f32 v62, v63;
	v56 =	vld.idx.msk [tilespmem:v23+s15+$0x0], $0xffff  }
0xa5: {  	v29 =	vmul.f32 v29, v29;
	v24 =	vsub.f32 v62, v24;
	v23 =	vmul.f32 v25, v25;
	v57 =	vld.idx.msk [tilespmem:v54+s12+$0x0], $0xffff  }
0xa6: {  	v27 =	vmul.f32 v27, v27;
	v32 =	vmul.f32 v32, v32;
	v25 =	vsub.f32 v51, v34;
	v34 =	vld.idx.msk [tilespmem:v54+s14+$0x0], $0xffff  }
0xa7: {  	v26 =	vmul.f32 v26, v26;
	v28 =	vmul.f32 v28, v28;
	v37 =	vsub.f32 v51, v37;
	v51 =	vld.idx.msk [tilespmem:v54+s15+$0x0], $0xffff  }
0xa8: {  	s20 =	sadd.s32 $0x2, s20;
	v30 =	vmul.f32 v30, v30;
	v35 =	vmul.f32 v35, v35;
	v45 =	vsub.f32 v42, v45  }
0xa9: {  	p0 =	slt.u32 s20, $0xE;
	v31 =	vmul.f32 v31, v31;
	v38 =	vmul.f32 v38, v38;
	v42 =	vsub.f32 v42, v49  }
0xaa: {  	v33 =	vmul.f32 v33, v33;
	v41 =	vmul.f32 v41, v41;
	v49 =	vsub.f32 v50, v53  }
0xab: {  	v36 =	vmul.f32 v36, v36;
	v43 =	vmul.f32 v43, v43;
	v50 =	vsub.f32 v50, v56  }
0xac: {  	v48 =	vmul.f32 v48, v48;
	v40 =	vmul.f32 v40, v40;
	v34 =	vsub.f32 v57, v34  }
0xad: {  	v46 =	vmul.f32 v46, v46;
	v44 =	vmul.f32 v44, v44;
	v51 =	vsub.f32 v57, v51  }
0xae: {  	v4 =	vadd.f32 v48, v4;
	v5 =	vadd.f32 v40, v5;
	v40 =	vmul.f32 v52, v52  }
0xaf: {  	v6 =	vadd.f32 v46, v6;
	v7 =	vadd.f32 v44, v7;
	v44 =	vmul.f32 v47, v47  }
0xb0: {  	v4 =	vadd.f32 v29, v4;
	v5 =	vadd.f32 v27, v5;
	v46 =	vmul.f32 v55, v55  }
0xb1: {  	v6 =	vadd.f32 v32, v6;
	v7 =	vadd.f32 v26, v7;
	v24 =	vmul.f32 v24, v24  }
0xb2: {  	v10 =	vadd.f32 v40, v10;
	v11 =	vadd.f32 v44, v11;
	v25 =	vmul.f32 v25, v25  }
0xb3: {  	v13 =	vadd.f32 v24, v13;
	v12 =	vadd.f32 v46, v12;
	v24 =	vmul.f32 v37, v37  }
0xb4: {  	v10 =	vadd.f32 v28, v10;
	v11 =	vadd.f32 v30, v11;
	v26 =	vmul.f32 v45, v45  }
0xb5: {  	v13 =	vadd.f32 v31, v13;
	v12 =	vadd.f32 v35, v12;
	v27 =	vmul.f32 v42, v42  }
0xb6: {  	v15 =	vadd.f32 v24, v15;
	v14 =	vadd.f32 v25, v14;
	v24 =	vmul.f32 v49, v49  }
0xb7: {  	v16 =	vadd.f32 v26, v16;
	v17 =	vadd.f32 v27, v17;
	v25 =	vmul.f32 v50, v50  }
.Ltmp0:
0xb8: {  	v15 =	vadd.f32 v33, v15;
	v14 =	vadd.f32 v38, v14;
	v26 =	vmul.f32 v34, v34;
	(pc) =	sbr.rel @p0 .LBB2_2-.Ltmp0, $4  }
0xb9: {  	v16 =	vadd.f32 v41, v16;
	v17 =	vadd.f32 v36, v17;
	v27 =	vmul.f32 v51, v51  }
0xba: {  	v18 =	vadd.f32 v24, v18;
	v24 =	vmul.f32 v39, v39;
	v19 =	vadd.f32 v25, v19  }
0xbb: {  	v22 =	vmul.f32 v22, v22;
	v20 =	vadd.f32 v26, v20;
	v21 =	vadd.f32 v27, v21  }
0xbc: {  	s21 =	sadd.s32 $0x10, s21;
	v18 =	vadd.f32 v43, v18;
	v19 =	vadd.f32 v24, v19  }
0xbd: {  	v20 =	vadd.f32 v23, v20;
	v21 =	vadd.f32 v22, v21  }
0xbe: {  	v4 =	vadd.f32 v14, v4;
	v5 =	vadd.f32 v15, v5  }
0xbf: {  	v6 =	vadd.f32 v16, v6;
	v7 =	vadd.f32 v17, v7  }
0xc0: {  	v10 =	vadd.f32 v18, v10;
	v11 =	vadd.f32 v19, v11  }
0xc1: {  	v12 =	vadd.f32 v20, v12;
	v13 =	vadd.f32 v21, v13  }
0xc2: {  	v4 =	vadd.f32 v10, v4;
	v5 =	vadd.f32 v11, v5  }
0xc3: {  	v6 =	vadd.f32 v12, v6;
	v7 =	vadd.f32 v13, v7;
	_ =	sdelay $0x1  }
0xc4: {  	v4 =	vadd.f32 v6, v4;
	v5 =	vadd.f32 v7, v5;
	_ =	sdelay $0x1  }
0xc5: {  	vm1 =	vlt.s32 v9, v8;
	vm0 =	veq.f32 v5, v4  }
0xc6: {  	vm2 =	vlt.f32 v5, v4;
	vm0 =	vmand vm1, vm0  }
0xc7: {  	vm0 =	vmor vm2, vm0  }
0xc8: {  	v4 =	vsel vm0, v9, v8  }
0xc9: {  	v5 =	vshll.u32 v4, $0x3  }
0xca: {  	v6 =	vor.u32 $0x1, v5;
	_ =	sdelay $0x1  }
0xcb: {  	s20 =	simm.s32 $0xF;
	v0 =	vlaneseq.u32;
	s31 =	simm.s32 $0xB  }
0xcc: {  	v0 =	vmul.u32 $0x8, v0;
	v14 =	vadd.s32 s31, v1;
	v7 =	vadd.s32 s20, v1  }
0xcd: {  	v15 =	vadd.s32 s31, v2;
	vm12 =	vgt.u32 v7, $0x7F;
	v9 =	vadd.s32 s20, v2;
	v8 =	vld.idx.msk [tilespmem:v5+s11+$0x0], $0xffff  }
0xce: {  	s28 =	simm.s32 $0x8;
	s21 =	simm.s32 $0xC;
	v10 =	vor.u32 $0x1, v0;
	v7 =	vsel vm12, v9, v7;
	v5 =	vor.u32 $0x800, v3;
	v6 =	vld.idx.msk [tilespmem:v6+s11+$0x0], $0xffff  }
0xcf: {  	v17 =	vadd.s32 s21, v1;
	v9 =	vadd.s32 s28, v1;
	v7 =	vadd.s32 v5, v7  }
0xd0: {  	vm4 =	vgt.u32 v14, $0x7F;
	v11 =	vadd.s32 s28, v2;
	vm13 =	vgt.u32 v9, $0x7F  }
0xd1: {  	s29 =	simm.s32 $0x9;
	v18 =	vadd.s32 s21, v2;
	v14 =	vsel vm4, v15, v14;
	v9 =	vsel vm13, v11, v9  }
0xd2: {  	v14 =	vadd.s32 v5, v14;
	[tilespmem:v0+s17+$0x0] =	vst.idx.msk $0xffff, v8;
	v8 =	vadd.s32 v5, v9;
	v9 =	vadd.s32 s29, v1  }
0xd3: {  	vm5 =	vgt.u32 v17, $0x7F;
	[tilespmem:v10+s17+$0x0] =	vst.idx.msk $0xffff, v6;
	vm14 =	vgt.u32 v9, $0x7F;
	v6 =	vadd.s32 s29, v2  }
0xd4: {  	s22 =	simm.s32 $0xD;
	v17 =	vsel vm5, v18, v17;
	v6 =	vsel vm14, v6, v9;
	v9 =	vld.idx.msk [tilespmem:v7+s12+$0x0], $0xffff  }
0xd5: {  	v20 =	vadd.s32 s22, v1;
	v17 =	vadd.s32 v5, v17;
	v11 =	vld.idx.msk [tilespmem:v7+s14+$0x0], $0xffff  }
0xd6: {  	v21 =	vadd.s32 s22, v2;
	vm6 =	vgt.u32 v20, $0x7F;
	v7 =	vld.idx.msk [tilespmem:v7+s15+$0x0], $0xffff  }
0xd7: {  	s23 =	simm.s32 $0xE;
	v20 =	vsel vm6, v21, v20;
	v22 =	vld.idx.msk [tilespmem:v14+s12+$0x0], $0xffff  }
0xd8: {  	v23 =	vadd.s32 s23, v1;
	v20 =	vadd.s32 v5, v20;
	v21 =	vld.idx.msk [tilespmem:v14+s14+$0x0], $0xffff  }
0xd9: {  	v24 =	vadd.s32 s23, v2;
	vm7 =	vgt.u32 v23, $0x7F;
	v14 =	vld.idx.msk [tilespmem:v14+s15+$0x0], $0xffff  }
0xda: {  	s24 =	simm.s32 $0x0;
	v23 =	vsel vm7, v24, v23;
	v25 =	vld.idx.msk [tilespmem:v17+s12+$0x0], $0xffff  }
0xdb: {  	v24 =	vadd.s32 s24, v1;
	v23 =	vadd.s32 v5, v23;
	v26 =	vld.idx.msk [tilespmem:v17+s14+$0x0], $0xffff  }
0xdc: {  	v27 =	vadd.s32 s24, v2;
	vm8 =	vgt.u32 v24, $0x7F;
	v17 =	vld.idx.msk [tilespmem:v17+s15+$0x0], $0xffff  }
0xdd: {  	s25 =	simm.s32 $0x1;
	v24 =	vsel vm8, v27, v24;
	v27 =	vld.idx.msk [tilespmem:v20+s12+$0x0], $0xffff  }
0xde: {  	v28 =	vadd.s32 s25, v1;
	v24 =	vadd.s32 v5, v24;
	v29 =	vld.idx.msk [tilespmem:v20+s14+$0x0], $0xffff  }
0xdf: {  	v30 =	vadd.s32 s25, v2;
	vm9 =	vgt.u32 v28, $0x7F;
	v20 =	vld.idx.msk [tilespmem:v20+s15+$0x0], $0xffff  }
0xe0: {  	s26 =	simm.s32 $0x2;
	v28 =	vsel vm9, v30, v28;
	v59 =	vld.idx.msk [tilespmem:v23+s12+$0x0], $0xffff  }
0xe1: {  	v31 =	vadd.s32 s26, v1;
	v28 =	vadd.s32 v5, v28;
	v32 =	vld.idx.msk [tilespmem:v23+s14+$0x0], $0xffff  }
0xe2: {  	v33 =	vadd.s32 s26, v2;
	vm10 =	vgt.u32 v31, $0x7F;
	v23 =	vld.idx.msk [tilespmem:v23+s15+$0x0], $0xffff  }
0xe3: {  	v31 =	vsel vm10, v33, v31;
	s28 =	simm.s32 $0x3;
	v34 =	vld.idx.msk [tilespmem:v24+s12+$0x0], $0xffff  }
0xe4: {  	v35 =	vadd.s32 s28, v1;
	v31 =	vadd.s32 v5, v31;
	v60 =	vld.idx.msk [tilespmem:v24+s14+$0x0], $0xffff  }
0xe5: {  	v36 =	vadd.s32 s28, v2;
	vm11 =	vgt.u32 v35, $0x7F;
	v24 =	vld.idx.msk [tilespmem:v24+s15+$0x0], $0xffff  }
0xe6: {  	v35 =	vsel vm11, v36, v35;
	v37 =	vld.idx.msk [tilespmem:v28+s12+$0x0], $0xffff  }
0xe7: {  	v35 =	vadd.s32 v5, v35;
	v61 =	vld.idx.msk [tilespmem:v28+s14+$0x0], $0xffff  }
0xe8: {  	v28 =	vld.idx.msk [tilespmem:v28+s15+$0x0], $0xffff  }
0xe9: {  	v40 =	vld.idx.msk [tilespmem:v31+s12+$0x0], $0xffff  }
0xea: {  	s30 =	simm.s32 $0xA;
	v42 =	vld.idx.msk [tilespmem:v31+s14+$0x0], $0xffff  }
0xeb: {  	v10 =	vadd.s32 s30, v1;
	v31 =	vld.idx.msk [tilespmem:v31+s15+$0x0], $0xffff;
	v6 =	vadd.s32 v5, v6  }
0xec: {  	v12 =	vadd.s32 s30, v2;
	vm15 =	vgt.u32 v10, $0x7F;
	v63 =	vld.idx.msk [tilespmem:v35+s12+$0x0], $0xffff  }
0xed: {  	v10 =	vsel vm15, v12, v10;
	v13 =	vld.idx.msk [tilespmem:v8+s12+$0x0], $0xffff  }
0xee: {  	v10 =	vadd.s32 v5, v10;
	v12 =	vld.idx.msk [tilespmem:v8+s14+$0x0], $0xffff  }
0xef: {  	s21 =	simm.s32 $0x6;
	s29 =	simm.s32 $0x4;
	v8 =	vld.idx.msk [tilespmem:v8+s15+$0x0], $0xffff  }
0xf0: {  	v43 =	vadd.s32 s21, v2;
	s30 =	simm.s32 $0x5;
	v38 =	vadd.s32 s29, v1;
	v16 =	vld.idx.msk [tilespmem:v6+s12+$0x0], $0xffff  }
0xf1: {  	v39 =	vadd.s32 s29, v2;
	v41 =	vadd.s32 s30, v1;
	vm12 =	vgt.u32 v38, $0x7F;
	v15 =	vld.idx.msk [tilespmem:v6+s14+$0x0], $0xffff  }
0xf2: {  	v62 =	vadd.s32 s30, v2;
	vm13 =	vgt.u32 v41, $0x7F;
	v38 =	vsel vm12, v39, v38;
	v6 =	vld.idx.msk [tilespmem:v6+s15+$0x0], $0xffff  }
0xf3: {  	v44 =	vadd.s32 s21, v1;
	v39 =	vsel vm13, v62, v41;
	v38 =	vadd.s32 v5, v38;
	v19 =	vld.idx.msk [tilespmem:v10+s12+$0x0], $0xffff  }
0xf4: {  	s31 =	simm.s32 $0x7;
	v39 =	vadd.s32 v5, v39;
	v11 =	vsub.f32 v9, v11;
	v48 =	vsub.f32 v9, v7;
	v18 =	vld.idx.msk [tilespmem:v10+s14+$0x0], $0xffff  }
0xf5: {  	v45 =	vadd.s32 s31, v2;
	v14 =	vsub.f32 v22, v14;
	v17 =	vsub.f32 v25, v17;
	v10 =	vld.idx.msk [tilespmem:v10+s15+$0x0], $0xffff  }
0xf6: {  	v46 =	vadd.s32 s31, v1;
	v47 =	vld.idx.msk [tilespmem:v35+s14+$0x0], $0xffff;
	v29 =	vsub.f32 v27, v29;
	v20 =	vsub.f32 v27, v20  }
0xf7: {  	vm14 =	vgt.u32 v44, $0x7F;
	v32 =	vsub.f32 v59, v32;
	v7 =	vsub.f32 v13, v8;
	v8 =	vld.idx.msk [tilespmem:v35+s15+$0x0], $0xffff  }
0xf8: {  	v12 =	vsub.f32 v13, v12;
	v13 =	vld.idx.msk [tilespmem:v38+s12+$0x0], $0xffff;
	v9 =	vsub.f32 v16, v15;
	v15 =	vsel vm14, v43, v44  }
0xf9: {  	v33 =	vsub.f32 v34, v60;
	v27 =	vld.idx.msk [tilespmem:v39+s14+$0x0], $0xffff;
	v6 =	vsub.f32 v16, v6;
	v15 =	vadd.s32 v5, v15  }
0xfa: {  	vm15 =	vgt.u32 v46, $0x7F;
	v50 =	vld.idx.msk [tilespmem:v39+s15+$0x0], $0xffff;
	v16 =	vsub.f32 v19, v18;
	v10 =	vsub.f32 v19, v10  }
0xfb: {  	v18 =	vld.idx.msk [tilespmem:v38+s14+$0x0], $0xffff;
	v19 =	vsub.f32 v22, v21;
	v22 =	vsub.f32 v25, v26;
	v26 =	vsel vm15, v45, v46  }
0xfc: {  	v23 =	vsub.f32 v59, v23;
	v24 =	vsub.f32 v34, v24;
	v21 =	vld.idx.msk [tilespmem:v38+s15+$0x0], $0xffff;
	v26 =	vadd.s32 v5, v26  }
0xfd: {  	v53 =	vimm.f32 $0.0e+00;
	v51 =	vsub.f32 v37, v61;
	v28 =	vsub.f32 v37, v28;
	v25 =	vld.idx.msk [tilespmem:v39+s12+$0x0], $0xffff  }
0xfe: {  	v31 =	vsub.f32 v40, v31;
	v17 =	vmul.f32 v17, v17;
	v29 =	vmul.f32 v29, v29;
	v52 =	vld.idx.msk [tilespmem:v15+s12+$0x0], $0xffff  }
0xff: {  	v56 =	vsub.f32 v63, v47;
	v20 =	vmul.f32 v20, v20;
	v30 =	vmul.f32 v51, v51;
	v55 =	vld.idx.msk [tilespmem:v15+s14+$0x0], $0xffff  }
0x100: {  	v54 =	vsub.f32 v40, v42;
	v32 =	vmul.f32 v32, v32;
	v28 =	vmul.f32 v28, v28;
	v15 =	vld.idx.msk [tilespmem:v15+s15+$0x0], $0xffff  }
0x101: {  	v31 =	vmul.f32 v31, v31;
	v61 =	vmul.f32 v56, v56;
	v30 =	vadd.f32 v30, v53;
	v57 =	vld.idx.msk [tilespmem:v26+s12+$0x0], $0xffff  }
0x102: {  	v18 =	vsub.f32 v13, v18;
	v13 =	vsub.f32 v13, v21;
	v21 =	vmul.f32 v6, v6;
	v6 =	vld.idx.msk [tilespmem:v26+s15+$0x0], $0xffff  }
0x103: {  	v28 =	vadd.f32 v28, v53;
	v12 =	vmul.f32 v12, v12;
	v7 =	vmul.f32 v7, v7;
	v58 =	vld.idx.msk [tilespmem:v26+s14+$0x0], $0xffff  }
0x104: {  	v8 =	vsub.f32 v63, v8;
	v9 =	vmul.f32 v9, v9;
	v16 =	vmul.f32 v16, v16  }
0x105: {  	v26 =	vsub.f32 v25, v27;
	v27 =	vmul.f32 v14, v14;
	v14 =	vmul.f32 v33, v33  }
0x106: {  	v10 =	vmul.f32 v10, v10;
	v25 =	vsub.f32 v25, v50;
	v34 =	vsub.f32 v52, v15  }
0x107: {  	v15 =	vmul.f32 v24, v24;
	v60 =	vsub.f32 v57, v6;
	v6 =	vadd.f32 v14, v53  }
0x108: {  	v19 =	vmul.f32 v19, v19;
	v59 =	vsub.f32 v52, v55;
	v24 =	vsub.f32 v57, v58  }
0x109: {  	v14 =	vadd.f32 v15, v53;
	v15 =	vmul.f32 v54, v54;
	v6 =	vadd.f32 v12, v6  }
0x10a: {  	v12 =	vmul.f32 v8, v8;
	v8 =	vadd.f32 v9, v30;
	v9 =	vadd.f32 v21, v28  }
0x10b: {  	v22 =	vmul.f32 v22, v22;
	v7 =	vadd.f32 v7, v14;
	v14 =	vadd.f32 v15, v53  }
0x10c: {  	v18 =	vmul.f32 v18, v18;
	v21 =	vadd.f32 v61, v53;
	v15 =	vadd.f32 v31, v53  }
0x10d: {  	v63 =	vmul.f32 v13, v13;
	v62 =	vadd.f32 v12, v53;
	v12 =	vadd.f32 v16, v14  }
0x10e: {  	v26 =	vmul.f32 v26, v26;
	v13 =	vadd.f32 v10, v15;
	v14 =	vadd.f32 v19, v21  }
0x10f: {  	v10 =	vmul.f32 v25, v25;
	v16 =	vadd.f32 v18, v53;
	v18 =	vadd.f32 v63, v53  }
0x110: {  	v24 =	vmul.f32 v24, v24;
	v19 =	vadd.f32 v26, v53;
	v15 =	vadd.f32 v27, v62  }
0x111: {  	v21 =	vmul.f32 v59, v59;
	v10 =	vadd.f32 v10, v53;
	v16 =	vadd.f32 v22, v16  }
0x112: {  	v25 =	vmul.f32 v34, v34;
	v17 =	vadd.f32 v17, v18;
	v18 =	vadd.f32 v29, v19  }
0x113: {  	v26 =	vmul.f32 v60, v60;
	v22 =	vadd.f32 v24, v53;
	v19 =	vadd.f32 v20, v10  }
0x114: {  	v27 =	vmul.f32 v23, v23;
	v20 =	vadd.f32 v21, v53;
	v21 =	vadd.f32 v25, v53  }
0x115: {  	v23 =	vadd.f32 v26, v53;
	v24 =	vmul.f32 v48, v48;
	v10 =	vld [tilespmem:$0x10];
	v25 =	vmul.f32 v11, v11  }
0x116: {  	s21 =	simm.s32 $0x1F;
	[tilespmem:$0x1FFF0] =	vst v0;
	s20 =	simm.s32 $0x0;
	v11 =	vld [tilespmem:$0x50];
	v20 =	vadd.f32 v32, v20;
	v21 =	vadd.f32 v27, v21  }
.LBB2_4:
0x117: {  	v26 =	vadd.s32 s21, v1;
	v22 =	vadd.f32 v25, v22;
	v23 =	vadd.f32 v24, v23  }
0x118: {  	v24 =	vadd.s32 s21, v2;
	vm0 =	vgt.u32 v26, $0x7F  }
0x119: {  	s22 =	sadd.s32 $0xFFFFFFF9, s21;
	v24 =	vsel vm0, v24, v26  }
0x11a: {  	v25 =	vadd.s32 s22, v1;
	v26 =	vadd.s32 v5, v24  }
0x11b: {  	vm0 =	vgt.u32 v25, $0x7F;
	v24 =	vadd.s32 s22, v2  }
0x11c: {  	s22 =	sadd.s32 $0xFFFFFFFA, s21;
	v24 =	vsel vm0, v24, v25  }
0x11d: {  	v28 =	vadd.s32 v5, v24;
	v24 =	vadd.s32 s22, v1  }
0x11e: {  	v25 =	vadd.s32 s22, v2;
	vm0 =	vgt.u32 v24, $0x7F  }
0x11f: {  	s22 =	sadd.s32 $0xFFFFFFFB, s21;
	v25 =	vsel vm0, v25, v24;
	v24 =	vld.idx.msk [tilespmem:v26+s12+$0x0], $0xffff  }
0x120: {  	v29 =	vadd.s32 s22, v1;
	v30 =	vadd.s32 v5, v25;
	v27 =	vld.idx.msk [tilespmem:v26+s14+$0x0], $0xffff  }
0x121: {  	v31 =	vadd.s32 s22, v2;
	vm0 =	vgt.u32 v29, $0x7F;
	v26 =	vld.idx.msk [tilespmem:v26+s15+$0x0], $0xffff  }
0x122: {  	s22 =	sadd.s32 $0xFFFFFFFC, s21;
	v29 =	vsel vm0, v31, v29;
	v25 =	vld.idx.msk [tilespmem:v28+s12+$0x0], $0xffff  }
0x123: {  	v33 =	vadd.s32 s22, v1;
	v32 =	vadd.s32 v5, v29;
	v31 =	vld.idx.msk [tilespmem:v28+s14+$0x0], $0xffff  }
0x124: {  	v34 =	vadd.s32 s22, v2;
	vm0 =	vgt.u32 v33, $0x7F;
	v29 =	vld.idx.msk [tilespmem:v28+s15+$0x0], $0xffff  }
0x125: {  	s22 =	sadd.s32 $0xFFFFFFFD, s21;
	v33 =	vsel vm0, v34, v33;
	v28 =	vld.idx.msk [tilespmem:v30+s12+$0x0], $0xffff  }
0x126: {  	v35 =	vadd.s32 s22, v1;
	v33 =	vadd.s32 v5, v33;
	v34 =	vld.idx.msk [tilespmem:v30+s14+$0x0], $0xffff  }
0x127: {  	v36 =	vadd.s32 s22, v2;
	vm0 =	vgt.u32 v35, $0x7F;
	v30 =	vld.idx.msk [tilespmem:v30+s15+$0x0], $0xffff  }
0x128: {  	s22 =	sadd.s32 $0xFFFFFFFE, s21;
	v35 =	vsel vm0, v36, v35;
	v37 =	vld.idx.msk [tilespmem:v32+s12+$0x0], $0xffff  }
0x129: {  	v38 =	vadd.s32 s22, v1;
	v35 =	vadd.s32 v5, v35;
	v36 =	vld.idx.msk [tilespmem:v32+s14+$0x0], $0xffff  }
0x12a: {  	v39 =	vadd.s32 s22, v2;
	vm0 =	vgt.u32 v38, $0x7F;
	v32 =	vld.idx.msk [tilespmem:v32+s15+$0x0], $0xffff  }
0x12b: {  	s22 =	sadd.s32 $0xFFFFFFFF, s21;
	v38 =	vsel vm0, v39, v38;
	v40 =	vld.idx.msk [tilespmem:v33+s12+$0x0], $0xffff  }
0x12c: {  	v41 =	vadd.s32 s22, v1;
	v38 =	vadd.s32 v5, v38;
	v39 =	vld.idx.msk [tilespmem:v33+s14+$0x0], $0xffff  }
0x12d: {  	v42 =	vadd.s32 s22, v2;
	vm0 =	vgt.u32 v41, $0x7F;
	v33 =	vld.idx.msk [tilespmem:v33+s15+$0x0], $0xffff  }
0x12e: {  	s22 =	sadd.s32 $0xFFFFFFF1, s21;
	v41 =	vsel vm0, v42, v41;
	v43 =	vld.idx.msk [tilespmem:v35+s12+$0x0], $0xffff  }
0x12f: {  	v42 =	vadd.s32 s22, v1;
	v41 =	vadd.s32 v5, v41;
	v44 =	vld.idx.msk [tilespmem:v35+s14+$0x0], $0xffff  }
0x130: {  	v45 =	vadd.s32 s22, v2;
	vm0 =	vgt.u32 v42, $0x7F;
	v35 =	vld.idx.msk [tilespmem:v35+s15+$0x0], $0xffff  }
0x131: {  	s22 =	sadd.s32 $0xFFFFFFF2, s21;
	v42 =	vsel vm0, v45, v42;
	v45 =	vld.idx.msk [tilespmem:v38+s12+$0x0], $0xffff  }
0x132: {  	v46 =	vadd.s32 s22, v1;
	v42 =	vadd.s32 v5, v42;
	v47 =	vld.idx.msk [tilespmem:v38+s14+$0x0], $0xffff  }
0x133: {  	v48 =	vadd.s32 s22, v2;
	vm0 =	vgt.u32 v46, $0x7F;
	v38 =	vld.idx.msk [tilespmem:v38+s15+$0x0], $0xffff  }
0x134: {  	s22 =	sadd.s32 $0xFFFFFFF3, s21;
	v46 =	vsel vm0, v48, v46;
	v48 =	vld.idx.msk [tilespmem:v41+s12+$0x0], $0xffff  }
0x135: {  	v49 =	vadd.s32 s22, v1;
	v46 =	vadd.s32 v5, v46;
	v50 =	vld.idx.msk [tilespmem:v41+s14+$0x0], $0xffff  }
0x136: {  	v51 =	vadd.s32 s22, v2;
	vm0 =	vgt.u32 v49, $0x7F;
	v41 =	vld.idx.msk [tilespmem:v41+s15+$0x0], $0xffff  }
0x137: {  	s22 =	sadd.s32 $0xFFFFFFF4, s21;
	v49 =	vsel vm0, v51, v49;
	v52 =	vld.idx.msk [tilespmem:v42+s12+$0x0], $0xffff  }
0x138: {  	v53 =	vadd.s32 s22, v1;
	v49 =	vadd.s32 v5, v49;
	v51 =	vld.idx.msk [tilespmem:v42+s14+$0x0], $0xffff  }
0x139: {  	v54 =	vadd.s32 s22, v2;
	vm0 =	vgt.u32 v53, $0x7F;
	v42 =	vld.idx.msk [tilespmem:v42+s15+$0x0], $0xffff  }
0x13a: {  	s22 =	sadd.s32 $0xFFFFFFF5, s21;
	v53 =	vsel vm0, v54, v53;
	v55 =	vld.idx.msk [tilespmem:v46+s12+$0x0], $0xffff  }
0x13b: {  	v56 =	vadd.s32 s22, v1;
	v53 =	vadd.s32 v5, v53;
	v54 =	vld.idx.msk [tilespmem:v46+s14+$0x0], $0xffff  }
0x13c: {  	v57 =	vadd.s32 s22, v2;
	s22 =	sadd.s32 $0xFFFFFFF6, s21;
	vm0 =	vgt.u32 v56, $0x7F;
	v46 =	vld.idx.msk [tilespmem:v46+s15+$0x0], $0xffff  }
0x13d: {  	s23 =	sadd.s32 $0xFFFFFFF7, s21;
	v56 =	vsel vm0, v57, v56;
	v57 =	vadd.s32 s22, v2;
	v58 =	vld.idx.msk [tilespmem:v49+s12+$0x0], $0xffff  }
0x13e: {  	v61 =	vadd.s32 s23, v2;
	v60 =	vadd.s32 s22, v1;
	s22 =	sadd.s32 $0xFFFFFFF8, s21;
	v56 =	vadd.s32 v5, v56;
	v59 =	vld.idx.msk [tilespmem:v49+s14+$0x0], $0xffff  }
0x13f: {  	v62 =	vadd.s32 s23, v1;
	vm0 =	vgt.u32 v60, $0x7F;
	v63 =	vadd.s32 s22, v2;
	v49 =	vld.idx.msk [tilespmem:v49+s15+$0x0], $0xffff  }
0x140: {  	v27 =	vsub.f32 v24, v27;
	v57 =	vsel vm0, v57, v60;
	v60 =	vadd.s32 s22, v1;
	v0 =	vld.idx.msk [tilespmem:v53+s12+$0x0], $0xffff  }
0x141: {  	v24 =	vsub.f32 v24, v26;
	v31 =	vsub.f32 v25, v31;
	v57 =	vadd.s32 v5, v57;
	v4 =	vld.idx.msk [tilespmem:v53+s14+$0x0], $0xffff  }
0x142: {  	v29 =	vsub.f32 v25, v29;
	vm0 =	vgt.u32 v62, $0x7F;
	v34 =	vsub.f32 v28, v34;
	v26 =	vld.idx.msk [tilespmem:v53+s15+$0x0], $0xffff  }
0x143: {  	v25 =	vsel vm0, v61, v62;
	v28 =	vsub.f32 v28, v30;
	v30 =	vsub.f32 v37, v36;
	v53 =	vld.idx.msk [tilespmem:v56+s12+$0x0], $0xffff  }
0x144: {  	v25 =	vadd.s32 v5, v25;
	v32 =	vsub.f32 v37, v32;
	v37 =	vsub.f32 v40, v39;
	v36 =	vld.idx.msk [tilespmem:v56+s14+$0x0], $0xffff  }
0x145: {  	vm0 =	vgt.u32 v60, $0x7F;
	v33 =	vsub.f32 v40, v33;
	v40 =	vsub.f32 v43, v44;
	v39 =	vld.idx.msk [tilespmem:v56+s15+$0x0], $0xffff  }
0x146: {  	v35 =	vsub.f32 v43, v35;
	v43 =	vsub.f32 v45, v47;
	v56 =	vsel vm0, v63, v60;
	v44 =	vld.idx.msk [tilespmem:v57+s12+$0x0], $0xffff  }
0x147: {  	v38 =	vsub.f32 v45, v38;
	v45 =	vsub.f32 v48, v50;
	v56 =	vadd.s32 v5, v56;
	v47 =	vld.idx.msk [tilespmem:v57+s14+$0x0], $0xffff  }
0x148: {  	v41 =	vsub.f32 v48, v41;
	v50 =	vsub.f32 v52, v51;
	v51 =	vld.idx.msk [tilespmem:v57+s15+$0x0], $0xffff  }
0x149: {  	v42 =	vsub.f32 v52, v42;
	v48 =	vsub.f32 v55, v54;
	v52 =	vld.idx.msk [tilespmem:v25+s12+$0x0], $0xffff  }
0x14a: {  	v46 =	vsub.f32 v55, v46;
	v54 =	vsub.f32 v58, v59;
	v55 =	vld.idx.msk [tilespmem:v25+s14+$0x0], $0xffff  }
0x14b: {  	v49 =	vsub.f32 v58, v49;
	v4 =	vsub.f32 v0, v4;
	v57 =	vld.idx.msk [tilespmem:v25+s15+$0x0], $0xffff  }
0x14c: {  	v31 =	vmul.f32 v31, v31;
	v0 =	vsub.f32 v0, v26;
	v25 =	vmul.f32 v27, v27;
	v26 =	vld.idx.msk [tilespmem:v56+s12+$0x0], $0xffff  }
0x14d: {  	v29 =	vmul.f32 v29, v29;
	v34 =	vmul.f32 v34, v34;
	v27 =	vsub.f32 v53, v36;
	v36 =	vld.idx.msk [tilespmem:v56+s14+$0x0], $0xffff  }
0x14e: {  	v28 =	vmul.f32 v28, v28;
	v30 =	vmul.f32 v30, v30;
	v39 =	vsub.f32 v53, v39;
	v53 =	vld.idx.msk [tilespmem:v56+s15+$0x0], $0xffff  }
0x14f: {  	s20 =	sadd.s32 $0x2, s20;
	v32 =	vmul.f32 v32, v32;
	v37 =	vmul.f32 v37, v37;
	v47 =	vsub.f32 v44, v47  }
0x150: {  	p0 =	slt.u32 s20, $0xE;
	v33 =	vmul.f32 v33, v33;
	v40 =	vmul.f32 v40, v40;
	v44 =	vsub.f32 v44, v51  }
0x151: {  	v35 =	vmul.f32 v35, v35;
	v43 =	vmul.f32 v43, v43;
	v51 =	vsub.f32 v52, v55  }
0x152: {  	v38 =	vmul.f32 v38, v38;
	v45 =	vmul.f32 v45, v45;
	v52 =	vsub.f32 v52, v57  }
0x153: {  	v50 =	vmul.f32 v50, v50;
	v42 =	vmul.f32 v42, v42;
	v36 =	vsub.f32 v26, v36  }
0x154: {  	v48 =	vmul.f32 v48, v48;
	v46 =	vmul.f32 v46, v46;
	v26 =	vsub.f32 v26, v53  }
0x155: {  	v6 =	vadd.f32 v50, v6;
	v7 =	vadd.f32 v42, v7;
	v42 =	vmul.f32 v54, v54  }
0x156: {  	v8 =	vadd.f32 v48, v8;
	v9 =	vadd.f32 v46, v9;
	v46 =	vmul.f32 v49, v49  }
0x157: {  	v6 =	vadd.f32 v31, v6;
	v7 =	vadd.f32 v29, v7;
	v4 =	vmul.f32 v4, v4  }
0x158: {  	v8 =	vadd.f32 v34, v8;
	v9 =	vadd.f32 v28, v9;
	v0 =	vmul.f32 v0, v0  }
0x159: {  	v12 =	vadd.f32 v42, v12;
	v13 =	vadd.f32 v46, v13;
	v27 =	vmul.f32 v27, v27  }
0x15a: {  	v4 =	vadd.f32 v4, v14;
	v0 =	vadd.f32 v0, v15;
	v28 =	vmul.f32 v39, v39  }
0x15b: {  	v12 =	vadd.f32 v30, v12;
	v13 =	vadd.f32 v32, v13;
	v29 =	vmul.f32 v47, v47  }
0x15c: {  	v14 =	vadd.f32 v37, v4;
	v15 =	vadd.f32 v33, v0;
	v30 =	vmul.f32 v44, v44  }
0x15d: {  	v4 =	vadd.f32 v28, v17;
	v0 =	vadd.f32 v27, v16;
	v27 =	vmul.f32 v51, v51  }
0x15e: {  	v18 =	vadd.f32 v29, v18;
	v19 =	vadd.f32 v30, v19;
	v28 =	vmul.f32 v52, v52  }
.Ltmp1:
0x15f: {  	v17 =	vadd.f32 v35, v4;
	v16 =	vadd.f32 v40, v0;
	v29 =	vmul.f32 v36, v36;
	(pc) =	sbr.rel @p0 .LBB2_4-.Ltmp1, $4  }
0x160: {  	v18 =	vadd.f32 v43, v18;
	v19 =	vadd.f32 v38, v19;
	v0 =	vmul.f32 v26, v26  }
0x161: {  	v4 =	vadd.f32 v27, v20;
	v21 =	vadd.f32 v28, v21;
	v26 =	vmul.f32 v41, v41  }
0x162: {  	v24 =	vmul.f32 v24, v24;
	v22 =	vadd.f32 v29, v22;
	v23 =	vadd.f32 v0, v23  }
0x163: {  	s21 =	sadd.s32 $0x10, s21;
	v20 =	vadd.f32 v45, v4;
	v21 =	vadd.f32 v26, v21  }
0x164: {  	v0 =	vadd.f32 v25, v22;
	v4 =	vadd.f32 v24, v23  }
0x165: {  	v5 =	vadd.f32 v16, v6;
	v6 =	vadd.f32 v17, v7  }
0x166: {  	v7 =	vadd.f32 v18, v8;
	v8 =	vadd.f32 v19, v9  }
0x167: {  	v9 =	vadd.f32 v20, v12;
	v12 =	vadd.f32 v21, v13  }
0x168: {  	v0 =	vadd.f32 v0, v14;
	v4 =	vadd.f32 v4, v15  }
0x169: {  	v5 =	vadd.f32 v9, v5;
	v6 =	vadd.f32 v12, v6  }
0x16a: {  	v0 =	vadd.f32 v0, v7;
	v4 =	vadd.f32 v4, v8;
	_ =	sdelay $0x1  }
0x16b: {  	v0 =	vadd.f32 v0, v5;
	v4 =	vadd.f32 v4, v6;
	_ =	sdelay $0x1  }
0x16c: {  	vm1 =	vlt.s32 v11, v10;
	vm0 =	veq.f32 v4, v0  }
0x16d: {  	vm2 =	vlt.f32 v4, v0;
	vm0 =	vmand vm1, vm0  }
0x16e: {  	vm0 =	vmor vm2, vm0  }
0x16f: {  	v0 =	vsel vm0, v11, v10  }
0x170: {  	v5 =	vld [tilespmem:$0x1FFF0];
	v0 =	vshll.u32 v0, $0x3  }
0x171: {  	v4 =	vor.u32 $0x1, v0;
	_ =	sdelay $0x1  }
0x172: {  	s20 =	simm.s32 $0xF  }
0x173: {  	v6 =	vadd.s32 s20, v1  }
0x174: {  	v8 =	vadd.s32 s20, v2;
	vm12 =	vgt.u32 v6, $0x7F;
	v7 =	vor.u32 $0x80, v5;
	v0 =	vld.idx.msk [tilespmem:v0+s11+$0x0], $0xffff  }
0x175: {  	s31 =	simm.s32 $0xB;
	v6 =	vsel vm12, v8, v6;
	v9 =	vor.u32 $0x81, v5;
	v5 =	vor.u32 $0x1000, v3;
	v4 =	vld.idx.msk [tilespmem:v4+s11+$0x0], $0xffff  }
0x176: {  	v12 =	vadd.s32 s31, v1;
	v6 =	vadd.s32 v5, v6  }
0x177: {  	s21 =	simm.s32 $0xC;
	v13 =	vadd.s32 s31, v2;
	vm4 =	vgt.u32 v12, $0x7F  }
0x178: {  	s29 =	simm.s32 $0x9;
	v16 =	vadd.s32 s21, v2;
	v12 =	vsel vm4, v13, v12  }
0x179: {  	v15 =	vadd.s32 s21, v1;
	v12 =	vadd.s32 v5, v12;
	[tilespmem:v7+s17+$0x0] =	vst.idx.msk $0xffff, v0;
	v7 =	vadd.s32 s29, v1  }
0x17a: {  	vm5 =	vgt.u32 v15, $0x7F;
	[tilespmem:v9+s17+$0x0] =	vst.idx.msk $0xffff, v4;
	vm14 =	vgt.u32 v7, $0x7F;
	v4 =	vadd.s32 s29, v2  }
0x17b: {  	s22 =	simm.s32 $0xD;
	v15 =	vsel vm5, v16, v15;
	v4 =	vsel vm14, v4, v7;
	v7 =	vld.idx.msk [tilespmem:v6+s12+$0x0], $0xffff  }
0x17c: {  	v18 =	vadd.s32 s22, v1;
	v15 =	vadd.s32 v5, v15;
	v9 =	vld.idx.msk [tilespmem:v6+s14+$0x0], $0xffff  }
0x17d: {  	v19 =	vadd.s32 s22, v2;
	vm6 =	vgt.u32 v18, $0x7F;
	v6 =	vld.idx.msk [tilespmem:v6+s15+$0x0], $0xffff  }
0x17e: {  	s23 =	simm.s32 $0xE;
	v18 =	vsel vm6, v19, v18;
	v20 =	vld.idx.msk [tilespmem:v12+s12+$0x0], $0xffff  }
0x17f: {  	v21 =	vadd.s32 s23, v1;
	v18 =	vadd.s32 v5, v18;
	v19 =	vld.idx.msk [tilespmem:v12+s14+$0x0], $0xffff  }
0x180: {  	v22 =	vadd.s32 s23, v2;
	vm7 =	vgt.u32 v21, $0x7F;
	v12 =	vld.idx.msk [tilespmem:v12+s15+$0x0], $0xffff  }
0x181: {  	s24 =	simm.s32 $0x0;
	v21 =	vsel vm7, v22, v21;
	v23 =	vld.idx.msk [tilespmem:v15+s12+$0x0], $0xffff  }
0x182: {  	v22 =	vadd.s32 s24, v1;
	v21 =	vadd.s32 v5, v21;
	v24 =	vld.idx.msk [tilespmem:v15+s14+$0x0], $0xffff  }
0x183: {  	v25 =	vadd.s32 s24, v2;
	vm8 =	vgt.u32 v22, $0x7F;
	v15 =	vld.idx.msk [tilespmem:v15+s15+$0x0], $0xffff  }
0x184: {  	s25 =	simm.s32 $0x1;
	v22 =	vsel vm8, v25, v22;
	v25 =	vld.idx.msk [tilespmem:v18+s12+$0x0], $0xffff  }
0x185: {  	v26 =	vadd.s32 s25, v1;
	v22 =	vadd.s32 v5, v22;
	v27 =	vld.idx.msk [tilespmem:v18+s14+$0x0], $0xffff  }
0x186: {  	v28 =	vadd.s32 s25, v2;
	vm9 =	vgt.u32 v26, $0x7F;
	v18 =	vld.idx.msk [tilespmem:v18+s15+$0x0], $0xffff  }
0x187: {  	s26 =	simm.s32 $0x2;
	v26 =	vsel vm9, v28, v26;
	v48 =	vld.idx.msk [tilespmem:v21+s12+$0x0], $0xffff  }
0x188: {  	v29 =	vadd.s32 s26, v1;
	v26 =	vadd.s32 v5, v26;
	v30 =	vld.idx.msk [tilespmem:v21+s14+$0x0], $0xffff  }
0x189: {  	s28 =	simm.s32 $0x8;
	v31 =	vadd.s32 s26, v2;
	vm10 =	vgt.u32 v29, $0x7F;
	v21 =	vld.idx.msk [tilespmem:v21+s15+$0x0], $0xffff  }
0x18a: {  	v29 =	vsel vm10, v31, v29;
	v8 =	vadd.s32 s28, v1;
	v10 =	vadd.s32 s28, v2;
	s28 =	simm.s32 $0x3;
	v32 =	vld.idx.msk [tilespmem:v22+s12+$0x0], $0xffff  }
0x18b: {  	v29 =	vadd.s32 v5, v29;
	v33 =	vadd.s32 s28, v1;
	v49 =	vld.idx.msk [tilespmem:v22+s14+$0x0], $0xffff  }
0x18c: {  	v34 =	vadd.s32 s28, v2;
	vm11 =	vgt.u32 v33, $0x7F;
	v22 =	vld.idx.msk [tilespmem:v22+s15+$0x0], $0xffff  }
0x18d: {  	vm13 =	vgt.u32 v8, $0x7F;
	v33 =	vsel vm11, v34, v33;
	v35 =	vld.idx.msk [tilespmem:v26+s12+$0x0], $0xffff  }
0x18e: {  	v8 =	vsel vm13, v10, v8;
	v33 =	vadd.s32 v5, v33;
	v50 =	vld.idx.msk [tilespmem:v26+s14+$0x0], $0xffff  }
0x18f: {  	v0 =	vadd.s32 v5, v8;
	v26 =	vld.idx.msk [tilespmem:v26+s15+$0x0], $0xffff  }
0x190: {  	v38 =	vld.idx.msk [tilespmem:v29+s12+$0x0], $0xffff  }
0x191: {  	s30 =	simm.s32 $0xA;
	v40 =	vld.idx.msk [tilespmem:v29+s14+$0x0], $0xffff  }
0x192: {  	v8 =	vadd.s32 s30, v1;
	v29 =	vld.idx.msk [tilespmem:v29+s15+$0x0], $0xffff;
	v4 =	vadd.s32 v5, v4  }
0x193: {  	v10 =	vadd.s32 s30, v2;
	vm15 =	vgt.u32 v8, $0x7F;
	v52 =	vld.idx.msk [tilespmem:v33+s12+$0x0], $0xffff  }
0x194: {  	v8 =	vsel vm15, v10, v8;
	v11 =	vld.idx.msk [tilespmem:v0+s12+$0x0], $0xffff  }
0x195: {  	v8 =	vadd.s32 v5, v8;
	v10 =	vld.idx.msk [tilespmem:v0+s14+$0x0], $0xffff  }
0x196: {  	s29 =	simm.s32 $0x4;
	v0 =	vld.idx.msk [tilespmem:v0+s15+$0x0], $0xffff  }
0x197: {  	v56 =	vimm.f32 $0.0e+00;
	s30 =	simm.s32 $0x5;
	v36 =	vadd.s32 s29, v1;
	v14 =	vld.idx.msk [tilespmem:v4+s12+$0x0], $0xffff  }
0x198: {  	v39 =	vadd.s32 s30, v1;
	v37 =	vadd.s32 s29, v2;
	vm12 =	vgt.u32 v36, $0x7F;
	v13 =	vld.idx.msk [tilespmem:v4+s14+$0x0], $0xffff  }
0x199: {  	s21 =	simm.s32 $0x6;
	v51 =	vadd.s32 s30, v2;
	vm13 =	vgt.u32 v39, $0x7F;
	v36 =	vsel vm12, v37, v36;
	v4 =	vld.idx.msk [tilespmem:v4+s15+$0x0], $0xffff  }
0x19a: {  	v41 =	vadd.s32 s21, v2;
	v37 =	vsel vm13, v51, v39;
	v36 =	vadd.s32 v5, v36;
	v17 =	vld.idx.msk [tilespmem:v8+s12+$0x0], $0xffff  }
0x19b: {  	s31 =	simm.s32 $0x7;
	v42 =	vadd.s32 s21, v1;
	v37 =	vadd.s32 v5, v37;
	v45 =	vsub.f32 v7, v9;
	v16 =	vld.idx.msk [tilespmem:v8+s14+$0x0], $0xffff  }
0x19c: {  	v43 =	vadd.s32 s31, v2;
	v46 =	vsub.f32 v7, v6;
	v12 =	vsub.f32 v20, v12;
	v8 =	vld.idx.msk [tilespmem:v8+s15+$0x0], $0xffff  }
0x19d: {  	v44 =	vadd.s32 s31, v1;
	v6 =	vld.idx.msk [tilespmem:v33+s15+$0x0], $0xffff;
	v15 =	vsub.f32 v23, v15;
	v27 =	vsub.f32 v25, v27  }
0x19e: {  	vm14 =	vgt.u32 v42, $0x7F;
	v18 =	vsub.f32 v25, v18;
	v9 =	vsub.f32 v11, v10;
	v10 =	vld.idx.msk [tilespmem:v33+s14+$0x0], $0xffff  }
0x19f: {  	v0 =	vsub.f32 v11, v0;
	v11 =	vld.idx.msk [tilespmem:v36+s12+$0x0], $0xffff;
	v7 =	vsub.f32 v14, v13;
	v13 =	vsel vm14, v41, v42  }
0x1a0: {  	v30 =	vsub.f32 v48, v30;
	v25 =	vld.idx.msk [tilespmem:v37+s14+$0x0], $0xffff;
	v4 =	vsub.f32 v14, v4;
	v13 =	vadd.s32 v5, v13  }
0x1a1: {  	vm15 =	vgt.u32 v44, $0x7F;
	v53 =	vld.idx.msk [tilespmem:v37+s15+$0x0], $0xffff;
	v14 =	vsub.f32 v17, v16;
	v8 =	vsub.f32 v17, v8  }
0x1a2: {  	v16 =	vld.idx.msk [tilespmem:v36+s14+$0x0], $0xffff;
	v17 =	vsub.f32 v20, v19;
	v20 =	vsub.f32 v23, v24;
	v24 =	vsel vm15, v43, v44  }
0x1a3: {  	v31 =	vsub.f32 v32, v49;
	v21 =	vsub.f32 v48, v21;
	v19 =	vld.idx.msk [tilespmem:v36+s15+$0x0], $0xffff;
	v24 =	vadd.s32 v5, v24  }
0x1a4: {  	v22 =	vsub.f32 v32, v22;
	v61 =	vmul.f32 v12, v12;
	v62 =	vmul.f32 v15, v15;
	v23 =	vld.idx.msk [tilespmem:v37+s12+$0x0], $0xffff  }
0x1a5: {  	v29 =	vsub.f32 v38, v29;
	v27 =	vmul.f32 v27, v27;
	v63 =	vmul.f32 v18, v18;
	v55 =	vld.idx.msk [tilespmem:v13+s12+$0x0], $0xffff  }
0x1a6: {  	v54 =	vsub.f32 v35, v50;
	v30 =	vmul.f32 v30, v30;
	v12 =	vmul.f32 v22, v22;
	v58 =	vld.idx.msk [tilespmem:v13+s14+$0x0], $0xffff  }
0x1a7: {  	v26 =	vsub.f32 v35, v26;
	v22 =	vmul.f32 v29, v29;
	v21 =	vmul.f32 v21, v21;
	v13 =	vld.idx.msk [tilespmem:v13+s15+$0x0], $0xffff  }
0x1a8: {  	v59 =	vsub.f32 v52, v6;
	v6 =	vmul.f32 v9, v9;
	v10 =	vsub.f32 v52, v10;
	v9 =	vld.idx.msk [tilespmem:v24+s12+$0x0], $0xffff  }
0x1a9: {  	v60 =	vmul.f32 v7, v7;
	v16 =	vsub.f32 v11, v16;
	v11 =	vsub.f32 v11, v19;
	v7 =	vld.idx.msk [tilespmem:v24+s14+$0x0], $0xffff  }
0x1aa: {  	v19 =	vld.idx.msk [tilespmem:v24+s15+$0x0], $0xffff;
	v24 =	vsub.f32 v23, v25;
	v25 =	vmul.f32 v8, v8;
	v8 =	vmul.f32 v31, v31  }
0x1ab: {  	v57 =	vsub.f32 v38, v40;
	v0 =	vmul.f32 v0, v0;
	v10 =	vmul.f32 v10, v10  }
0x1ac: {  	v4 =	vmul.f32 v4, v4;
	v14 =	vmul.f32 v14, v14;
	v8 =	vadd.f32 v8, v56  }
0x1ad: {  	v17 =	vmul.f32 v17, v17;
	v23 =	vsub.f32 v23, v53;
	v10 =	vadd.f32 v10, v56  }
0x1ae: {  	v6 =	vadd.f32 v6, v8;
	v32 =	vsub.f32 v55, v13;
	v13 =	vmul.f32 v26, v26  }
0x1af: {  	v18 =	vsub.f32 v9, v7;
	v7 =	vmul.f32 v54, v54;
	v19 =	vsub.f32 v9, v19  }
0x1b0: {  	v20 =	vmul.f32 v20, v20;
	v9 =	vadd.f32 v12, v56;
	v13 =	vadd.f32 v13, v56  }
0x1b1: {  	v36 =	vsub.f32 v55, v58;
	v12 =	vmul.f32 v57, v57;
	v15 =	vadd.f32 v7, v56  }
0x1b2: {  	v7 =	vadd.f32 v0, v9;
	v0 =	vmul.f32 v59, v59;
	v9 =	vadd.f32 v4, v13  }
0x1b3: {  	v16 =	vmul.f32 v16, v16;
	v4 =	vadd.f32 v12, v56;
	v13 =	vadd.f32 v22, v56  }
0x1b4: {  	v11 =	vmul.f32 v11, v11;
	v8 =	vadd.f32 v60, v15;
	v0 =	vadd.f32 v0, v56  }
0x1b5: {  	v22 =	vmul.f32 v24, v24;
	v12 =	vadd.f32 v14, v4;
	v13 =	vadd.f32 v25, v13  }
0x1b6: {  	v4 =	vmul.f32 v23, v23;
	v14 =	vadd.f32 v17, v10;
	v15 =	vadd.f32 v61, v0  }
0x1b7: {  	v24 =	vmul.f32 v18, v18;
	v0 =	vadd.f32 v16, v56;
	v10 =	vadd.f32 v11, v56  }
0x1b8: {  	v22 =	vadd.f32 v22, v56;
	v23 =	vmul.f32 v32, v32;
	v4 =	vadd.f32 v4, v56  }
0x1b9: {  	v11 =	vmul.f32 v36, v36;
	v16 =	vadd.f32 v20, v0;
	v17 =	vadd.f32 v62, v10  }
0x1ba: {  	v0 =	vmul.f32 v19, v19;
	v18 =	vadd.f32 v27, v22;
	v26 =	vadd.f32 v23, v56  }
0x1bb: {  	v25 =	vmul.f32 v45, v45;
	v19 =	vadd.f32 v63, v4;
	v4 =	vadd.f32 v11, v56  }
0x1bc: {  	v10 =	vld [tilespmem:$0x20];
	v22 =	vadd.f32 v24, v56;
	v24 =	vmul.f32 v46, v46;
	v23 =	vadd.f32 v0, v56  }
0x1bd: {  	s21 =	simm.s32 $0x1F;
	s20 =	simm.s32 $0x0;
	v11 =	vld [tilespmem:$0x60];
	v21 =	vadd.f32 v21, v26;
	v20 =	vadd.f32 v30, v4  }
.LBB2_6:
0x1be: {  	v0 =	vadd.s32 s21, v1;
	v22 =	vadd.f32 v25, v22;
	v23 =	vadd.f32 v24, v23  }
0x1bf: {  	v4 =	vadd.s32 s21, v2;
	vm0 =	vgt.u32 v0, $0x7F  }
0x1c0: {  	s22 =	sadd.s32 $0xFFFFFFF9, s21;
	v0 =	vsel vm0, v4, v0  }
0x1c1: {  	v4 =	vadd.s32 s22, v1;
	v0 =	vadd.s32 v5, v0  }
0x1c2: {  	v24 =	vadd.s32 s22, v2;
	vm0 =	vgt.u32 v4, $0x7F  }
0x1c3: {  	s22 =	sadd.s32 $0xFFFFFFFA, s21;
	v4 =	vsel vm0, v24, v4  }
0x1c4: {  	v24 =	vadd.s32 s22, v1;
	v4 =	vadd.s32 v5, v4  }
0x1c5: {  	v25 =	vadd.s32 s22, v2;
	vm0 =	vgt.u32 v24, $0x7F  }
0x1c6: {  	s22 =	sadd.s32 $0xFFFFFFFB, s21;
	v25 =	vsel vm0, v25, v24;
	v24 =	vld.idx.msk [tilespmem:v0+s12+$0x0], $0xffff  }
0x1c7: {  	v28 =	vadd.s32 s22, v1;
	v30 =	vadd.s32 v5, v25;
	v27 =	vld.idx.msk [tilespmem:v0+s14+$0x0], $0xffff  }
0x1c8: {  	v29 =	vadd.s32 s22, v2;
	vm0 =	vgt.u32 v28, $0x7F;
	v26 =	vld.idx.msk [tilespmem:v0+s15+$0x0], $0xffff  }
0x1c9: {  	s22 =	sadd.s32 $0xFFFFFFFC, s21;
	v0 =	vsel vm0, v29, v28;
	v25 =	vld.idx.msk [tilespmem:v4+s12+$0x0], $0xffff  }
0x1ca: {  	v32 =	vadd.s32 s22, v1;
	v0 =	vadd.s32 v5, v0;
	v31 =	vld.idx.msk [tilespmem:v4+s14+$0x0], $0xffff  }
0x1cb: {  	vm0 =	vgt.u32 v32, $0x7F;
	v29 =	vld.idx.msk [tilespmem:v4+s15+$0x0], $0xffff;
	v4 =	vadd.s32 s22, v2  }
0x1cc: {  	s22 =	sadd.s32 $0xFFFFFFFD, s21;
	v28 =	vld.idx.msk [tilespmem:v30+s12+$0x0], $0xffff;
	v4 =	vsel vm0, v4, v32  }
0x1cd: {  	v33 =	vadd.s32 s22, v1;
	v32 =	vld.idx.msk [tilespmem:v30+s14+$0x0], $0xffff;
	v4 =	vadd.s32 v5, v4  }
0x1ce: {  	v34 =	vadd.s32 s22, v2;
	vm0 =	vgt.u32 v33, $0x7F;
	v30 =	vld.idx.msk [tilespmem:v30+s15+$0x0], $0xffff  }
0x1cf: {  	s22 =	sadd.s32 $0xFFFFFFFE, s21;
	v33 =	vsel vm0, v34, v33;
	v35 =	vld.idx.msk [tilespmem:v0+s12+$0x0], $0xffff  }
0x1d0: {  	v36 =	vadd.s32 s22, v1;
	v33 =	vadd.s32 v5, v33;
	v34 =	vld.idx.msk [tilespmem:v0+s14+$0x0], $0xffff  }
0x1d1: {  	v37 =	vadd.s32 s22, v2;
	vm0 =	vgt.u32 v36, $0x7F;
	v0 =	vld.idx.msk [tilespmem:v0+s15+$0x0], $0xffff  }
0x1d2: {  	s22 =	sadd.s32 $0xFFFFFFFF, s21;
	v36 =	vsel vm0, v37, v36;
	v38 =	vld.idx.msk [tilespmem:v4+s12+$0x0], $0xffff  }
0x1d3: {  	v39 =	vadd.s32 s22, v1;
	v36 =	vadd.s32 v5, v36;
	v37 =	vld.idx.msk [tilespmem:v4+s14+$0x0], $0xffff  }
0x1d4: {  	v40 =	vadd.s32 s22, v2;
	vm0 =	vgt.u32 v39, $0x7F;
	v4 =	vld.idx.msk [tilespmem:v4+s15+$0x0], $0xffff  }
0x1d5: {  	s22 =	sadd.s32 $0xFFFFFFF1, s21;
	v39 =	vsel vm0, v40, v39;
	v41 =	vld.idx.msk [tilespmem:v33+s12+$0x0], $0xffff  }
0x1d6: {  	v40 =	vadd.s32 s22, v1;
	v39 =	vadd.s32 v5, v39;
	v42 =	vld.idx.msk [tilespmem:v33+s14+$0x0], $0xffff  }
0x1d7: {  	v43 =	vadd.s32 s22, v2;
	vm0 =	vgt.u32 v40, $0x7F;
	v33 =	vld.idx.msk [tilespmem:v33+s15+$0x0], $0xffff  }
0x1d8: {  	s22 =	sadd.s32 $0xFFFFFFF2, s21;
	v40 =	vsel vm0, v43, v40;
	v43 =	vld.idx.msk [tilespmem:v36+s12+$0x0], $0xffff  }
0x1d9: {  	v44 =	vadd.s32 s22, v1;
	v40 =	vadd.s32 v5, v40;
	v45 =	vld.idx.msk [tilespmem:v36+s14+$0x0], $0xffff  }
0x1da: {  	v46 =	vadd.s32 s22, v2;
	vm0 =	vgt.u32 v44, $0x7F;
	v36 =	vld.idx.msk [tilespmem:v36+s15+$0x0], $0xffff  }
0x1db: {  	s22 =	sadd.s32 $0xFFFFFFF3, s21;
	v44 =	vsel vm0, v46, v44;
	v46 =	vld.idx.msk [tilespmem:v39+s12+$0x0], $0xffff  }
0x1dc: {  	v47 =	vadd.s32 s22, v1;
	v44 =	vadd.s32 v5, v44;
	v48 =	vld.idx.msk [tilespmem:v39+s14+$0x0], $0xffff  }
0x1dd: {  	v49 =	vadd.s32 s22, v2;
	vm0 =	vgt.u32 v47, $0x7F;
	v39 =	vld.idx.msk [tilespmem:v39+s15+$0x0], $0xffff  }
0x1de: {  	s22 =	sadd.s32 $0xFFFFFFF4, s21;
	v47 =	vsel vm0, v49, v47;
	v50 =	vld.idx.msk [tilespmem:v40+s12+$0x0], $0xffff  }
0x1df: {  	v51 =	vadd.s32 s22, v1;
	v47 =	vadd.s32 v5, v47;
	v49 =	vld.idx.msk [tilespmem:v40+s14+$0x0], $0xffff  }
0x1e0: {  	v52 =	vadd.s32 s22, v2;
	vm0 =	vgt.u32 v51, $0x7F;
	v40 =	vld.idx.msk [tilespmem:v40+s15+$0x0], $0xffff  }
0x1e1: {  	s22 =	sadd.s32 $0xFFFFFFF5, s21;
	v51 =	vsel vm0, v52, v51;
	v53 =	vld.idx.msk [tilespmem:v44+s12+$0x0], $0xffff  }
0x1e2: {  	v54 =	vadd.s32 s22, v1;
	v51 =	vadd.s32 v5, v51;
	v52 =	vld.idx.msk [tilespmem:v44+s14+$0x0], $0xffff  }
0x1e3: {  	v55 =	vadd.s32 s22, v2;
	s22 =	sadd.s32 $0xFFFFFFF6, s21;
	vm0 =	vgt.u32 v54, $0x7F;
	v44 =	vld.idx.msk [tilespmem:v44+s15+$0x0], $0xffff  }
0x1e4: {  	s23 =	sadd.s32 $0xFFFFFFF7, s21;
	v54 =	vsel vm0, v55, v54;
	v55 =	vadd.s32 s22, v2;
	v56 =	vld.idx.msk [tilespmem:v47+s12+$0x0], $0xffff  }
0x1e5: {  	v59 =	vadd.s32 s23, v2;
	v58 =	vadd.s32 s22, v1;
	s22 =	sadd.s32 $0xFFFFFFF8, s21;
	v54 =	vadd.s32 v5, v54;
	v57 =	vld.idx.msk [tilespmem:v47+s14+$0x0], $0xffff  }
0x1e6: {  	v60 =	vadd.s32 s23, v1;
	vm0 =	vgt.u32 v58, $0x7F;
	v61 =	vadd.s32 s22, v2;
	v47 =	vld.idx.msk [tilespmem:v47+s15+$0x0], $0xffff  }
0x1e7: {  	v27 =	vsub.f32 v24, v27;
	v55 =	vsel vm0, v55, v58;
	v58 =	vadd.s32 s22, v1;
	v62 =	vld.idx.msk [tilespmem:v51+s12+$0x0], $0xffff  }
0x1e8: {  	v24 =	vsub.f32 v24, v26;
	v31 =	vsub.f32 v25, v31;
	v55 =	vadd.s32 v5, v55;
	v63 =	vld.idx.msk [tilespmem:v51+s14+$0x0], $0xffff  }
0x1e9: {  	v29 =	vsub.f32 v25, v29;
	v32 =	vsub.f32 v28, v32;
	vm0 =	vgt.u32 v60, $0x7F;
	v26 =	vld.idx.msk [tilespmem:v51+s15+$0x0], $0xffff  }
0x1ea: {  	v28 =	vsub.f32 v28, v30;
	v30 =	vsub.f32 v35, v34;
	v25 =	vsel vm0, v59, v60;
	v51 =	vld.idx.msk [tilespmem:v54+s12+$0x0], $0xffff  }
0x1eb: {  	v0 =	vsub.f32 v35, v0;
	v35 =	vsub.f32 v38, v37;
	v25 =	vadd.s32 v5, v25;
	v34 =	vld.idx.msk [tilespmem:v54+s14+$0x0], $0xffff  }
0x1ec: {  	vm0 =	vgt.u32 v58, $0x7F;
	v4 =	vsub.f32 v38, v4;
	v38 =	vsub.f32 v41, v42;
	v37 =	vld.idx.msk [tilespmem:v54+s15+$0x0], $0xffff  }
0x1ed: {  	v33 =	vsub.f32 v41, v33;
	v41 =	vsub.f32 v43, v45;
	v54 =	vsel vm0, v61, v58;
	v42 =	vld.idx.msk [tilespmem:v55+s12+$0x0], $0xffff  }
0x1ee: {  	v36 =	vsub.f32 v43, v36;
	v43 =	vsub.f32 v46, v48;
	v54 =	vadd.s32 v5, v54;
	v45 =	vld.idx.msk [tilespmem:v55+s14+$0x0], $0xffff  }
0x1ef: {  	v39 =	vsub.f32 v46, v39;
	v48 =	vsub.f32 v50, v49;
	v49 =	vld.idx.msk [tilespmem:v55+s15+$0x0], $0xffff  }
0x1f0: {  	v40 =	vsub.f32 v50, v40;
	v46 =	vsub.f32 v53, v52;
	v50 =	vld.idx.msk [tilespmem:v25+s12+$0x0], $0xffff  }
0x1f1: {  	v44 =	vsub.f32 v53, v44;
	v52 =	vsub.f32 v56, v57;
	v53 =	vld.idx.msk [tilespmem:v25+s14+$0x0], $0xffff  }
0x1f2: {  	v47 =	vsub.f32 v56, v47;
	v55 =	vsub.f32 v62, v63;
	v56 =	vld.idx.msk [tilespmem:v25+s15+$0x0], $0xffff  }
0x1f3: {  	v31 =	vmul.f32 v31, v31;
	v26 =	vsub.f32 v62, v26;
	v25 =	vmul.f32 v27, v27;
	v57 =	vld.idx.msk [tilespmem:v54+s12+$0x0], $0xffff  }
0x1f4: {  	v29 =	vmul.f32 v29, v29;
	v32 =	vmul.f32 v32, v32;
	v27 =	vsub.f32 v51, v34;
	v34 =	vld.idx.msk [tilespmem:v54+s14+$0x0], $0xffff  }
0x1f5: {  	v28 =	vmul.f32 v28, v28;
	v30 =	vmul.f32 v30, v30;
	v37 =	vsub.f32 v51, v37;
	v51 =	vld.idx.msk [tilespmem:v54+s15+$0x0], $0xffff  }
0x1f6: {  	s20 =	sadd.s32 $0x2, s20;
	v0 =	vmul.f32 v0, v0;
	v35 =	vmul.f32 v35, v35;
	v45 =	vsub.f32 v42, v45  }
0x1f7: {  	p0 =	slt.u32 s20, $0xE;
	v4 =	vmul.f32 v4, v4;
	v38 =	vmul.f32 v38, v38;
	v42 =	vsub.f32 v42, v49  }
0x1f8: {  	v33 =	vmul.f32 v33, v33;
	v41 =	vmul.f32 v41, v41;
	v49 =	vsub.f32 v50, v53  }
0x1f9: {  	v36 =	vmul.f32 v36, v36;
	v43 =	vmul.f32 v43, v43;
	v50 =	vsub.f32 v50, v56  }
0x1fa: {  	v48 =	vmul.f32 v48, v48;
	v40 =	vmul.f32 v40, v40;
	v34 =	vsub.f32 v57, v34  }
0x1fb: {  	v46 =	vmul.f32 v46, v46;
	v44 =	vmul.f32 v44, v44;
	v51 =	vsub.f32 v57, v51  }
0x1fc: {  	v6 =	vadd.f32 v48, v6;
	v7 =	vadd.f32 v40, v7;
	v40 =	vmul.f32 v52, v52  }
0x1fd: {  	v8 =	vadd.f32 v46, v8;
	v9 =	vadd.f32 v44, v9;
	v44 =	vmul.f32 v47, v47  }
0x1fe: {  	v6 =	vadd.f32 v31, v6;
	v7 =	vadd.f32 v29, v7;
	v46 =	vmul.f32 v55, v55  }
0x1ff: {  	v8 =	vadd.f32 v32, v8;
	v9 =	vadd.f32 v28, v9;
	v26 =	vmul.f32 v26, v26  }
0x200: {  	v12 =	vadd.f32 v40, v12;
	v13 =	vadd.f32 v44, v13;
	v27 =	vmul.f32 v27, v27  }
0x201: {  	v15 =	vadd.f32 v26, v15;
	v14 =	vadd.f32 v46, v14;
	v26 =	vmul.f32 v37, v37  }
0x202: {  	v12 =	vadd.f32 v30, v12;
	v13 =	vadd.f32 v0, v13;
	v28 =	vmul.f32 v45, v45  }
0x203: {  	v15 =	vadd.f32 v4, v15;
	v14 =	vadd.f32 v35, v14;
	v0 =	vmul.f32 v42, v42  }
0x204: {  	v17 =	vadd.f32 v26, v17;
	v4 =	vadd.f32 v27, v16;
	v26 =	vmul.f32 v49, v49  }
0x205: {  	v18 =	vadd.f32 v28, v18;
	v0 =	vadd.f32 v0, v19;
	v27 =	vmul.f32 v50, v50  }
.Ltmp2:
0x206: {  	v17 =	vadd.f32 v33, v17;
	v16 =	vadd.f32 v38, v4;
	v28 =	vmul.f32 v34, v34;
	(pc) =	sbr.rel @p0 .LBB2_6-.Ltmp2, $4  }
0x207: {  	v18 =	vadd.f32 v41, v18;
	v19 =	vadd.f32 v36, v0;
	v4 =	vmul.f32 v51, v51  }
0x208: {  	v0 =	vadd.f32 v26, v20;
	v26 =	vmul.f32 v39, v39;
	v21 =	vadd.f32 v27, v21  }
0x209: {  	v24 =	vmul.f32 v24, v24;
	v22 =	vadd.f32 v28, v22;
	v23 =	vadd.f32 v4, v23  }
0x20a: {  	s21 =	sadd.s32 $0x10, s21;
	v20 =	vadd.f32 v43, v0;
	v21 =	vadd.f32 v26, v21  }
0x20b: {  	v0 =	vadd.f32 v25, v22;
	v4 =	vadd.f32 v24, v23  }
0x20c: {  	v5 =	vadd.f32 v16, v6;
	v6 =	vadd.f32 v17, v7  }
0x20d: {  	v7 =	vadd.f32 v18, v8;
	v8 =	vadd.f32 v19, v9  }
0x20e: {  	v9 =	vadd.f32 v20, v12;
	v12 =	vadd.f32 v21, v13  }
0x20f: {  	v0 =	vadd.f32 v0, v14;
	v4 =	vadd.f32 v4, v15  }
0x210: {  	v5 =	vadd.f32 v9, v5;
	v6 =	vadd.f32 v12, v6  }
0x211: {  	v0 =	vadd.f32 v0, v7;
	v4 =	vadd.f32 v4, v8;
	_ =	sdelay $0x1  }
0x212: {  	v0 =	vadd.f32 v0, v5;
	v4 =	vadd.f32 v4, v6;
	_ =	sdelay $0x1  }
0x213: {  	vm1 =	vlt.s32 v11, v10;
	vm0 =	veq.f32 v4, v0  }
0x214: {  	vm2 =	vlt.f32 v4, v0;
	vm0 =	vmand vm1, vm0  }
0x215: {  	vm0 =	vmor vm2, vm0  }
0x216: {  	v0 =	vsel vm0, v11, v10  }
0x217: {  	v5 =	vld [tilespmem:$0x1FFF0];
	v0 =	vshll.u32 v0, $0x3  }
0x218: {  	v4 =	vor.u32 $0x1, v0;
	_ =	sdelay $0x1  }
0x219: {  	s20 =	simm.s32 $0xF  }
0x21a: {  	v6 =	vadd.s32 s20, v1  }
0x21b: {  	v8 =	vadd.s32 s20, v2;
	vm12 =	vgt.u32 v6, $0x7F;
	v7 =	vor.u32 $0x100, v5;
	v0 =	vld.idx.msk [tilespmem:v0+s11+$0x0], $0xffff  }
0x21c: {  	s31 =	simm.s32 $0xB;
	v6 =	vsel vm12, v8, v6;
	v9 =	vor.u32 $0x101, v5;
	v5 =	vor.u32 $0x1800, v3;
	v4 =	vld.idx.msk [tilespmem:v4+s11+$0x0], $0xffff  }
0x21d: {  	v12 =	vadd.s32 s31, v1;
	v6 =	vadd.s32 v5, v6  }
0x21e: {  	s21 =	simm.s32 $0xC;
	v13 =	vadd.s32 s31, v2;
	vm4 =	vgt.u32 v12, $0x7F  }
0x21f: {  	s29 =	simm.s32 $0x9;
	v16 =	vadd.s32 s21, v2;
	v12 =	vsel vm4, v13, v12  }
0x220: {  	v15 =	vadd.s32 s21, v1;
	v12 =	vadd.s32 v5, v12;
	[tilespmem:v7+s17+$0x0] =	vst.idx.msk $0xffff, v0;
	v7 =	vadd.s32 s29, v1  }
0x221: {  	vm5 =	vgt.u32 v15, $0x7F;
	[tilespmem:v9+s17+$0x0] =	vst.idx.msk $0xffff, v4;
	vm14 =	vgt.u32 v7, $0x7F;
	v4 =	vadd.s32 s29, v2  }
0x222: {  	s22 =	simm.s32 $0xD;
	v15 =	vsel vm5, v16, v15;
	v4 =	vsel vm14, v4, v7;
	v7 =	vld.idx.msk [tilespmem:v6+s12+$0x0], $0xffff  }
0x223: {  	v18 =	vadd.s32 s22, v1;
	v15 =	vadd.s32 v5, v15;
	v9 =	vld.idx.msk [tilespmem:v6+s14+$0x0], $0xffff  }
0x224: {  	v19 =	vadd.s32 s22, v2;
	vm6 =	vgt.u32 v18, $0x7F;
	v6 =	vld.idx.msk [tilespmem:v6+s15+$0x0], $0xffff  }
0x225: {  	s23 =	simm.s32 $0xE;
	v18 =	vsel vm6, v19, v18;
	v20 =	vld.idx.msk [tilespmem:v12+s12+$0x0], $0xffff  }
0x226: {  	v21 =	vadd.s32 s23, v1;
	v18 =	vadd.s32 v5, v18;
	v19 =	vld.idx.msk [tilespmem:v12+s14+$0x0], $0xffff  }
0x227: {  	v22 =	vadd.s32 s23, v2;
	vm7 =	vgt.u32 v21, $0x7F;
	v12 =	vld.idx.msk [tilespmem:v12+s15+$0x0], $0xffff  }
0x228: {  	s24 =	simm.s32 $0x0;
	v21 =	vsel vm7, v22, v21;
	v23 =	vld.idx.msk [tilespmem:v15+s12+$0x0], $0xffff  }
0x229: {  	v22 =	vadd.s32 s24, v1;
	v21 =	vadd.s32 v5, v21;
	v24 =	vld.idx.msk [tilespmem:v15+s14+$0x0], $0xffff  }
0x22a: {  	v25 =	vadd.s32 s24, v2;
	vm8 =	vgt.u32 v22, $0x7F;
	v15 =	vld.idx.msk [tilespmem:v15+s15+$0x0], $0xffff  }
0x22b: {  	s25 =	simm.s32 $0x1;
	v22 =	vsel vm8, v25, v22;
	v25 =	vld.idx.msk [tilespmem:v18+s12+$0x0], $0xffff  }
0x22c: {  	v26 =	vadd.s32 s25, v1;
	v22 =	vadd.s32 v5, v22;
	v27 =	vld.idx.msk [tilespmem:v18+s14+$0x0], $0xffff  }
0x22d: {  	v28 =	vadd.s32 s25, v2;
	vm9 =	vgt.u32 v26, $0x7F;
	v18 =	vld.idx.msk [tilespmem:v18+s15+$0x0], $0xffff  }
0x22e: {  	s26 =	simm.s32 $0x2;
	v26 =	vsel vm9, v28, v26;
	v48 =	vld.idx.msk [tilespmem:v21+s12+$0x0], $0xffff  }
0x22f: {  	v29 =	vadd.s32 s26, v1;
	v26 =	vadd.s32 v5, v26;
	v30 =	vld.idx.msk [tilespmem:v21+s14+$0x0], $0xffff  }
0x230: {  	s28 =	simm.s32 $0x8;
	v31 =	vadd.s32 s26, v2;
	vm10 =	vgt.u32 v29, $0x7F;
	v21 =	vld.idx.msk [tilespmem:v21+s15+$0x0], $0xffff  }
0x231: {  	v29 =	vsel vm10, v31, v29;
	v8 =	vadd.s32 s28, v1;
	v10 =	vadd.s32 s28, v2;
	s28 =	simm.s32 $0x3;
	v32 =	vld.idx.msk [tilespmem:v22+s12+$0x0], $0xffff  }
0x232: {  	v29 =	vadd.s32 v5, v29;
	v33 =	vadd.s32 s28, v1;
	v49 =	vld.idx.msk [tilespmem:v22+s14+$0x0], $0xffff  }
0x233: {  	v34 =	vadd.s32 s28, v2;
	vm11 =	vgt.u32 v33, $0x7F;
	v22 =	vld.idx.msk [tilespmem:v22+s15+$0x0], $0xffff  }
0x234: {  	vm13 =	vgt.u32 v8, $0x7F;
	v33 =	vsel vm11, v34, v33;
	v35 =	vld.idx.msk [tilespmem:v26+s12+$0x0], $0xffff  }
0x235: {  	v8 =	vsel vm13, v10, v8;
	v33 =	vadd.s32 v5, v33;
	v50 =	vld.idx.msk [tilespmem:v26+s14+$0x0], $0xffff  }
0x236: {  	v0 =	vadd.s32 v5, v8;
	v26 =	vld.idx.msk [tilespmem:v26+s15+$0x0], $0xffff  }
0x237: {  	v38 =	vld.idx.msk [tilespmem:v29+s12+$0x0], $0xffff  }
0x238: {  	s30 =	simm.s32 $0xA;
	v40 =	vld.idx.msk [tilespmem:v29+s14+$0x0], $0xffff  }
0x239: {  	v8 =	vadd.s32 s30, v1;
	v29 =	vld.idx.msk [tilespmem:v29+s15+$0x0], $0xffff;
	v4 =	vadd.s32 v5, v4  }
0x23a: {  	v10 =	vadd.s32 s30, v2;
	vm15 =	vgt.u32 v8, $0x7F;
	v52 =	vld.idx.msk [tilespmem:v33+s12+$0x0], $0xffff  }
0x23b: {  	v8 =	vsel vm15, v10, v8;
	v11 =	vld.idx.msk [tilespmem:v0+s12+$0x0], $0xffff  }
0x23c: {  	v8 =	vadd.s32 v5, v8;
	v10 =	vld.idx.msk [tilespmem:v0+s14+$0x0], $0xffff  }
0x23d: {  	s29 =	simm.s32 $0x4;
	v0 =	vld.idx.msk [tilespmem:v0+s15+$0x0], $0xffff  }
0x23e: {  	v56 =	vimm.f32 $0.0e+00;
	s30 =	simm.s32 $0x5;
	v36 =	vadd.s32 s29, v1;
	v14 =	vld.idx.msk [tilespmem:v4+s12+$0x0], $0xffff  }
0x23f: {  	v39 =	vadd.s32 s30, v1;
	v37 =	vadd.s32 s29, v2;
	vm12 =	vgt.u32 v36, $0x7F;
	v13 =	vld.idx.msk [tilespmem:v4+s14+$0x0], $0xffff  }
0x240: {  	s21 =	simm.s32 $0x6;
	v51 =	vadd.s32 s30, v2;
	vm13 =	vgt.u32 v39, $0x7F;
	v36 =	vsel vm12, v37, v36;
	v4 =	vld.idx.msk [tilespmem:v4+s15+$0x0], $0xffff  }
0x241: {  	v41 =	vadd.s32 s21, v2;
	v37 =	vsel vm13, v51, v39;
	v36 =	vadd.s32 v5, v36;
	v17 =	vld.idx.msk [tilespmem:v8+s12+$0x0], $0xffff  }
0x242: {  	s31 =	simm.s32 $0x7;
	v42 =	vadd.s32 s21, v1;
	v37 =	vadd.s32 v5, v37;
	v45 =	vsub.f32 v7, v9;
	v16 =	vld.idx.msk [tilespmem:v8+s14+$0x0], $0xffff  }
0x243: {  	v43 =	vadd.s32 s31, v2;
	v46 =	vsub.f32 v7, v6;
	v12 =	vsub.f32 v20, v12;
	v8 =	vld.idx.msk [tilespmem:v8+s15+$0x0], $0xffff  }
0x244: {  	v44 =	vadd.s32 s31, v1;
	v6 =	vld.idx.msk [tilespmem:v33+s15+$0x0], $0xffff;
	v15 =	vsub.f32 v23, v15;
	v27 =	vsub.f32 v25, v27  }
0x245: {  	vm14 =	vgt.u32 v42, $0x7F;
	v18 =	vsub.f32 v25, v18;
	v9 =	vsub.f32 v11, v10;
	v10 =	vld.idx.msk [tilespmem:v33+s14+$0x0], $0xffff  }
0x246: {  	v0 =	vsub.f32 v11, v0;
	v11 =	vld.idx.msk [tilespmem:v36+s12+$0x0], $0xffff;
	v7 =	vsub.f32 v14, v13;
	v13 =	vsel vm14, v41, v42  }
0x247: {  	v30 =	vsub.f32 v48, v30;
	v25 =	vld.idx.msk [tilespmem:v37+s14+$0x0], $0xffff;
	v4 =	vsub.f32 v14, v4;
	v13 =	vadd.s32 v5, v13  }
0x248: {  	vm15 =	vgt.u32 v44, $0x7F;
	v53 =	vld.idx.msk [tilespmem:v37+s15+$0x0], $0xffff;
	v14 =	vsub.f32 v17, v16;
	v8 =	vsub.f32 v17, v8  }
0x249: {  	v16 =	vld.idx.msk [tilespmem:v36+s14+$0x0], $0xffff;
	v17 =	vsub.f32 v20, v19;
	v20 =	vsub.f32 v23, v24;
	v24 =	vsel vm15, v43, v44  }
0x24a: {  	v31 =	vsub.f32 v32, v49;
	v21 =	vsub.f32 v48, v21;
	v19 =	vld.idx.msk [tilespmem:v36+s15+$0x0], $0xffff;
	v24 =	vadd.s32 v5, v24  }
0x24b: {  	v22 =	vsub.f32 v32, v22;
	v61 =	vmul.f32 v12, v12;
	v62 =	vmul.f32 v15, v15;
	v23 =	vld.idx.msk [tilespmem:v37+s12+$0x0], $0xffff  }
0x24c: {  	v29 =	vsub.f32 v38, v29;
	v27 =	vmul.f32 v27, v27;
	v63 =	vmul.f32 v18, v18;
	v55 =	vld.idx.msk [tilespmem:v13+s12+$0x0], $0xffff  }
0x24d: {  	v54 =	vsub.f32 v35, v50;
	v30 =	vmul.f32 v30, v30;
	v12 =	vmul.f32 v22, v22;
	v58 =	vld.idx.msk [tilespmem:v13+s14+$0x0], $0xffff  }
0x24e: {  	v26 =	vsub.f32 v35, v26;
	v22 =	vmul.f32 v29, v29;
	v21 =	vmul.f32 v21, v21;
	v13 =	vld.idx.msk [tilespmem:v13+s15+$0x0], $0xffff  }
0x24f: {  	v59 =	vsub.f32 v52, v6;
	v6 =	vmul.f32 v9, v9;
	v10 =	vsub.f32 v52, v10;
	v9 =	vld.idx.msk [tilespmem:v24+s12+$0x0], $0xffff  }
0x250: {  	v60 =	vmul.f32 v7, v7;
	v16 =	vsub.f32 v11, v16;
	v11 =	vsub.f32 v11, v19;
	v7 =	vld.idx.msk [tilespmem:v24+s14+$0x0], $0xffff  }
0x251: {  	v19 =	vld.idx.msk [tilespmem:v24+s15+$0x0], $0xffff;
	v24 =	vsub.f32 v23, v25;
	v25 =	vmul.f32 v8, v8;
	v8 =	vmul.f32 v31, v31  }
0x252: {  	v57 =	vsub.f32 v38, v40;
	v0 =	vmul.f32 v0, v0;
	v10 =	vmul.f32 v10, v10  }
0x253: {  	v4 =	vmul.f32 v4, v4;
	v14 =	vmul.f32 v14, v14;
	v8 =	vadd.f32 v8, v56  }
0x254: {  	v17 =	vmul.f32 v17, v17;
	v23 =	vsub.f32 v23, v53;
	v10 =	vadd.f32 v10, v56  }
0x255: {  	v6 =	vadd.f32 v6, v8;
	v32 =	vsub.f32 v55, v13;
	v13 =	vmul.f32 v26, v26  }
0x256: {  	v18 =	vsub.f32 v9, v7;
	v7 =	vmul.f32 v54, v54;
	v19 =	vsub.f32 v9, v19  }
0x257: {  	v20 =	vmul.f32 v20, v20;
	v9 =	vadd.f32 v12, v56;
	v13 =	vadd.f32 v13, v56  }
0x258: {  	v36 =	vsub.f32 v55, v58;
	v12 =	vmul.f32 v57, v57;
	v15 =	vadd.f32 v7, v56  }
0x259: {  	v7 =	vadd.f32 v0, v9;
	v0 =	vmul.f32 v59, v59;
	v9 =	vadd.f32 v4, v13  }
0x25a: {  	v16 =	vmul.f32 v16, v16;
	v4 =	vadd.f32 v12, v56;
	v13 =	vadd.f32 v22, v56  }
0x25b: {  	v11 =	vmul.f32 v11, v11;
	v8 =	vadd.f32 v60, v15;
	v0 =	vadd.f32 v0, v56  }
0x25c: {  	v22 =	vmul.f32 v24, v24;
	v12 =	vadd.f32 v14, v4;
	v13 =	vadd.f32 v25, v13  }
0x25d: {  	v4 =	vmul.f32 v23, v23;
	v14 =	vadd.f32 v17, v10;
	v15 =	vadd.f32 v61, v0  }
0x25e: {  	v24 =	vmul.f32 v18, v18;
	v0 =	vadd.f32 v16, v56;
	v10 =	vadd.f32 v11, v56  }
0x25f: {  	v22 =	vadd.f32 v22, v56;
	v23 =	vmul.f32 v32, v32;
	v4 =	vadd.f32 v4, v56  }
0x260: {  	v11 =	vmul.f32 v36, v36;
	v16 =	vadd.f32 v20, v0;
	v17 =	vadd.f32 v62, v10  }
0x261: {  	v0 =	vmul.f32 v19, v19;
	v18 =	vadd.f32 v27, v22;
	v26 =	vadd.f32 v23, v56  }
0x262: {  	v25 =	vmul.f32 v45, v45;
	v19 =	vadd.f32 v63, v4;
	v4 =	vadd.f32 v11, v56  }
0x263: {  	v10 =	vld [tilespmem:$0x30];
	v22 =	vadd.f32 v24, v56;
	v24 =	vmul.f32 v46, v46;
	v23 =	vadd.f32 v0, v56  }
0x264: {  	s21 =	simm.s32 $0x1F;
	s20 =	simm.s32 $0x0;
	v11 =	vld [tilespmem:$0x70];
	v21 =	vadd.f32 v21, v26;
	v20 =	vadd.f32 v30, v4  }
.LBB2_8:
0x265: {  	v0 =	vadd.s32 s21, v1;
	v22 =	vadd.f32 v25, v22;
	v23 =	vadd.f32 v24, v23  }
0x266: {  	v4 =	vadd.s32 s21, v2;
	vm0 =	vgt.u32 v0, $0x7F  }
0x267: {  	s22 =	sadd.s32 $0xFFFFFFF9, s21;
	v0 =	vsel vm0, v4, v0  }
0x268: {  	v4 =	vadd.s32 s22, v1;
	v0 =	vadd.s32 v5, v0  }
0x269: {  	v24 =	vadd.s32 s22, v2;
	vm0 =	vgt.u32 v4, $0x7F  }
0x26a: {  	s22 =	sadd.s32 $0xFFFFFFFA, s21;
	v4 =	vsel vm0, v24, v4  }
0x26b: {  	v24 =	vadd.s32 s22, v1;
	v4 =	vadd.s32 v5, v4  }
0x26c: {  	v25 =	vadd.s32 s22, v2;
	vm0 =	vgt.u32 v24, $0x7F  }
0x26d: {  	s22 =	sadd.s32 $0xFFFFFFFB, s21;
	v25 =	vsel vm0, v25, v24;
	v24 =	vld.idx.msk [tilespmem:v0+s12+$0x0], $0xffff  }
0x26e: {  	v28 =	vadd.s32 s22, v1;
	v30 =	vadd.s32 v5, v25;
	v27 =	vld.idx.msk [tilespmem:v0+s14+$0x0], $0xffff  }
0x26f: {  	v29 =	vadd.s32 s22, v2;
	vm0 =	vgt.u32 v28, $0x7F;
	v26 =	vld.idx.msk [tilespmem:v0+s15+$0x0], $0xffff  }
0x270: {  	s22 =	sadd.s32 $0xFFFFFFFC, s21;
	v0 =	vsel vm0, v29, v28;
	v25 =	vld.idx.msk [tilespmem:v4+s12+$0x0], $0xffff  }
0x271: {  	v32 =	vadd.s32 s22, v1;
	v0 =	vadd.s32 v5, v0;
	v31 =	vld.idx.msk [tilespmem:v4+s14+$0x0], $0xffff  }
0x272: {  	vm0 =	vgt.u32 v32, $0x7F;
	v29 =	vld.idx.msk [tilespmem:v4+s15+$0x0], $0xffff;
	v4 =	vadd.s32 s22, v2  }
0x273: {  	s22 =	sadd.s32 $0xFFFFFFFD, s21;
	v28 =	vld.idx.msk [tilespmem:v30+s12+$0x0], $0xffff;
	v4 =	vsel vm0, v4, v32  }
0x274: {  	v33 =	vadd.s32 s22, v1;
	v32 =	vld.idx.msk [tilespmem:v30+s14+$0x0], $0xffff;
	v4 =	vadd.s32 v5, v4  }
0x275: {  	v34 =	vadd.s32 s22, v2;
	vm0 =	vgt.u32 v33, $0x7F;
	v30 =	vld.idx.msk [tilespmem:v30+s15+$0x0], $0xffff  }
0x276: {  	s22 =	sadd.s32 $0xFFFFFFFE, s21;
	v33 =	vsel vm0, v34, v33;
	v35 =	vld.idx.msk [tilespmem:v0+s12+$0x0], $0xffff  }
0x277: {  	v36 =	vadd.s32 s22, v1;
	v33 =	vadd.s32 v5, v33;
	v34 =	vld.idx.msk [tilespmem:v0+s14+$0x0], $0xffff  }
0x278: {  	v37 =	vadd.s32 s22, v2;
	vm0 =	vgt.u32 v36, $0x7F;
	v0 =	vld.idx.msk [tilespmem:v0+s15+$0x0], $0xffff  }
0x279: {  	s22 =	sadd.s32 $0xFFFFFFFF, s21;
	v36 =	vsel vm0, v37, v36;
	v38 =	vld.idx.msk [tilespmem:v4+s12+$0x0], $0xffff  }
0x27a: {  	v39 =	vadd.s32 s22, v1;
	v36 =	vadd.s32 v5, v36;
	v37 =	vld.idx.msk [tilespmem:v4+s14+$0x0], $0xffff  }
0x27b: {  	v40 =	vadd.s32 s22, v2;
	vm0 =	vgt.u32 v39, $0x7F;
	v4 =	vld.idx.msk [tilespmem:v4+s15+$0x0], $0xffff  }
0x27c: {  	s22 =	sadd.s32 $0xFFFFFFF1, s21;
	v39 =	vsel vm0, v40, v39;
	v41 =	vld.idx.msk [tilespmem:v33+s12+$0x0], $0xffff  }
0x27d: {  	v40 =	vadd.s32 s22, v1;
	v39 =	vadd.s32 v5, v39;
	v42 =	vld.idx.msk [tilespmem:v33+s14+$0x0], $0xffff  }
0x27e: {  	v43 =	vadd.s32 s22, v2;
	vm0 =	vgt.u32 v40, $0x7F;
	v33 =	vld.idx.msk [tilespmem:v33+s15+$0x0], $0xffff  }
0x27f: {  	s22 =	sadd.s32 $0xFFFFFFF2, s21;
	v40 =	vsel vm0, v43, v40;
	v43 =	vld.idx.msk [tilespmem:v36+s12+$0x0], $0xffff  }
0x280: {  	v44 =	vadd.s32 s22, v1;
	v40 =	vadd.s32 v5, v40;
	v45 =	vld.idx.msk [tilespmem:v36+s14+$0x0], $0xffff  }
0x281: {  	v46 =	vadd.s32 s22, v2;
	vm0 =	vgt.u32 v44, $0x7F;
	v36 =	vld.idx.msk [tilespmem:v36+s15+$0x0], $0xffff  }
0x282: {  	s22 =	sadd.s32 $0xFFFFFFF3, s21;
	v44 =	vsel vm0, v46, v44;
	v46 =	vld.idx.msk [tilespmem:v39+s12+$0x0], $0xffff  }
0x283: {  	v47 =	vadd.s32 s22, v1;
	v44 =	vadd.s32 v5, v44;
	v48 =	vld.idx.msk [tilespmem:v39+s14+$0x0], $0xffff  }
0x284: {  	v49 =	vadd.s32 s22, v2;
	vm0 =	vgt.u32 v47, $0x7F;
	v39 =	vld.idx.msk [tilespmem:v39+s15+$0x0], $0xffff  }
0x285: {  	s22 =	sadd.s32 $0xFFFFFFF4, s21;
	v47 =	vsel vm0, v49, v47;
	v50 =	vld.idx.msk [tilespmem:v40+s12+$0x0], $0xffff  }
0x286: {  	v51 =	vadd.s32 s22, v1;
	v47 =	vadd.s32 v5, v47;
	v49 =	vld.idx.msk [tilespmem:v40+s14+$0x0], $0xffff  }
0x287: {  	v52 =	vadd.s32 s22, v2;
	vm0 =	vgt.u32 v51, $0x7F;
	v40 =	vld.idx.msk [tilespmem:v40+s15+$0x0], $0xffff  }
0x288: {  	s22 =	sadd.s32 $0xFFFFFFF5, s21;
	v51 =	vsel vm0, v52, v51;
	v53 =	vld.idx.msk [tilespmem:v44+s12+$0x0], $0xffff  }
0x289: {  	v54 =	vadd.s32 s22, v1;
	v51 =	vadd.s32 v5, v51;
	v52 =	vld.idx.msk [tilespmem:v44+s14+$0x0], $0xffff  }
0x28a: {  	v55 =	vadd.s32 s22, v2;
	s22 =	sadd.s32 $0xFFFFFFF6, s21;
	vm0 =	vgt.u32 v54, $0x7F;
	v44 =	vld.idx.msk [tilespmem:v44+s15+$0x0], $0xffff  }
0x28b: {  	s23 =	sadd.s32 $0xFFFFFFF7, s21;
	v54 =	vsel vm0, v55, v54;
	v55 =	vadd.s32 s22, v2;
	v56 =	vld.idx.msk [tilespmem:v47+s12+$0x0], $0xffff  }
0x28c: {  	v59 =	vadd.s32 s23, v2;
	v58 =	vadd.s32 s22, v1;
	s22 =	sadd.s32 $0xFFFFFFF8, s21;
	v54 =	vadd.s32 v5, v54;
	v57 =	vld.idx.msk [tilespmem:v47+s14+$0x0], $0xffff  }
0x28d: {  	v60 =	vadd.s32 s23, v1;
	vm0 =	vgt.u32 v58, $0x7F;
	v61 =	vadd.s32 s22, v2;
	v47 =	vld.idx.msk [tilespmem:v47+s15+$0x0], $0xffff  }
0x28e: {  	v27 =	vsub.f32 v24, v27;
	v55 =	vsel vm0, v55, v58;
	v58 =	vadd.s32 s22, v1;
	v62 =	vld.idx.msk [tilespmem:v51+s12+$0x0], $0xffff  }
0x28f: {  	v24 =	vsub.f32 v24, v26;
	v31 =	vsub.f32 v25, v31;
	v55 =	vadd.s32 v5, v55;
	v63 =	vld.idx.msk [tilespmem:v51+s14+$0x0], $0xffff  }
0x290: {  	v29 =	vsub.f32 v25, v29;
	v32 =	vsub.f32 v28, v32;
	vm0 =	vgt.u32 v60, $0x7F;
	v26 =	vld.idx.msk [tilespmem:v51+s15+$0x0], $0xffff  }
0x291: {  	v28 =	vsub.f32 v28, v30;
	v30 =	vsub.f32 v35, v34;
	v25 =	vsel vm0, v59, v60;
	v51 =	vld.idx.msk [tilespmem:v54+s12+$0x0], $0xffff  }
0x292: {  	v0 =	vsub.f32 v35, v0;
	v35 =	vsub.f32 v38, v37;
	v25 =	vadd.s32 v5, v25;
	v34 =	vld.idx.msk [tilespmem:v54+s14+$0x0], $0xffff  }
0x293: {  	vm0 =	vgt.u32 v58, $0x7F;
	v4 =	vsub.f32 v38, v4;
	v38 =	vsub.f32 v41, v42;
	v37 =	vld.idx.msk [tilespmem:v54+s15+$0x0], $0xffff  }
0x294: {  	v33 =	vsub.f32 v41, v33;
	v41 =	vsub.f32 v43, v45;
	v54 =	vsel vm0, v61, v58;
	v42 =	vld.idx.msk [tilespmem:v55+s12+$0x0], $0xffff  }
0x295: {  	v36 =	vsub.f32 v43, v36;
	v43 =	vsub.f32 v46, v48;
	v54 =	vadd.s32 v5, v54;
	v45 =	vld.idx.msk [tilespmem:v55+s14+$0x0], $0xffff  }
0x296: {  	v39 =	vsub.f32 v46, v39;
	v48 =	vsub.f32 v50, v49;
	v49 =	vld.idx.msk [tilespmem:v55+s15+$0x0], $0xffff  }
0x297: {  	v40 =	vsub.f32 v50, v40;
	v46 =	vsub.f32 v53, v52;
	v50 =	vld.idx.msk [tilespmem:v25+s12+$0x0], $0xffff  }
0x298: {  	v44 =	vsub.f32 v53, v44;
	v52 =	vsub.f32 v56, v57;
	v53 =	vld.idx.msk [tilespmem:v25+s14+$0x0], $0xffff  }
0x299: {  	v47 =	vsub.f32 v56, v47;
	v55 =	vsub.f32 v62, v63;
	v56 =	vld.idx.msk [tilespmem:v25+s15+$0x0], $0xffff  }
0x29a: {  	v31 =	vmul.f32 v31, v31;
	v26 =	vsub.f32 v62, v26;
	v25 =	vmul.f32 v27, v27;
	v57 =	vld.idx.msk [tilespmem:v54+s12+$0x0], $0xffff  }
0x29b: {  	v29 =	vmul.f32 v29, v29;
	v32 =	vmul.f32 v32, v32;
	v27 =	vsub.f32 v51, v34;
	v34 =	vld.idx.msk [tilespmem:v54+s14+$0x0], $0xffff  }
0x29c: {  	v28 =	vmul.f32 v28, v28;
	v30 =	vmul.f32 v30, v30;
	v37 =	vsub.f32 v51, v37;
	v51 =	vld.idx.msk [tilespmem:v54+s15+$0x0], $0xffff  }
0x29d: {  	s20 =	sadd.s32 $0x2, s20;
	v0 =	vmul.f32 v0, v0;
	v35 =	vmul.f32 v35, v35;
	v45 =	vsub.f32 v42, v45  }
0x29e: {  	p0 =	slt.u32 s20, $0xE;
	v4 =	vmul.f32 v4, v4;
	v38 =	vmul.f32 v38, v38;
	v42 =	vsub.f32 v42, v49  }
0x29f: {  	v33 =	vmul.f32 v33, v33;
	v41 =	vmul.f32 v41, v41;
	v49 =	vsub.f32 v50, v53  }
0x2a0: {  	v36 =	vmul.f32 v36, v36;
	v43 =	vmul.f32 v43, v43;
	v50 =	vsub.f32 v50, v56  }
0x2a1: {  	v48 =	vmul.f32 v48, v48;
	v40 =	vmul.f32 v40, v40;
	v34 =	vsub.f32 v57, v34  }
0x2a2: {  	v46 =	vmul.f32 v46, v46;
	v44 =	vmul.f32 v44, v44;
	v51 =	vsub.f32 v57, v51  }
0x2a3: {  	v6 =	vadd.f32 v48, v6;
	v7 =	vadd.f32 v40, v7;
	v40 =	vmul.f32 v52, v52  }
0x2a4: {  	v8 =	vadd.f32 v46, v8;
	v9 =	vadd.f32 v44, v9;
	v44 =	vmul.f32 v47, v47  }
0x2a5: {  	v6 =	vadd.f32 v31, v6;
	v7 =	vadd.f32 v29, v7;
	v46 =	vmul.f32 v55, v55  }
0x2a6: {  	v8 =	vadd.f32 v32, v8;
	v9 =	vadd.f32 v28, v9;
	v26 =	vmul.f32 v26, v26  }
0x2a7: {  	v12 =	vadd.f32 v40, v12;
	v13 =	vadd.f32 v44, v13;
	v27 =	vmul.f32 v27, v27  }
0x2a8: {  	v15 =	vadd.f32 v26, v15;
	v14 =	vadd.f32 v46, v14;
	v26 =	vmul.f32 v37, v37  }
0x2a9: {  	v12 =	vadd.f32 v30, v12;
	v13 =	vadd.f32 v0, v13;
	v28 =	vmul.f32 v45, v45  }
0x2aa: {  	v15 =	vadd.f32 v4, v15;
	v14 =	vadd.f32 v35, v14;
	v0 =	vmul.f32 v42, v42  }
0x2ab: {  	v17 =	vadd.f32 v26, v17;
	v4 =	vadd.f32 v27, v16;
	v26 =	vmul.f32 v49, v49  }
0x2ac: {  	v18 =	vadd.f32 v28, v18;
	v0 =	vadd.f32 v0, v19;
	v27 =	vmul.f32 v50, v50  }
.Ltmp3:
0x2ad: {  	v17 =	vadd.f32 v33, v17;
	v16 =	vadd.f32 v38, v4;
	v28 =	vmul.f32 v34, v34;
	(pc) =	sbr.rel @p0 .LBB2_8-.Ltmp3, $4  }
0x2ae: {  	v18 =	vadd.f32 v41, v18;
	v19 =	vadd.f32 v36, v0;
	v4 =	vmul.f32 v51, v51  }
0x2af: {  	v0 =	vadd.f32 v26, v20;
	v26 =	vmul.f32 v39, v39;
	v21 =	vadd.f32 v27, v21  }
0x2b0: {  	v24 =	vmul.f32 v24, v24;
	v22 =	vadd.f32 v28, v22;
	v23 =	vadd.f32 v4, v23  }
0x2b1: {  	s21 =	sadd.s32 $0x10, s21;
	v20 =	vadd.f32 v43, v0;
	v21 =	vadd.f32 v26, v21  }
0x2b2: {  	v0 =	vadd.f32 v25, v22;
	v4 =	vadd.f32 v24, v23  }
0x2b3: {  	v5 =	vadd.f32 v16, v6;
	v58 =	vadd.f32 v17, v7  }
0x2b4: {  	v59 =	vadd.f32 v18, v8;
	v60 =	vadd.f32 v19, v9  }
0x2b5: {  	v61 =	vadd.f32 v20, v12;
	v62 =	vadd.f32 v21, v13  }
0x2b6: {  	v0 =	vadd.f32 v0, v14;
	v4 =	vadd.f32 v4, v15  }
0x2b7: {  	v5 =	vadd.f32 v61, v5;
	v6 =	vadd.f32 v62, v58  }
0x2b8: {  	v0 =	vadd.f32 v0, v59;
	v4 =	vadd.f32 v4, v60;
	_ =	sdelay $0x1  }
0x2b9: {  	v0 =	vadd.f32 v0, v5;
	v4 =	vadd.f32 v4, v6;
	_ =	sdelay $0x1  }
0x2ba: {  	vm1 =	vlt.s32 v11, v10;
	vm0 =	veq.f32 v4, v0  }
0x2bb: {  	vm2 =	vlt.f32 v4, v0;
	vm0 =	vmand vm1, vm0  }
0x2bc: {  	vm0 =	vmor vm2, vm0  }
0x2bd: {  	v0 =	vsel vm0, v11, v10  }
0x2be: {  	v63 =	vld [tilespmem:$0x1FFF0];
	v0 =	vshll.u32 v0, $0x3  }
0x2bf: {  	v4 =	vor.u32 $0x1, v0;
	_ =	sdelay $0x3  }
0x2c0: {  	v5 =	vor.u32 $0x180, v63;
	v0 =	vld.idx.msk [tilespmem:v0+s11+$0x0], $0xffff  }
0x2c1: {  	v6 =	vor.u32 $0x181, v63;
	v4 =	vld.idx.msk [tilespmem:v4+s11+$0x0], $0xffff;
	_ =	sdelay $0x2  }
0x2c2: {  	s19 =	sadd.s32 $0x1, s19  }
0x2c3: {  	p0 =	sne.s32 s19, s9;
	[tilespmem:v5+s17+$0x0] =	vst.idx.msk $0xffff, v0  }
.Ltmp4:
0x2c4: {  	[tilespmem:v6+s17+$0x0] =	vst.idx.msk $0xffff, v4;
	(pc) =	sbr.rel @p0 .LBB2_1-.Ltmp4, $4  }
0x2c5: {  	[hbm4b:s8+s3] =	stream.linear.scatter [tilespmem:s17], [sflag:$0x3], $0x200, $0x38;
	[tilespmem:$0x8280] =	vst v63  }
0x2c6: {  	_ =	swait.ge [sflag:s18], $0x200  }
0x2c7: {  	[sflag:s18] =	ssyncset.done $0x0  }
0x2c8: {  	[sflag:s18] =	ssyncadd.s32 $0xFFFFFE00  }
0x2c9: {  	_ =	sfence.sel $0x180000  }
0x2ca: {  	[bflag:$0x0] =	sbarrier.arrive $0xFFFF  }
0x2cb: {  	p0 =	sne.s32 s2, $0x0;
	_ =	strace $0x90000047  }
0x2cc: {  	s0 =	sadd.s32 @!p0 $0x100000, s0;
	[bflag:$0x2] =	sbarrier.arrive $0xFFFF  }
0x2cd: {  	[sflag:s0] =	ssyncadd.tile.s32 @!p0 $0x1;
	_ =	shalt  }
.Lfunc_end2:
_tile_overlayer_lowered:
.L_overlay_start_2:
0x2ce: {  	(tag) =	ssettag $0x2  }
0x2cf: {  	s0 =	rddreg [dreg:$0x0];
	s2 =	stileid.u32  }
0x2d0: {  	s1 =	rddreg [dreg:$0x1];
	p0 =	sne.s32 s2, $0x0  }
0x2d1: {  	s3 =	rddreg [dreg:$0x2];
	[bflag:$0x3] =	sbarrier.arrive $0xFFFF;
	s2 =	simm.s32 @!p0 $0x1C03  }
0x2d2: {  	[timem:s3], [sflag:s2] =	dma.local @!p0 [hbm:s0], s1  }
0x2d3: {  	s0 =	simm.s32 @!p0 $0x3  }
0x2d4: {  	_ =	swait.ge @!p0 [sflag:s0], s1  }
0x2d5: {  	s1 =	ssub.s32 @!p0 $0x0, s1;
	[sflag:s0] =	ssyncset.done @!p0 $0x0  }
0x2d6: {  	[sflag:s0] =	ssyncadd.s32 @!p0 s1  }
0x2d7: {  	[bflag:$0x3] =	sbarrier.arrive $0xFFFF  }
0x2d8: {  	_ =	shalt  }

</sc_bundles>
